<compile_context>
chip_gen: v7x
topology: tpu7x:2x2x1
jax: 0.10.2.dev20260603
libtpu: 0.0.44.dev20260713+nightly
codegen_flags: <defaults>
</compile_context>

<pallas_src>
import functools

import jax
import jax.numpy as jnp
from jax import lax
from jax.experimental import pallas as pl
from jax.experimental.pallas import tpu as pltpu
from jax.experimental.pallas import tpu_sc as plsc

B = 16384
EMB = 32
N_TAB = 4
HID = 256
OUT = 20
SCENE = 20

NC, NS = 2, 16
NW = NC * NS
BPW = B // NW
CHUNK = 128
JPT = BPW // CHUNK


TAB_ROWS = 86 + 86 + 24 + 8
TAB_OFFS = (0, 86, 172, 196)


def _sc_gather(kid_r, vid_r, mid_r, sid_r, ctab):
    mesh = plsc.VectorSubcoreMesh(core_axis_name="c", subcore_axis_name="s")

    @functools.partial(
        pl.kernel,
        mesh=mesh,
        compiler_params=pltpu.CompilerParams(use_tc_tiling_on_sc=False),
        out_type=jax.ShapeDtypeStruct((B, N_TAB * EMB), jnp.float32),
        scratch_types=[
            pltpu.VMEM((N_TAB, JPT, CHUNK), jnp.int32),
            pltpu.VMEM((N_TAB * BPW, EMB), jnp.float32),
            pltpu.VMEM_SHARED((TAB_ROWS, EMB), jnp.float32),
            pltpu.SemaphoreType.DMA,
            pltpu.SemaphoreType.DMA,
            pltpu.SemaphoreType.DMA,
        ],
    )
    def k(kid_h, vid_h, mid_h, sid_h, ctab_h, out_h,
          idx_v, rows_v, ctab_s, sem_i, sem_g, sem_o):
        sid_ax = lax.axis_index("s")
        wid = sid_ax * NC + lax.axis_index("c")
        base = wid * BPW
        ids = (kid_h, vid_h, mid_h, sid_h)
        cps = [
            pltpu.async_copy(ids[t].at[wid], idx_v.at[t], sem_i)
            for t in range(N_TAB)
        ]
        @pl.when(sid_ax == 0)
        def _stage_tables():
            pltpu.sync_copy(ctab_h, ctab_s)
        for cp in cps:
            cp.wait()
        for t in range(1, N_TAB):
            for j in range(JPT):
                for m in range(CHUNK // 16):
                    sl = (t, j, pl.ds(16 * m, 16))
                    idx_v[sl] = idx_v[sl] + TAB_OFFS[t]
        plsc.subcore_barrier()
        cps = [
            [
                pltpu.async_copy(
                    ctab_s.at[idx_v.at[t, j]],
                    rows_v.at[pl.ds(BPW * t + CHUNK * j, CHUNK)],
                    sem_g,
                )
                for j in range(JPT)
            ]
            for t in range(N_TAB)
        ]
        wbs = []
        for t in range(N_TAB):
            for cp in cps[t]:
                cp.wait()
            wbs.append(
                pltpu.async_copy(
                    rows_v.at[pl.ds(BPW * t, BPW)],
                    out_h.at[pl.ds(base, BPW), pl.ds(EMB * t, EMB)],
                    sem_o,
                )
            )
        for cp in wbs:
            cp.wait()

    return k(kid_r, vid_r, mid_r, sid_r, ctab)


def _dot(a, b, dims):
    return lax.dot_general(a, b, dimension_numbers=(dims, ((), ())),
                           preferred_element_type=jnp.float32)


def _mlp_body(g_ref, scT_ref, w1T_ref, b1_ref, w2T_ref, b2_ref, o_ref):
    hT = _dot(w1T_ref[:, pl.ds(0, N_TAB * EMB)], g_ref[...], ((1,), (1,)))
    hT += _dot(w1T_ref[:, pl.ds(N_TAB * EMB, SCENE)], scT_ref[...], ((1,), (0,)))
    hT = jnp.maximum(hT + b1_ref[...], 0.0)
    o_ref[...] = _dot(w2T_ref[...], hT, ((1,), (0,))) + b2_ref[...]


def _mlp_t(g, sceneT, w1T, b1c, w2T, b2c, blk=4096):
    grid = B // blk
    outT = pl.pallas_call(
        _mlp_body,
        grid=(grid,),
        in_specs=[
            pl.BlockSpec((blk, N_TAB * EMB), lambda i: (i, 0)),
            pl.BlockSpec((SCENE, blk), lambda i: (0, i)),
            pl.BlockSpec((HID, N_TAB * EMB + SCENE), lambda i: (0, 0)),
            pl.BlockSpec((HID, 1), lambda i: (0, 0)),
            pl.BlockSpec((OUT, HID), lambda i: (0, 0)),
            pl.BlockSpec((OUT, 1), lambda i: (0, 0)),
        ],
        out_specs=pl.BlockSpec((OUT, blk), lambda i: (0, i)),
        out_shape=jax.ShapeDtypeStruct((OUT, B), jnp.float32),
    )(g, sceneT, w1T, b1c, w2T, b2c)
    return outT


def kernel(killer_id, victim_id, move_id, stage_id, scene_tags,
           killer_table, victim_table, move_table, stage_table,
           W1, b1, W2, b2):
    ids_r = [i.reshape(NW, JPT, CHUNK) for i in
             (killer_id, victim_id, move_id, stage_id)]
    ctab = jnp.concatenate(
        [killer_table, victim_table, move_table, stage_table], axis=0
    )
    g = _sc_gather(*ids_r, ctab)
    outT = _mlp_t(g, scene_tags.T, W1.T, b1.reshape(HID, 1),
                  W2.T, b2.reshape(OUT, 1))
    return outT.T

# --- scband reference (transcript-rebuilt; emitter-appended) ---
"""Pipeline reference for scband-metadata-model-50981261803884 (READ-ONLY COPY).

The authoritative reference and input builder live on the scoring server;
editing this copy changes nothing except your own understanding.
"""

import jax, jax.numpy as jnp
import numpy as np

B = 16384
OUT = 20
HID = 256
EMB_IN = 128 + 20  # task A includes scene_tags


def setup_inputs(seed: int = 0) -> dict:
    key = jax.random.key(seed)
    ks = jax.random.split(key, 16)
    killer_id = jax.random.randint(ks[0], (B,), 0, 86)
    victim_id = jax.random.randint(ks[1], (B,), 0, 86)
    move_id = jax.random.randint(ks[2], (B,), 0, 24)
    stage_id = jax.random.randint(ks[3], (B,), 0, 8)
    scene_tags = jax.random.normal(ks[4], (B, 20), dtype=jnp.float32)
    killer_table = jax.random.normal(ks[5], (86, 32), dtype=jnp.float32) * 0.02
    victim_table = jax.random.normal(ks[6], (86, 32), dtype=jnp.float32) * 0.02
    move_table = jax.random.normal(ks[7], (24, 32), dtype=jnp.float32) * 0.02
    stage_table = jax.random.normal(ks[8], (8, 32), dtype=jnp.float32) * 0.02
    W1 = jax.random.normal(ks[9], (EMB_IN, HID), dtype=jnp.float32) * (1.0 / np.sqrt(EMB_IN))
    b1 = jnp.zeros((HID,), dtype=jnp.float32)
    W2 = jax.random.normal(ks[10], (HID, OUT), dtype=jnp.float32) * (1.0 / np.sqrt(HID))
    b2 = jnp.zeros((OUT,), dtype=jnp.float32)
    return {
        'killer_id': killer_id, 'victim_id': victim_id, 'move_id': move_id,
        'stage_id': stage_id, 'scene_tags': scene_tags,
        'killer_table': killer_table, 'victim_table': victim_table,
        'move_table': move_table, 'stage_table': stage_table,
        'W1': W1, 'b1': b1, 'W2': W2, 'b2': b2,
    }


def reference(killer_id, victim_id, move_id, stage_id, scene_tags,
              killer_table, victim_table, move_table, stage_table,
              W1, b1, W2, b2):
    k = jnp.take(killer_table, killer_id, axis=0)
    v = jnp.take(victim_table, victim_id, axis=0)
    m = jnp.take(move_table, move_id, axis=0)
    s = jnp.take(stage_table, stage_id, axis=0)
    x = jnp.concatenate([k, v, m, s, scene_tags], axis=-1)
    h = jax.nn.relu(x @ W1 + b1)
    # dropout is identity in eval mode
    out = h @ W2 + b2
    return out

if __name__ == "__main__":
    import jax
    _d = setup_inputs()
    print(jax.jit(kernel)(*tuple(_d.values())))

</pallas_src>

<mosaic_0001>
#map = affine_map<(d0, d1) -> (0, 0, 0)>
#map1 = affine_map<(d0, d1) -> (0, 0)>
module attributes {stable_mosaic.version = 14 : i64} {
  func.func @k(%arg0: i32, %arg1: i32, %arg2: memref<32x4x128xi32, #tpu.memory_space<hbm>>, %arg3: memref<32x4x128xi32, #tpu.memory_space<hbm>>, %arg4: memref<32x4x128xi32, #tpu.memory_space<hbm>>, %arg5: memref<32x4x128xi32, #tpu.memory_space<hbm>>, %arg6: memref<204x32xf32, #tpu.memory_space<hbm>>, %arg7: memref<16384x128xf32, #tpu.memory_space<hbm>>, %arg8: memref<4x4x128xi32, #tpu.memory_space<vmem>>, %arg9: memref<2048x32xf32, #tpu.memory_space<vmem>>, %arg10: memref<204x32xf32, #tpu.memory_space<vmem_shared>>, %arg11: memref<!tpu.dma_semaphore, #tpu.memory_space<semaphore_mem>>, %arg12: memref<!tpu.dma_semaphore, #tpu.memory_space<semaphore_mem>>, %arg13: memref<!tpu.dma_semaphore, #tpu.memory_space<semaphore_mem>>) attributes {dimension_semantics = [#tpu.dimension_semantics<core_parallel>, #tpu.dimension_semantics<subcore_parallel>], iteration_bounds = array<i64: 2, 16>, scalar_prefetch = 0 : i64, scratch_operands = 6 : i64, tpu.core_type = #tpu.core_type<sc_vector_subcore>, window_params = [{transform_indices = #map}, {transform_indices = #map}, {transform_indices = #map}, {transform_indices = #map}, {transform_indices = #map1}, {transform_indices = #map1}]} {
    %mul3A = arith.constant 2 : i32
    %mul3A_0 = arith.muli %arg1, %mul3A : i32
    %add3A = arith.addi %mul3A_0, %arg0 : i32
    %mul3A_1 = arith.constant 512 : i32
    %mul3A_2 = arith.muli %add3A, %mul3A_1 : i32
    %dma_start3A = arith.constant 0 : i32
    %dma_start3A_3 = arith.constant 0 : i32
    %dma_start3A_4 = arith.constant 0 : i32
    %dma_start3A_5 = tpu.memref_slice %arg8[%dma_start3A, %dma_start3A_3, %dma_start3A_4] : memref<4x4x128xi32, #tpu.memory_space<vmem>> -> memref<1x4x128xi32, #tpu.memory_space<vmem>>
    %dma_start3A_6 = tpu.memref_squeeze %dma_start3A_5 : memref<1x4x128xi32, #tpu.memory_space<vmem>> -> memref<4x128xi32, #tpu.memory_space<vmem>>
    %dma_start3A_7 = arith.constant 0 : i32
    %dma_start3A_8 = arith.constant 0 : i32
    %dma_start3A_9 = tpu.memref_slice %arg2[%add3A, %dma_start3A_7, %dma_start3A_8] : memref<32x4x128xi32, #tpu.memory_space<hbm>> -> memref<1x4x128xi32, #tpu.memory_space<hbm>>
    %dma_start3A_10 = tpu.memref_squeeze %dma_start3A_9 : memref<1x4x128xi32, #tpu.memory_space<hbm>> -> memref<4x128xi32, #tpu.memory_space<hbm>>
    %dma_start3A_11 = arith.constant 0 : i32
    %dma_start3A_12 = arith.constant 0 : i32
    %dma_start3A_13 = tpu.memref_slice %arg8[%dma_start3A, %dma_start3A_11, %dma_start3A_12] : memref<4x4x128xi32, #tpu.memory_space<vmem>> -> memref<1x4x128xi32, #tpu.memory_space<vmem>>
    %dma_start3A_14 = tpu.memref_squeeze %dma_start3A_13 : memref<1x4x128xi32, #tpu.memory_space<vmem>> -> memref<4x128xi32, #tpu.memory_space<vmem>>
    %dma_start3A_15 = arith.constant 0 : i32
    %dma_start3A_16 = arith.constant 0 : i32
    %dma_start3A_17 = tpu.memref_slice %arg2[%add3A, %dma_start3A_15, %dma_start3A_16] : memref<32x4x128xi32, #tpu.memory_space<hbm>> -> memref<1x4x128xi32, #tpu.memory_space<hbm>>
    %dma_start3A_18 = tpu.memref_squeeze %dma_start3A_17 : memref<1x4x128xi32, #tpu.memory_space<hbm>> -> memref<4x128xi32, #tpu.memory_space<hbm>>
    tpu.enqueue_dma source(%dma_start3A_18 : memref<4x128xi32, #tpu.memory_space<hbm>>) target(%dma_start3A_14 : memref<4x128xi32, #tpu.memory_space<vmem>>) target_semaphore(%arg11 : memref<!tpu.dma_semaphore, #tpu.memory_space<semaphore_mem>>)
    %dma_start3A_19 = arith.constant 1 : i32
    %dma_start3A_20 = arith.constant 0 : i32
    %dma_start3A_21 = arith.constant 0 : i32
    %dma_start3A_22 = tpu.memref_slice %arg8[%dma_start3A_19, %dma_start3A_20, %dma_start3A_21] : memref<4x4x128xi32, #tpu.memory_space<vmem>> -> memref<1x4x128xi32, #tpu.memory_space<vmem>>
    %dma_start3A_23 = tpu.memref_squeeze %dma_start3A_22 : memref<1x4x128xi32, #tpu.memory_space<vmem>> -> memref<4x128xi32, #tpu.memory_space<vmem>>
    %dma_start3A_24 = arith.constant 0 : i32
    %dma_start3A_25 = arith.constant 0 : i32
    %dma_start3A_26 = tpu.memref_slice %arg3[%add3A, %dma_start3A_24, %dma_start3A_25] : memref<32x4x128xi32, #tpu.memory_space<hbm>> -> memref<1x4x128xi32, #tpu.memory_space<hbm>>
    %dma_start3A_27 = tpu.memref_squeeze %dma_start3A_26 : memref<1x4x128xi32, #tpu.memory_space<hbm>> -> memref<4x128xi32, #tpu.memory_space<hbm>>
    %dma_start3A_28 = arith.constant 0 : i32
    %dma_start3A_29 = arith.constant 0 : i32
    %dma_start3A_30 = tpu.memref_slice %arg8[%dma_start3A_19, %dma_start3A_28, %dma_start3A_29] : memref<4x4x128xi32, #tpu.memory_space<vmem>> -> memref<1x4x128xi32, #tpu.memory_space<vmem>>
    %dma_start3A_31 = tpu.memref_squeeze %dma_start3A_30 : memref<1x4x128xi32, #tpu.memory_space<vmem>> -> memref<4x128xi32, #tpu.memory_space<vmem>>
    %dma_start3A_32 = arith.constant 0 : i32
    %dma_start3A_33 = arith.constant 0 : i32
    %dma_start3A_34 = tpu.memref_slice %arg3[%add3A, %dma_start3A_32, %dma_start3A_33] : memref<32x4x128xi32, #tpu.memory_space<hbm>> -> memref<1x4x128xi32, #tpu.memory_space<hbm>>
    %dma_start3A_35 = tpu.memref_squeeze %dma_start3A_34 : memref<1x4x128xi32, #tpu.memory_space<hbm>> -> memref<4x128xi32, #tpu.memory_space<hbm>>
    tpu.enqueue_dma source(%dma_start3A_35 : memref<4x128xi32, #tpu.memory_space<hbm>>) target(%dma_start3A_31 : memref<4x128xi32, #tpu.memory_space<vmem>>) target_semaphore(%arg11 : memref<!tpu.dma_semaphore, #tpu.memory_space<semaphore_mem>>)
    %dma_start3A_36 = arith.constant 2 : i32
    %dma_start3A_37 = arith.constant 0 : i32
    %dma_start3A_38 = arith.constant 0 : i32
    %dma_start3A_39 = tpu.memref_slice %arg8[%dma_start3A_36, %dma_start3A_37, %dma_start3A_38] : memref<4x4x128xi32, #tpu.memory_space<vmem>> -> memref<1x4x128xi32, #tpu.memory_space<vmem>>
    %dma_start3A_40 = tpu.memref_squeeze %dma_start3A_39 : memref<1x4x128xi32, #tpu.memory_space<vmem>> -> memref<4x128xi32, #tpu.memory_space<vmem>>
    %dma_start3A_41 = arith.constant 0 : i32
    %dma_start3A_42 = arith.constant 0 : i32
    %dma_start3A_43 = tpu.memref_slice %arg4[%add3A, %dma_start3A_41, %dma_start3A_42] : memref<32x4x128xi32, #tpu.memory_space<hbm>> -> memref<1x4x128xi32, #tpu.memory_space<hbm>>
    %dma_start3A_44 = tpu.memref_squeeze %dma_start3A_43 : memref<1x4x128xi32, #tpu.memory_space<hbm>> -> memref<4x128xi32, #tpu.memory_space<hbm>>
    %dma_start3A_45 = arith.constant 0 : i32
    %dma_start3A_46 = arith.constant 0 : i32
    %dma_start3A_47 = tpu.memref_slice %arg8[%dma_start3A_36, %dma_start3A_45, %dma_start3A_46] : memref<4x4x128xi32, #tpu.memory_space<vmem>> -> memref<1x4x128xi32, #tpu.memory_space<vmem>>
    %dma_start3A_48 = tpu.memref_squeeze %dma_start3A_47 : memref<1x4x128xi32, #tpu.memory_space<vmem>> -> memref<4x128xi32, #tpu.memory_space<vmem>>
    %dma_start3A_49 = arith.constant 0 : i32
    %dma_start3A_50 = arith.constant 0 : i32
    %dma_start3A_51 = tpu.memref_slice %arg4[%add3A, %dma_start3A_49, %dma_start3A_50] : memref<32x4x128xi32, #tpu.memory_space<hbm>> -> memref<1x4x128xi32, #tpu.memory_space<hbm>>
    %dma_start3A_52 = tpu.memref_squeeze %dma_start3A_51 : memref<1x4x128xi32, #tpu.memory_space<hbm>> -> memref<4x128xi32, #tpu.memory_space<hbm>>
    tpu.enqueue_dma source(%dma_start3A_52 : memref<4x128xi32, #tpu.memory_space<hbm>>) target(%dma_start3A_48 : memref<4x128xi32, #tpu.memory_space<vmem>>) target_semaphore(%arg11 : memref<!tpu.dma_semaphore, #tpu.memory_space<semaphore_mem>>)
    %dma_start3A_53 = arith.constant 3 : i32
    %dma_start3A_54 = arith.constant 0 : i32
    %dma_start3A_55 = arith.constant 0 : i32
    %dma_start3A_56 = tpu.memref_slice %arg8[%dma_start3A_53, %dma_start3A_54, %dma_start3A_55] : memref<4x4x128xi32, #tpu.memory_space<vmem>> -> memref<1x4x128xi32, #tpu.memory_space<vmem>>
    %dma_start3A_57 = tpu.memref_squeeze %dma_start3A_56 : memref<1x4x128xi32, #tpu.memory_space<vmem>> -> memref<4x128xi32, #tpu.memory_space<vmem>>
    %dma_start3A_58 = arith.constant 0 : i32
    %dma_start3A_59 = arith.constant 0 : i32
    %dma_start3A_60 = tpu.memref_slice %arg5[%add3A, %dma_start3A_58, %dma_start3A_59] : memref<32x4x128xi32, #tpu.memory_space<hbm>> -> memref<1x4x128xi32, #tpu.memory_space<hbm>>
    %dma_start3A_61 = tpu.memref_squeeze %dma_start3A_60 : memref<1x4x128xi32, #tpu.memory_space<hbm>> -> memref<4x128xi32, #tpu.memory_space<hbm>>
    %dma_start3A_62 = arith.constant 0 : i32
    %dma_start3A_63 = arith.constant 0 : i32
    %dma_start3A_64 = tpu.memref_slice %arg8[%dma_start3A_53, %dma_start3A_62, %dma_start3A_63] : memref<4x4x128xi32, #tpu.memory_space<vmem>> -> memref<1x4x128xi32, #tpu.memory_space<vmem>>
    %dma_start3A_65 = tpu.memref_squeeze %dma_start3A_64 : memref<1x4x128xi32, #tpu.memory_space<vmem>> -> memref<4x128xi32, #tpu.memory_space<vmem>>
    %dma_start3A_66 = arith.constant 0 : i32
    %dma_start3A_67 = arith.constant 0 : i32
    %dma_start3A_68 = tpu.memref_slice %arg5[%add3A, %dma_start3A_66, %dma_start3A_67] : memref<32x4x128xi32, #tpu.memory_space<hbm>> -> memref<1x4x128xi32, #tpu.memory_space<hbm>>
    %dma_start3A_69 = tpu.memref_squeeze %dma_start3A_68 : memref<1x4x128xi32, #tpu.memory_space<hbm>> -> memref<4x128xi32, #tpu.memory_space<hbm>>
    tpu.enqueue_dma source(%dma_start3A_69 : memref<4x128xi32, #tpu.memory_space<hbm>>) target(%dma_start3A_65 : memref<4x128xi32, #tpu.memory_space<vmem>>) target_semaphore(%arg11 : memref<!tpu.dma_semaphore, #tpu.memory_space<semaphore_mem>>)
    %eq3A = arith.constant 0 : i32
    %eq3A_70 = arith.cmpi eq, %arg1, %eq3A : i32
    %convert_element_type3A = arith.extui %eq3A_70 : i1 to i32
    %cond3A = arith.constant 0 : i32
    %cond3A_71 = arith.cmpi ne, %convert_element_type3A, %cond3A : i32
    scf.if %cond3A_71 {
      "tpu.region"() ({
        %run_scoped3A = tpu.sem_alloc : memref<!tpu.dma_semaphore, #tpu.memory_space<semaphore_mem>>
        tpu.enqueue_dma source(%arg6 : memref<204x32xf32, #tpu.memory_space<hbm>>) target(%arg10 : memref<204x32xf32, #tpu.memory_space<vmem_shared>>) target_semaphore(%run_scoped3A : memref<!tpu.dma_semaphore, #tpu.memory_space<semaphore_mem>>)
        tpu.wait_dma2 semaphore(%run_scoped3A : memref<!tpu.dma_semaphore, #tpu.memory_space<semaphore_mem>>) src(%arg6 : memref<204x32xf32, #tpu.memory_space<hbm>>) dst(%arg10 : memref<204x32xf32, #tpu.memory_space<vmem_shared>>)
        tpu.yield
      }) : () -> ()
    } else {
    }
    %dma_wait3A = arith.constant 0 : i32
    %dma_wait3A_72 = arith.constant 0 : i32
    %dma_wait3A_73 = arith.constant 0 : i32
    %dma_wait3A_74 = tpu.memref_slice %arg8[%dma_wait3A, %dma_wait3A_72, %dma_wait3A_73] : memref<4x4x128xi32, #tpu.memory_space<vmem>> -> memref<1x4x128xi32, #tpu.memory_space<vmem>>
    %dma_wait3A_75 = tpu.memref_squeeze %dma_wait3A_74 : memref<1x4x128xi32, #tpu.memory_space<vmem>> -> memref<4x128xi32, #tpu.memory_space<vmem>>
    %dma_wait3A_76 = arith.constant 0 : i32
    %dma_wait3A_77 = arith.constant 0 : i32
    %dma_wait3A_78 = tpu.memref_slice %arg2[%add3A, %dma_wait3A_76, %dma_wait3A_77] : memref<32x4x128xi32, #tpu.memory_space<hbm>> -> memref<1x4x128xi32, #tpu.memory_space<hbm>>
    %dma_wait3A_79 = tpu.memref_squeeze %dma_wait3A_78 : memref<1x4x128xi32, #tpu.memory_space<hbm>> -> memref<4x128xi32, #tpu.memory_space<hbm>>
    %dma_wait3A_80 = arith.constant 0 : i32
    %dma_wait3A_81 = arith.constant 0 : i32
    %dma_wait3A_82 = tpu.memref_slice %arg8[%dma_wait3A, %dma_wait3A_80, %dma_wait3A_81] : memref<4x4x128xi32, #tpu.memory_space<vmem>> -> memref<1x4x128xi32, #tpu.memory_space<vmem>>
    %dma_wait3A_83 = tpu.memref_squeeze %dma_wait3A_82 : memref<1x4x128xi32, #tpu.memory_space<vmem>> -> memref<4x128xi32, #tpu.memory_space<vmem>>
    %dma_wait3A_84 = arith.constant 0 : i32
    %dma_wait3A_85 = arith.constant 0 : i32
    %dma_wait3A_86 = tpu.memref_slice %arg2[%add3A, %dma_wait3A_84, %dma_wait3A_85] : memref<32x4x128xi32, #tpu.memory_space<hbm>> -> memref<1x4x128xi32, #tpu.memory_space<hbm>>
    %dma_wait3A_87 = tpu.memref_squeeze %dma_wait3A_86 : memref<1x4x128xi32, #tpu.memory_space<hbm>> -> memref<4x128xi32, #tpu.memory_space<hbm>>
    tpu.wait_dma2 semaphore(%arg11 : memref<!tpu.dma_semaphore, #tpu.memory_space<semaphore_mem>>) src(%dma_wait3A_87 : memref<4x128xi32, #tpu.memory_space<hbm>>) dst(%dma_wait3A_83 : memref<4x128xi32, #tpu.memory_space<vmem>>)
    %dma_wait3A_88 = arith.constant 1 : i32
    %dma_wait3A_89 = arith.constant 0 : i32
    %dma_wait3A_90 = arith.constant 0 : i32
    %dma_wait3A_91 = tpu.memref_slice %arg8[%dma_wait3A_88, %dma_wait3A_89, %dma_wait3A_90] : memref<4x4x128xi32, #tpu.memory_space<vmem>> -> memref<1x4x128xi32, #tpu.memory_space<vmem>>
    %dma_wait3A_92 = tpu.memref_squeeze %dma_wait3A_91 : memref<1x4x128xi32, #tpu.memory_space<vmem>> -> memref<4x128xi32, #tpu.memory_space<vmem>>
    %dma_wait3A_93 = arith.constant 0 : i32
    %dma_wait3A_94 = arith.constant 0 : i32
    %dma_wait3A_95 = tpu.memref_slice %arg3[%add3A, %dma_wait3A_93, %dma_wait3A_94] : memref<32x4x128xi32, #tpu.memory_space<hbm>> -> memref<1x4x128xi32, #tpu.memory_space<hbm>>
    %dma_wait3A_96 = tpu.memref_squeeze %dma_wait3A_95 : memref<1x4x128xi32, #tpu.memory_space<hbm>> -> memref<4x128xi32, #tpu.memory_space<hbm>>
    %dma_wait3A_97 = arith.constant 0 : i32
    %dma_wait3A_98 = arith.constant 0 : i32
    %dma_wait3A_99 = tpu.memref_slice %arg8[%dma_wait3A_88, %dma_wait3A_97, %dma_wait3A_98] : memref<4x4x128xi32, #tpu.memory_space<vmem>> -> memref<1x4x128xi32, #tpu.memory_space<vmem>>
    %dma_wait3A_100 = tpu.memref_squeeze %dma_wait3A_99 : memref<1x4x128xi32, #tpu.memory_space<vmem>> -> memref<4x128xi32, #tpu.memory_space<vmem>>
    %dma_wait3A_101 = arith.constant 0 : i32
    %dma_wait3A_102 = arith.constant 0 : i32
    %dma_wait3A_103 = tpu.memref_slice %arg3[%add3A, %dma_wait3A_101, %dma_wait3A_102] : memref<32x4x128xi32, #tpu.memory_space<hbm>> -> memref<1x4x128xi32, #tpu.memory_space<hbm>>
    %dma_wait3A_104 = tpu.memref_squeeze %dma_wait3A_103 : memref<1x4x128xi32, #tpu.memory_space<hbm>> -> memref<4x128xi32, #tpu.memory_space<hbm>>
    tpu.wait_dma2 semaphore(%arg11 : memref<!tpu.dma_semaphore, #tpu.memory_space<semaphore_mem>>) src(%dma_wait3A_104 : memref<4x128xi32, #tpu.memory_space<hbm>>) dst(%dma_wait3A_100 : memref<4x128xi32, #tpu.memory_space<vmem>>)
    %dma_wait3A_105 = arith.constant 2 : i32
    %dma_wait3A_106 = arith.constant 0 : i32
    %dma_wait3A_107 = arith.constant 0 : i32
    %dma_wait3A_108 = tpu.memref_slice %arg8[%dma_wait3A_105, %dma_wait3A_106, %dma_wait3A_107] : memref<4x4x128xi32, #tpu.memory_space<vmem>> -> memref<1x4x128xi32, #tpu.memory_space<vmem>>
    %dma_wait3A_109 = tpu.memref_squeeze %dma_wait3A_108 : memref<1x4x128xi32, #tpu.memory_space<vmem>> -> memref<4x128xi32, #tpu.memory_space<vmem>>
    %dma_wait3A_110 = arith.constant 0 : i32
    %dma_wait3A_111 = arith.constant 0 : i32
    %dma_wait3A_112 = tpu.memref_slice %arg4[%add3A, %dma_wait3A_110, %dma_wait3A_111] : memref<32x4x128xi32, #tpu.memory_space<hbm>> -> memref<1x4x128xi32, #tpu.memory_space<hbm>>
    %dma_wait3A_113 = tpu.memref_squeeze %dma_wait3A_112 : memref<1x4x128xi32, #tpu.memory_space<hbm>> -> memref<4x128xi32, #tpu.memory_space<hbm>>
    %dma_wait3A_114 = arith.constant 0 : i32
    %dma_wait3A_115 = arith.constant 0 : i32
    %dma_wait3A_116 = tpu.memref_slice %arg8[%dma_wait3A_105, %dma_wait3A_114, %dma_wait3A_115] : memref<4x4x128xi32, #tpu.memory_space<vmem>> -> memref<1x4x128xi32, #tpu.memory_space<vmem>>
    %dma_wait3A_117 = tpu.memref_squeeze %dma_wait3A_116 : memref<1x4x128xi32, #tpu.memory_space<vmem>> -> memref<4x128xi32, #tpu.memory_space<vmem>>
    %dma_wait3A_118 = arith.constant 0 : i32
    %dma_wait3A_119 = arith.constant 0 : i32
    %dma_wait3A_120 = tpu.memref_slice %arg4[%add3A, %dma_wait3A_118, %dma_wait3A_119] : memref<32x4x128xi32, #tpu.memory_space<hbm>> -> memref<1x4x128xi32, #tpu.memory_space<hbm>>
    %dma_wait3A_121 = tpu.memref_squeeze %dma_wait3A_120 : memref<1x4x128xi32, #tpu.memory_space<hbm>> -> memref<4x128xi32, #tpu.memory_space<hbm>>
    tpu.wait_dma2 semaphore(%arg11 : memref<!tpu.dma_semaphore, #tpu.memory_space<semaphore_mem>>) src(%dma_wait3A_121 : memref<4x128xi32, #tpu.memory_space<hbm>>) dst(%dma_wait3A_117 : memref<4x128xi32, #tpu.memory_space<vmem>>)
    %dma_wait3A_122 = arith.constant 3 : i32
    %dma_wait3A_123 = arith.constant 0 : i32
    %dma_wait3A_124 = arith.constant 0 : i32
    %dma_wait3A_125 = tpu.memref_slice %arg8[%dma_wait3A_122, %dma_wait3A_123, %dma_wait3A_124] : memref<4x4x128xi32, #tpu.memory_space<vmem>> -> memref<1x4x128xi32, #tpu.memory_space<vmem>>
    %dma_wait3A_126 = tpu.memref_squeeze %dma_wait3A_125 : memref<1x4x128xi32, #tpu.memory_space<vmem>> -> memref<4x128xi32, #tpu.memory_space<vmem>>
    %dma_wait3A_127 = arith.constant 0 : i32
    %dma_wait3A_128 = arith.constant 0 : i32
    %dma_wait3A_129 = tpu.memref_slice %arg5[%add3A, %dma_wait3A_127, %dma_wait3A_128] : memref<32x4x128xi32, #tpu.memory_space<hbm>> -> memref<1x4x128xi32, #tpu.memory_space<hbm>>
    %dma_wait3A_130 = tpu.memref_squeeze %dma_wait3A_129 : memref<1x4x128xi32, #tpu.memory_space<hbm>> -> memref<4x128xi32, #tpu.memory_space<hbm>>
    %dma_wait3A_131 = arith.constant 0 : i32
    %dma_wait3A_132 = arith.constant 0 : i32
    %dma_wait3A_133 = tpu.memref_slice %arg8[%dma_wait3A_122, %dma_wait3A_131, %dma_wait3A_132] : memref<4x4x128xi32, #tpu.memory_space<vmem>> -> memref<1x4x128xi32, #tpu.memory_space<vmem>>
    %dma_wait3A_134 = tpu.memref_squeeze %dma_wait3A_133 : memref<1x4x128xi32, #tpu.memory_space<vmem>> -> memref<4x128xi32, #tpu.memory_space<vmem>>
    %dma_wait3A_135 = arith.constant 0 : i32
    %dma_wait3A_136 = arith.constant 0 : i32
    %dma_wait3A_137 = tpu.memref_slice %arg5[%add3A, %dma_wait3A_135, %dma_wait3A_136] : memref<32x4x128xi32, #tpu.memory_space<hbm>> -> memref<1x4x128xi32, #tpu.memory_space<hbm>>
    %dma_wait3A_138 = tpu.memref_squeeze %dma_wait3A_137 : memref<1x4x128xi32, #tpu.memory_space<hbm>> -> memref<4x128xi32, #tpu.memory_space<hbm>>
    tpu.wait_dma2 semaphore(%arg11 : memref<!tpu.dma_semaphore, #tpu.memory_space<semaphore_mem>>) src(%dma_wait3A_138 : memref<4x128xi32, #tpu.memory_space<hbm>>) dst(%dma_wait3A_134 : memref<4x128xi32, #tpu.memory_space<vmem>>)
    %get3A = arith.constant 1 : i32
    %get3A_139 = arith.constant 0 : i32
    %get3A_140 = arith.index_cast %get3A : i32 to index
    %get3A_141 = arith.index_cast %get3A_139 : i32 to index
    %get3A_142 = arith.constant 0 : index
    %get3A_143 = tpu.vector_load %arg8[%get3A_140, %get3A_141, %get3A_142] {strides = array<i32>} : memref<4x4x128xi32, #tpu.memory_space<vmem>>, vector<1x1x16xi32>,
    %get3A_144 = vector.shape_cast %get3A_143 : vector<1x1x16xi32> to vector<16xi32>
    %add3A_145 = arith.constant 86 : i32
    %add3A_146 = vector.broadcast %add3A_145 : i32 to vector<16xi32>
    %add3A_147 = arith.addi %get3A_144, %add3A_146 : vector<16xi32>
    %swap3A = arith.constant 1 : i32
    %swap3A_148 = arith.constant 0 : i32
    %swap3A_149 = arith.index_cast %swap3A : i32 to index
    %swap3A_150 = arith.index_cast %swap3A_148 : i32 to index
    %swap3A_151 = arith.constant 0 : index
    %swap3A_152 = tpu.vector_load %arg8[%swap3A_149, %swap3A_150, %swap3A_151] {strides = array<i32>} : memref<4x4x128xi32, #tpu.memory_space<vmem>>, vector<1x1x16xi32>,
    %swap3A_153 = vector.shape_cast %swap3A_152 : vector<1x1x16xi32> to vector<16xi32>
    %swap3A_154 = vector.shape_cast %add3A_147 : vector<16xi32> to vector<1x1x16xi32>
    tpu.vector_store %arg8[%swap3A_149, %swap3A_150, %swap3A_151], %swap3A_154 {strides = array<i32>} : memref<4x4x128xi32, #tpu.memory_space<vmem>>, vector<1x1x16xi32>,
    %get3A_155 = arith.constant 1 : i32
    %get3A_156 = arith.constant 0 : i32
    %get3A_157 = arith.index_cast %get3A_155 : i32 to index
    %get3A_158 = arith.index_cast %get3A_156 : i32 to index
    %get3A_159 = arith.constant 16 : index
    %get3A_160 = tpu.vector_load %arg8[%get3A_157, %get3A_158, %get3A_159] {strides = array<i32>} : memref<4x4x128xi32, #tpu.memory_space<vmem>>, vector<1x1x16xi32>,
    %get3A_161 = vector.shape_cast %get3A_160 : vector<1x1x16xi32> to vector<16xi32>
    %add3A_162 = arith.constant 86 : i32
    %add3A_163 = vector.broadcast %add3A_162 : i32 to vector<16xi32>
    %add3A_164 = arith.addi %get3A_161, %add3A_163 : vector<16xi32>
    %swap3A_165 = arith.constant 1 : i32
    %swap3A_166 = arith.constant 0 : i32
    %swap3A_167 = arith.index_cast %swap3A_165 : i32 to index
    %swap3A_168 = arith.index_cast %swap3A_166 : i32 to index
    %swap3A_169 = arith.constant 16 : index
    %swap3A_170 = tpu.vector_load %arg8[%swap3A_167, %swap3A_168, %swap3A_169] {strides = array<i32>} : memref<4x4x128xi32, #tpu.memory_space<vmem>>, vector<1x1x16xi32>,
    %swap3A_171 = vector.shape_cast %swap3A_170 : vector<1x1x16xi32> to vector<16xi32>
    %swap3A_172 = vector.shape_cast %add3A_164 : vector<16xi32> to vector<1x1x16xi32>
    tpu.vector_store %arg8[%swap3A_167, %swap3A_168, %swap3A_169], %swap3A_172 {strides = array<i32>} : memref<4x4x128xi32, #tpu.memory_space<vmem>>, vector<1x1x16xi32>,
    %get3A_173 = arith.constant 1 : i32
    %get3A_174 = arith.constant 0 : i32
    %get3A_175 = arith.index_cast %get3A_173 : i32 to index
    %get3A_176 = arith.index_cast %get3A_174 : i32 to index
    %get3A_177 = arith.constant 32 : index
    %get3A_178 = tpu.vector_load %arg8[%get3A_175, %get3A_176, %get3A_177] {strides = array<i32>} : memref<4x4x128xi32, #tpu.memory_space<vmem>>, vector<1x1x16xi32>,
    %get3A_179 = vector.shape_cast %get3A_178 : vector<1x1x16xi32> to vector<16xi32>
    %add3A_180 = arith.constant 86 : i32
    %add3A_181 = vector.broadcast %add3A_180 : i32 to vector<16xi32>
    %add3A_182 = arith.addi %get3A_179, %add3A_181 : vector<16xi32>
    %swap3A_183 = arith.constant 1 : i32
    %swap3A_184 = arith.constant 0 : i32
    %swap3A_185 = arith.index_cast %swap3A_183 : i32 to index
    %swap3A_186 = arith.index_cast %swap3A_184 : i32 to index
    %swap3A_187 = arith.constant 32 : index
    %swap3A_188 = tpu.vector_load %arg8[%swap3A_185, %swap3A_186, %swap3A_187] {strides = array<i32>} : memref<4x4x128xi32, #tpu.memory_space<vmem>>, vector<1x1x16xi32>,
    %swap3A_189 = vector.shape_cast %swap3A_188 : vector<1x1x16xi32> to vector<16xi32>
    %swap3A_190 = vector.shape_cast %add3A_182 : vector<16xi32> to vector<1x1x16xi32>
    tpu.vector_store %arg8[%swap3A_185, %swap3A_186, %swap3A_187], %swap3A_190 {strides = array<i32>} : memref<4x4x128xi32, #tpu.memory_space<vmem>>, vector<1x1x16xi32>,
    %get3A_191 = arith.constant 1 : i32
    %get3A_192 = arith.constant 0 : i32
    %get3A_193 = arith.index_cast %get3A_191 : i32 to index
    %get3A_194 = arith.index_cast %get3A_192 : i32 to index
    %get3A_195 = arith.constant 48 : index
    %get3A_196 = tpu.vector_load %arg8[%get3A_193, %get3A_194, %get3A_195] {strides = array<i32>} : memref<4x4x128xi32, #tpu.memory_space<vmem>>, vector<1x1x16xi32>,
    %get3A_197 = vector.shape_cast %get3A_196 : vector<1x1x16xi32> to vector<16xi32>
    %add3A_198 = arith.constant 86 : i32
    %add3A_199 = vector.broadcast %add3A_198 : i32 to vector<16xi32>
    %add3A_200 = arith.addi %get3A_197, %add3A_199 : vector<16xi32>
    %swap3A_201 = arith.constant 1 : i32
    %swap3A_202 = arith.constant 0 : i32
    %swap3A_203 = arith.index_cast %swap3A_201 : i32 to index
    %swap3A_204 = arith.index_cast %swap3A_202 : i32 to index
    %swap3A_205 = arith.constant 48 : index
    %swap3A_206 = tpu.vector_load %arg8[%swap3A_203, %swap3A_204, %swap3A_205] {strides = array<i32>} : memref<4x4x128xi32, #tpu.memory_space<vmem>>, vector<1x1x16xi32>,
    %swap3A_207 = vector.shape_cast %swap3A_206 : vector<1x1x16xi32> to vector<16xi32>
    %swap3A_208 = vector.shape_cast %add3A_200 : vector<16xi32> to vector<1x1x16xi32>
    tpu.vector_store %arg8[%swap3A_203, %swap3A_204, %swap3A_205], %swap3A_208 {strides = array<i32>} : memref<4x4x128xi32, #tpu.memory_space<vmem>>, vector<1x1x16xi32>,
    %get3A_209 = arith.constant 1 : i32
    %get3A_210 = arith.constant 0 : i32
    %get3A_211 = arith.index_cast %get3A_209 : i32 to index
    %get3A_212 = arith.index_cast %get3A_210 : i32 to index
    %get3A_213 = arith.constant 64 : index
    %get3A_214 = tpu.vector_load %arg8[%get3A_211, %get3A_212, %get3A_213] {strides = array<i32>} : memref<4x4x128xi32, #tpu.memory_space<vmem>>, vector<1x1x16xi32>,
    %get3A_215 = vector.shape_cast %get3A_214 : vector<1x1x16xi32> to vector<16xi32>
    %add3A_216 = arith.constant 86 : i32
    %add3A_217 = vector.broadcast %add3A_216 : i32 to vector<16xi32>
    %add3A_218 = arith.addi %get3A_215, %add3A_217 : vector<16xi32>
    %swap3A_219 = arith.constant 1 : i32
    %swap3A_220 = arith.constant 0 : i32
    %swap3A_221 = arith.index_cast %swap3A_219 : i32 to index
    %swap3A_222 = arith.index_cast %swap3A_220 : i32 to index
    %swap3A_223 = arith.constant 64 : index
    %swap3A_224 = tpu.vector_load %arg8[%swap3A_221, %swap3A_222, %swap3A_223] {strides = array<i32>} : memref<4x4x128xi32, #tpu.memory_space<vmem>>, vector<1x1x16xi32>,
    %swap3A_225 = vector.shape_cast %swap3A_224 : vector<1x1x16xi32> to vector<16xi32>
    %swap3A_226 = vector.shape_cast %add3A_218 : vector<16xi32> to vector<1x1x16xi32>
    tpu.vector_store %arg8[%swap3A_221, %swap3A_222, %swap3A_223], %swap3A_226 {strides = array<i32>} : memref<4x4x128xi32, #tpu.memory_space<vmem>>, vector<1x1x16xi32>,
    %get3A_227 = arith.constant 1 : i32
    %get3A_228 = arith.constant 0 : i32
    %get3A_229 = arith.index_cast %get3A_227 : i32 to index
    %get3A_230 = arith.index_cast %get3A_228 : i32 to index
    %get3A_231 = arith.constant 80 : index
    %get3A_232 = tpu.vector_load %arg8[%get3A_229, %get3A_230, %get3A_231] {strides = array<i32>} : memref<4x4x128xi32, #tpu.memory_space<vmem>>, vector<1x1x16xi32>,
    %get3A_233 = vector.shape_cast %get3A_232 : vector<1x1x16xi32> to vector<16xi32>
    %add3A_234 = arith.constant 86 : i32
    %add3A_235 = vector.broadcast %add3A_234 : i32 to vector<16xi32>
    %add3A_236 = arith.addi %get3A_233, %add3A_235 : vector<16xi32>
    %swap3A_237 = arith.constant 1 : i32
    %swap3A_238 = arith.constant 0 : i32
    %swap3A_239 = arith.index_cast %swap3A_237 : i32 to index
    %swap3A_240 = arith.index_cast %swap3A_238 : i32 to index
    %swap3A_241 = arith.constant 80 : index
    %swap3A_242 = tpu.vector_load %arg8[%swap3A_239, %swap3A_240, %swap3A_241] {strides = array<i32>} : memref<4x4x128xi32, #tpu.memory_space<vmem>>, vector<1x1x16xi32>,
    %swap3A_243 = vector.shape_cast %swap3A_242 : vector<1x1x16xi32> to vector<16xi32>
    %swap3A_244 = vector.shape_cast %add3A_236 : vector<16xi32> to vector<1x1x16xi32>
    tpu.vector_store %arg8[%swap3A_239, %swap3A_240, %swap3A_241], %swap3A_244 {strides = array<i32>} : memref<4x4x128xi32, #tpu.memory_space<vmem>>, vector<1x1x16xi32>,
    %get3A_245 = arith.constant 1 : i32
    %get3A_246 = arith.constant 0 : i32
    %get3A_247 = arith.index_cast %get3A_245 : i32 to index
    %get3A_248 = arith.index_cast %get3A_246 : i32 to index
    %get3A_249 = arith.constant 96 : index
    %get3A_250 = tpu.vector_load %arg8[%get3A_247, %get3A_248, %get3A_249] {strides = array<i32>} : memref<4x4x128xi32, #tpu.memory_space<vmem>>, vector<1x1x16xi32>,
    %get3A_251 = vector.shape_cast %get3A_250 : vector<1x1x16xi32> to vector<16xi32>
    %add3A_252 = arith.constant 86 : i32
    %add3A_253 = vector.broadcast %add3A_252 : i32 to vector<16xi32>
    %add3A_254 = arith.addi %get3A_251, %add3A_253 : vector<16xi32>
    %swap3A_255 = arith.constant 1 : i32
    %swap3A_256 = arith.constant 0 : i32
    %swap3A_257 = arith.index_cast %swap3A_255 : i32 to index
    %swap3A_258 = arith.index_cast %swap3A_256 : i32 to index
    %swap3A_259 = arith.constant 96 : index
    %swap3A_260 = tpu.vector_load %arg8[%swap3A_257, %swap3A_258, %swap3A_259] {strides = array<i32>} : memref<4x4x128xi32, #tpu.memory_space<vmem>>, vector<1x1x16xi32>,
    %swap3A_261 = vector.shape_cast %swap3A_260 : vector<1x1x16xi32> to vector<16xi32>
    %swap3A_262 = vector.shape_cast %add3A_254 : vector<16xi32> to vector<1x1x16xi32>
    tpu.vector_store %arg8[%swap3A_257, %swap3A_258, %swap3A_259], %swap3A_262 {strides = array<i32>} : memref<4x4x128xi32, #tpu.memory_space<vmem>>, vector<1x1x16xi32>,
    %get3A_263 = arith.constant 1 : i32
    %get3A_264 = arith.constant 0 : i32
    %get3A_265 = arith.index_cast %get3A_263 : i32 to index
    %get3A_266 = arith.index_cast %get3A_264 : i32 to index
    %get3A_267 = arith.constant 112 : index
    %get3A_268 = tpu.vector_load %arg8[%get3A_265, %get3A_266, %get3A_267] {strides = array<i32>} : memref<4x4x128xi32, #tpu.memory_space<vmem>>, vector<1x1x16xi32>,
    %get3A_269 = vector.shape_cast %get3A_268 : vector<1x1x16xi32> to vector<16xi32>
    %add3A_270 = arith.constant 86 : i32
    %add3A_271 = vector.broadcast %add3A_270 : i32 to vector<16xi32>
    %add3A_272 = arith.addi %get3A_269, %add3A_271 : vector<16xi32>
    %swap3A_273 = arith.constant 1 : i32
    %swap3A_274 = arith.constant 0 : i32
    %swap3A_275 = arith.index_cast %swap3A_273 : i32 to index
    %swap3A_276 = arith.index_cast %swap3A_274 : i32 to index
    %swap3A_277 = arith.constant 112 : index
    %swap3A_278 = tpu.vector_load %arg8[%swap3A_275, %swap3A_276, %swap3A_277] {strides = array<i32>} : memref<4x4x128xi32, #tpu.memory_space<vmem>>, vector<1x1x16xi32>,
    %swap3A_279 = vector.shape_cast %swap3A_278 : vector<1x1x16xi32> to vector<16xi32>
    %swap3A_280 = vector.shape_cast %add3A_272 : vector<16xi32> to vector<1x1x16xi32>
    tpu.vector_store %arg8[%swap3A_275, %swap3A_276, %swap3A_277], %swap3A_280 {strides = array<i32>} : memref<4x4x128xi32, #tpu.memory_space<vmem>>, vector<1x1x16xi32>,
    %get3A_281 = arith.constant 1 : i32
    %get3A_282 = arith.constant 1 : i32
    %get3A_283 = arith.index_cast %get3A_281 : i32 to index
    %get3A_284 = arith.index_cast %get3A_282 : i32 to index
    %get3A_285 = arith.constant 0 : index
    %get3A_286 = tpu.vector_load %arg8[%get3A_283, %get3A_284, %get3A_285] {strides = array<i32>} : memref<4x4x128xi32, #tpu.memory_space<vmem>>, vector<1x1x16xi32>,
    %get3A_287 = vector.shape_cast %get3A_286 : vector<1x1x16xi32> to vector<16xi32>
    %add3A_288 = arith.constant 86 : i32
    %add3A_289 = vector.broadcast %add3A_288 : i32 to vector<16xi32>
    %add3A_290 = arith.addi %get3A_287, %add3A_289 : vector<16xi32>
    %swap3A_291 = arith.constant 1 : i32
    %swap3A_292 = arith.constant 1 : i32
    %swap3A_293 = arith.index_cast %swap3A_291 : i32 to index
    %swap3A_294 = arith.index_cast %swap3A_292 : i32 to index
    %swap3A_295 = arith.constant 0 : index
    %swap3A_296 = tpu.vector_load %arg8[%swap3A_293, %swap3A_294, %swap3A_295] {strides = array<i32>} : memref<4x4x128xi32, #tpu.memory_space<vmem>>, vector<1x1x16xi32>,
    %swap3A_297 = vector.shape_cast %swap3A_296 : vector<1x1x16xi32> to vector<16xi32>
    %swap3A_298 = vector.shape_cast %add3A_290 : vector<16xi32> to vector<1x1x16xi32>
    tpu.vector_store %arg8[%swap3A_293, %swap3A_294, %swap3A_295], %swap3A_298 {strides = array<i32>} : memref<4x4x128xi32, #tpu.memory_space<vmem>>, vector<1x1x16xi32>,
    %get3A_299 = arith.constant 1 : i32
    %get3A_300 = arith.constant 1 : i32
    %get3A_301 = arith.index_cast %get3A_299 : i32 to index
    %get3A_302 = arith.index_cast %get3A_300 : i32 to index
    %get3A_303 = arith.constant 16 : index
    %get3A_304 = tpu.vector_load %arg8[%get3A_301, %get3A_302, %get3A_303] {strides = array<i32>} : memref<4x4x128xi32, #tpu.memory_space<vmem>>, vector<1x1x16xi32>,
    %get3A_305 = vector.shape_cast %get3A_304 : vector<1x1x16xi32> to vector<16xi32>
    %add3A_306 = arith.constant 86 : i32
    %add3A_307 = vector.broadcast %add3A_306 : i32 to vector<16xi32>
    %add3A_308 = arith.addi %get3A_305, %add3A_307 : vector<16xi32>
    %swap3A_309 = arith.constant 1 : i32
    %swap3A_310 = arith.constant 1 : i32
    %swap3A_311 = arith.index_cast %swap3A_309 : i32 to index
    %swap3A_312 = arith.index_cast %swap3A_310 : i32 to index
    %swap3A_313 = arith.constant 16 : index
    %swap3A_314 = tpu.vector_load %arg8[%swap3A_311, %swap3A_312, %swap3A_313] {strides = array<i32>} : memref<4x4x128xi32, #tpu.memory_space<vmem>>, vector<1x1x16xi32>,
    %swap3A_315 = vector.shape_cast %swap3A_314 : vector<1x1x16xi32> to vector<16xi32>
    %swap3A_316 = vector.shape_cast %add3A_308 : vector<16xi32> to vector<1x1x16xi32>
    tpu.vector_store %arg8[%swap3A_311, %swap3A_312, %swap3A_313], %swap3A_316 {strides = array<i32>} : memref<4x4x128xi32, #tpu.memory_space<vmem>>, vector<1x1x16xi32>,
    %get3A_317 = arith.constant 1 : i32
    %get3A_318 = arith.constant 1 : i32
    %get3A_319 = arith.index_cast %get3A_317 : i32 to index
    %get3A_320 = arith.index_cast %get3A_318 : i32 to index
    %get3A_321 = arith.constant 32 : index
    %get3A_322 = tpu.vector_load %arg8[%get3A_319, %get3A_320, %get3A_321] {strides = array<i32>} : memref<4x4x128xi32, #tpu.memory_space<vmem>>, vector<1x1x16xi32>,
    %get3A_323 = vector.shape_cast %get3A_322 : vector<1x1x16xi32> to vector<16xi32>
    %add3A_324 = arith.constant 86 : i32
    %add3A_325 = vector.broadcast %add3A_324 : i32 to vector<16xi32>
    %add3A_326 = arith.addi %get3A_323, %add3A_325 : vector<16xi32>
    %swap3A_327 = arith.constant 1 : i32
    %swap3A_328 = arith.constant 1 : i32
    %swap3A_329 = arith.index_cast %swap3A_327 : i32 to index
    %swap3A_330 = arith.index_cast %swap3A_328 : i32 to index
    %swap3A_331 = arith.constant 32 : index
    %swap3A_332 = tpu.vector_load %arg8[%swap3A_329, %swap3A_330, %swap3A_331] {strides = array<i32>} : memref<4x4x128xi32, #tpu.memory_space<vmem>>, vector<1x1x16xi32>,
    %swap3A_333 = vector.shape_cast %swap3A_332 : vector<1x1x16xi32> to vector<16xi32>
    %swap3A_334 = vector.shape_cast %add3A_326 : vector<16xi32> to vector<1x1x16xi32>
    tpu.vector_store %arg8[%swap3A_329, %swap3A_330, %swap3A_331], %swap3A_334 {strides = array<i32>} : memref<4x4x128xi32, #tpu.memory_space<vmem>>, vector<1x1x16xi32>,
    %get3A_335 = arith.constant 1 : i32
    %get3A_336 = arith.constant 1 : i32
    %get3A_337 = arith.index_cast %get3A_335 : i32 to index
    %get3A_338 = arith.index_cast %get3A_336 : i32 to index
    %get3A_339 = arith.constant 48 : index
    %get3A_340 = tpu.vector_load %arg8[%get3A_337, %get3A_338, %get3A_339] {strides = array<i32>} : memref<4x4x128xi32, #tpu.memory_space<vmem>>, vector<1x1x16xi32>,
    %get3A_341 = vector.shape_cast %get3A_340 : vector<1x1x16xi32> to vector<16xi32>
    %add3A_342 = arith.constant 86 : i32
    %add3A_343 = vector.broadcast %add3A_342 : i32 to vector<16xi32>
    %add3A_344 = arith.addi %get3A_341, %add3A_343 : vector<16xi32>
    %swap3A_345 = arith.constant 1 : i32
    %swap3A_346 = arith.constant 1 : i32
    %swap3A_347 = arith.index_cast %swap3A_345 : i32 to index
    %swap3A_348 = arith.index_cast %swap3A_346 : i32 to index
    %swap3A_349 = arith.constant 48 : index
    %swap3A_350 = tpu.vector_load %arg8[%swap3A_347, %swap3A_348, %swap3A_349] {strides = array<i32>} : memref<4x4x128xi32, #tpu.memory_space<vmem>>, vector<1x1x16xi32>,
    %swap3A_351 = vector.shape_cast %swap3A_350 : vector<1x1x16xi32> to vector<16xi32>
    %swap3A_352 = vector.shape_cast %add3A_344 : vector<16xi32> to vector<1x1x16xi32>
    tpu.vector_store %arg8[%swap3A_347, %swap3A_348, %swap3A_349], %swap3A_352 {strides = array<i32>} : memref<4x4x128xi32, #tpu.memory_space<vmem>>, vector<1x1x16xi32>,
    %get3A_353 = arith.constant 1 : i32
    %get3A_354 = arith.constant 1 : i32
    %get3A_355 = arith.index_cast %get3A_353 : i32 to index
    %get3A_356 = arith.index_cast %get3A_354 : i32 to index
    %get3A_357 = arith.constant 64 : index
    %get3A_358 = tpu.vector_load %arg8[%get3A_355, %get3A_356, %get3A_357] {strides = array<i32>} : memref<4x4x128xi32, #tpu.memory_space<vmem>>, vector<1x1x16xi32>,
    %get3A_359 = vector.shape_cast %get3A_358 : vector<1x1x16xi32> to vector<16xi32>
    %add3A_360 = arith.constant 86 : i32
    %add3A_361 = vector.broadcast %add3A_360 : i32 to vector<16xi32>
    %add3A_362 = arith.addi %get3A_359, %add3A_361 : vector<16xi32>
    %swap3A_363 = arith.constant 1 : i32
    %swap3A_364 = arith.constant 1 : i32
    %swap3A_365 = arith.index_cast %swap3A_363 : i32 to index
    %swap3A_366 = arith.index_cast %swap3A_364 : i32 to index
    %swap3A_367 = arith.constant 64 : index
    %swap3A_368 = tpu.vector_load %arg8[%swap3A_365, %swap3A_366, %swap3A_367] {strides = array<i32>} : memref<4x4x128xi32, #tpu.memory_space<vmem>>, vector<1x1x16xi32>,
    %swap3A_369 = vector.shape_cast %swap3A_368 : vector<1x1x16xi32> to vector<16xi32>
    %swap3A_370 = vector.shape_cast %add3A_362 : vector<16xi32> to vector<1x1x16xi32>
    tpu.vector_store %arg8[%swap3A_365, %swap3A_366, %swap3A_367], %swap3A_370 {strides = array<i32>} : memref<4x4x128xi32, #tpu.memory_space<vmem>>, vector<1x1x16xi32>,
    %get3A_371 = arith.constant 1 : i32
    %get3A_372 = arith.constant 1 : i32
    %get3A_373 = arith.index_cast %get3A_371 : i32 to index
    %get3A_374 = arith.index_cast %get3A_372 : i32 to index
    %get3A_375 = arith.constant 80 : index
    %get3A_376 = tpu.vector_load %arg8[%get3A_373, %get3A_374, %get3A_375] {strides = array<i32>} : memref<4x4x128xi32, #tpu.memory_space<vmem>>, vector<1x1x16xi32>,
    %get3A_377 = vector.shape_cast %get3A_376 : vector<1x1x16xi32> to vector<16xi32>
    %add3A_378 = arith.constant 86 : i32
    %add3A_379 = vector.broadcast %add3A_378 : i32 to vector<16xi32>
    %add3A_380 = arith.addi %get3A_377, %add3A_379 : vector<16xi32>
    %swap3A_381 = arith.constant 1 : i32
    %swap3A_382 = arith.constant 1 : i32
    %swap3A_383 = arith.index_cast %swap3A_381 : i32 to index
    %swap3A_384 = arith.index_cast %swap3A_382 : i32 to index
    %swap3A_385 = arith.constant 80 : index
    %swap3A_386 = tpu.vector_load %arg8[%swap3A_383, %swap3A_384, %swap3A_385] {strides = array<i32>} : memref<4x4x128xi32, #tpu.memory_space<vmem>>, vector<1x1x16xi32>,
    %swap3A_387 = vector.shape_cast %swap3A_386 : vector<1x1x16xi32> to vector<16xi32>
    %swap3A_388 = vector.shape_cast %add3A_380 : vector<16xi32> to vector<1x1x16xi32>
    tpu.vector_store %arg8[%swap3A_383, %swap3A_384, %swap3A_385], %swap3A_388 {strides = array<i32>} : memref<4x4x128xi32, #tpu.memory_space<vmem>>, vector<1x1x16xi32>,
    %get3A_389 = arith.constant 1 : i32
    %get3A_390 = arith.constant 1 : i32
    %get3A_391 = arith.index_cast %get3A_389 : i32 to index
    %get3A_392 = arith.index_cast %get3A_390 : i32 to index
    %get3A_393 = arith.constant 96 : index
    %get3A_394 = tpu.vector_load %arg8[%get3A_391, %get3A_392, %get3A_393] {strides = array<i32>} : memref<4x4x128xi32, #tpu.memory_space<vmem>>, vector<1x1x16xi32>,
    %get3A_395 = vector.shape_cast %get3A_394 : vector<1x1x16xi32> to vector<16xi32>
    %add3A_396 = arith.constant 86 : i32
    %add3A_397 = vector.broadcast %add3A_396 : i32 to vector<16xi32>
    %add3A_398 = arith.addi %get3A_395, %add3A_397 : vector<16xi32>
    %swap3A_399 = arith.constant 1 : i32
    %swap3A_400 = arith.constant 1 : i32
    %swap3A_401 = arith.index_cast %swap3A_399 : i32 to index
    %swap3A_402 = arith.index_cast %swap3A_400 : i32 to index
    %swap3A_403 = arith.constant 96 : index
    %swap3A_404 = tpu.vector_load %arg8[%swap3A_401, %swap3A_402, %swap3A_403] {strides = array<i32>} : memref<4x4x128xi32, #tpu.memory_space<vmem>>, vector<1x1x16xi32>,
    %swap3A_405 = vector.shape_cast %swap3A_404 : vector<1x1x16xi32> to vector<16xi32>
    %swap3A_406 = vector.shape_cast %add3A_398 : vector<16xi32> to vector<1x1x16xi32>
    tpu.vector_store %arg8[%swap3A_401, %swap3A_402, %swap3A_403], %swap3A_406 {strides = array<i32>} : memref<4x4x128xi32, #tpu.memory_space<vmem>>, vector<1x1x16xi32>,
    %get3A_407 = arith.constant 1 : i32
    %get3A_408 = arith.constant 1 : i32
    %get3A_409 = arith.index_cast %get3A_407 : i32 to index
    %get3A_410 = arith.index_cast %get3A_408 : i32 to index
    %get3A_411 = arith.constant 112 : index
    %get3A_412 = tpu.vector_load %arg8[%get3A_409, %get3A_410, %get3A_411] {strides = array<i32>} : memref<4x4x128xi32, #tpu.memory_space<vmem>>, vector<1x1x16xi32>,
    %get3A_413 = vector.shape_cast %get3A_412 : vector<1x1x16xi32> to vector<16xi32>
    %add3A_414 = arith.constant 86 : i32
    %add3A_415 = vector.broadcast %add3A_414 : i32 to vector<16xi32>
    %add3A_416 = arith.addi %get3A_413, %add3A_415 : vector<16xi32>
    %swap3A_417 = arith.constant 1 : i32
    %swap3A_418 = arith.constant 1 : i32
    %swap3A_419 = arith.index_cast %swap3A_417 : i32 to index
    %swap3A_420 = arith.index_cast %swap3A_418 : i32 to index
    %swap3A_421 = arith.constant 112 : index
    %swap3A_422 = tpu.vector_load %arg8[%swap3A_419, %swap3A_420, %swap3A_421] {strides = array<i32>} : memref<4x4x128xi32, #tpu.memory_space<vmem>>, vector<1x1x16xi32>,
    %swap3A_423 = vector.shape_cast %swap3A_422 : vector<1x1x16xi32> to vector<16xi32>
    %swap3A_424 = vector.shape_cast %add3A_416 : vector<16xi32> to vector<1x1x16xi32>
    tpu.vector_store %arg8[%swap3A_419, %swap3A_420, %swap3A_421], %swap3A_424 {strides = array<i32>} : memref<4x4x128xi32, #tpu.memory_space<vmem>>, vector<1x1x16xi32>,
    %get3A_425 = arith.constant 1 : i32
    %get3A_426 = arith.constant 2 : i32
    %get3A_427 = arith.index_cast %get3A_425 : i32 to index
    %get3A_428 = arith.index_cast %get3A_426 : i32 to index
    %get3A_429 = arith.constant 0 : index
    %get3A_430 = tpu.vector_load %arg8[%get3A_427, %get3A_428, %get3A_429] {strides = array<i32>} : memref<4x4x128xi32, #tpu.memory_space<vmem>>, vector<1x1x16xi32>,
    %get3A_431 = vector.shape_cast %get3A_430 : vector<1x1x16xi32> to vector<16xi32>
    %add3A_432 = arith.constant 86 : i32
    %add3A_433 = vector.broadcast %add3A_432 : i32 to vector<16xi32>
    %add3A_434 = arith.addi %get3A_431, %add3A_433 : vector<16xi32>
    %swap3A_435 = arith.constant 1 : i32
    %swap3A_436 = arith.constant 2 : i32
    %swap3A_437 = arith.index_cast %swap3A_435 : i32 to index
    %swap3A_438 = arith.index_cast %swap3A_436 : i32 to index
    %swap3A_439 = arith.constant 0 : index
    %swap3A_440 = tpu.vector_load %arg8[%swap3A_437, %swap3A_438, %swap3A_439] {strides = array<i32>} : memref<4x4x128xi32, #tpu.memory_space<vmem>>, vector<1x1x16xi32>,
    %swap3A_441 = vector.shape_cast %swap3A_440 : vector<1x1x16xi32> to vector<16xi32>
    %swap3A_442 = vector.shape_cast %add3A_434 : vector<16xi32> to vector<1x1x16xi32>
    tpu.vector_store %arg8[%swap3A_437, %swap3A_438, %swap3A_439], %swap3A_442 {strides = array<i32>} : memref<4x4x128xi32, #tpu.memory_space<vmem>>, vector<1x1x16xi32>,
    %get3A_443 = arith.constant 1 : i32
    %get3A_444 = arith.constant 2 : i32
    %get3A_445 = arith.index_cast %get3A_443 : i32 to index
    %get3A_446 = arith.index_cast %get3A_444 : i32 to index
    %get3A_447 = arith.constant 16 : index
    %get3A_448 = tpu.vector_load %arg8[%get3A_445, %get3A_446, %get3A_447] {strides = array<i32>} : memref<4x4x128xi32, #tpu.memory_space<vmem>>, vector<1x1x16xi32>,
    %get3A_449 = vector.shape_cast %get3A_448 : vector<1x1x16xi32> to vector<16xi32>
    %add3A_450 = arith.constant 86 : i32
    %add3A_451 = vector.broadcast %add3A_450 : i32 to vector<16xi32>
    %add3A_452 = arith.addi %get3A_449, %add3A_451 : vector<16xi32>
    %swap3A_453 = arith.constant 1 : i32
    %swap3A_454 = arith.constant 2 : i32
    %swap3A_455 = arith.index_cast %swap3A_453 : i32 to index
    %swap3A_456 = arith.index_cast %swap3A_454 : i32 to index
    %swap3A_457 = arith.constant 16 : index
    %swap3A_458 = tpu.vector_load %arg8[%swap3A_455, %swap3A_456, %swap3A_457] {strides = array<i32>} : memref<4x4x128xi32, #tpu.memory_space<vmem>>, vector<1x1x16xi32>,
    %swap3A_459 = vector.shape_cast %swap3A_458 : vector<1x1x16xi32> to vector<16xi32>
    %swap3A_460 = vector.shape_cast %add3A_452 : vector<16xi32> to vector<1x1x16xi32>
    tpu.vector_store %arg8[%swap3A_455, %swap3A_456, %swap3A_457], %swap3A_460 {strides = array<i32>} : memref<4x4x128xi32, #tpu.memory_space<vmem>>, vector<1x1x16xi32>,
    %get3A_461 = arith.constant 1 : i32
    %get3A_462 = arith.constant 2 : i32
    %get3A_463 = arith.index_cast %get3A_461 : i32 to index
    %get3A_464 = arith.index_cast %get3A_462 : i32 to index
    %get3A_465 = arith.constant 32 : index
    %get3A_466 = tpu.vector_load %arg8[%get3A_463, %get3A_464, %get3A_465] {strides = array<i32>} : memref<4x4x128xi32, #tpu.memory_space<vmem>>, vector<1x1x16xi32>,
    %get3A_467 = vector.shape_cast %get3A_466 : vector<1x1x16xi32> to vector<16xi32>
    %add3A_468 = arith.constant 86 : i32
    %add3A_469 = vector.broadcast %add3A_468 : i32 to vector<16xi32>
    %add3A_470 = arith.addi %get3A_467, %add3A_469 : vector<16xi32>
    %swap3A_471 = arith.constant 1 : i32
    %swap3A_472 = arith.constant 2 : i32
    %swap3A_473 = arith.index_cast %swap3A_471 : i32 to index
    %swap3A_474 = arith.index_cast %swap3A_472 : i32 to index
    %swap3A_475 = arith.constant 32 : index
    %swap3A_476 = tpu.vector_load %arg8[%swap3A_473, %swap3A_474, %swap3A_475] {strides = array<i32>} : memref<4x4x128xi32, #tpu.memory_space<vmem>>, vector<1x1x16xi32>,
    %swap3A_477 = vector.shape_cast %swap3A_476 : vector<1x1x16xi32> to vector<16xi32>
    %swap3A_478 = vector.shape_cast %add3A_470 : vector<16xi32> to vector<1x1x16xi32>
    tpu.vector_store %arg8[%swap3A_473, %swap3A_474, %swap3A_475], %swap3A_478 {strides = array<i32>} : memref<4x4x128xi32, #tpu.memory_space<vmem>>, vector<1x1x16xi32>,
    %get3A_479 = arith.constant 1 : i32
    %get3A_480 = arith.constant 2 : i32
    %get3A_481 = arith.index_cast %get3A_479 : i32 to index
    %get3A_482 = arith.index_cast %get3A_480 : i32 to index
    %get3A_483 = arith.constant 48 : index
    %get3A_484 = tpu.vector_load %arg8[%get3A_481, %get3A_482, %get3A_483] {strides = array<i32>} : memref<4x4x128xi32, #tpu.memory_space<vmem>>, vector<1x1x16xi32>,
    %get3A_485 = vector.shape_cast %get3A_484 : vector<1x1x16xi32> to vector<16xi32>
    %add3A_486 = arith.constant 86 : i32
    %add3A_487 = vector.broadcast %add3A_486 : i32 to vector<16xi32>
    %add3A_488 = arith.addi %get3A_485, %add3A_487 : vector<16xi32>
    %swap3A_489 = arith.constant 1 : i32
    %swap3A_490 = arith.constant 2 : i32
    %swap3A_491 = arith.index_cast %swap3A_489 : i32 to index
    %swap3A_492 = arith.index_cast %swap3A_490 : i32 to index
    %swap3A_493 = arith.constant 48 : index
    %swap3A_494 = tpu.vector_load %arg8[%swap3A_491, %swap3A_492, %swap3A_493] {strides = array<i32>} : memref<4x4x128xi32, #tpu.memory_space<vmem>>, vector<1x1x16xi32>,
    %swap3A_495 = vector.shape_cast %swap3A_494 : vector<1x1x16xi32> to vector<16xi32>
    %swap3A_496 = vector.shape_cast %add3A_488 : vector<16xi32> to vector<1x1x16xi32>
    tpu.vector_store %arg8[%swap3A_491, %swap3A_492, %swap3A_493], %swap3A_496 {strides = array<i32>} : memref<4x4x128xi32, #tpu.memory_space<vmem>>, vector<1x1x16xi32>,
    %get3A_497 = arith.constant 1 : i32
    %get3A_498 = arith.constant 2 : i32
    %get3A_499 = arith.index_cast %get3A_497 : i32 to index
    %get3A_500 = arith.index_cast %get3A_498 : i32 to index
    %get3A_501 = arith.constant 64 : index
    %get3A_502 = tpu.vector_load %arg8[%get3A_499, %get3A_500, %get3A_501] {strides = array<i32>} : memref<4x4x128xi32, #tpu.memory_space<vmem>>, vector<1x1x16xi32>,
    %get3A_503 = vector.shape_cast %get3A_502 : vector<1x1x16xi32> to vector<16xi32>
    %add3A_504 = arith.constant 86 : i32
    %add3A_505 = vector.broadcast %add3A_504 : i32 to vector<16xi32>
    %add3A_506 = arith.addi %get3A_503, %add3A_505 : vector<16xi32>
    %swap3A_507 = arith.constant 1 : i32
    %swap3A_508 = arith.constant 2 : i32
    %swap3A_509 = arith.index_cast %swap3A_507 : i32 to index
    %swap3A_510 = arith.index_cast %swap3A_508 : i32 to index
    %swap3A_511 = arith.constant 64 : index
    %swap3A_512 = tpu.vector_load %arg8[%swap3A_509, %swap3A_510, %swap3A_511] {strides = array<i32>} : memref<4x4x128xi32, #tpu.memory_space<vmem>>, vector<1x1x16xi32>,
    %swap3A_513 = vector.shape_cast %swap3A_512 : vector<1x1x16xi32> to vector<16xi32>
    %swap3A_514 = vector.shape_cast %add3A_506 : vector<16xi32> to vector<1x1x16xi32>
    tpu.vector_store %arg8[%swap3A_509, %swap3A_510, %swap3A_511], %swap3A_514 {strides = array<i32>} : memref<4x4x128xi32, #tpu.memory_space<vmem>>, vector<1x1x16xi32>,
    %get3A_515 = arith.constant 1 : i32
    %get3A_516 = arith.constant 2 : i32
    %get3A_517 = arith.index_cast %get3A_515 : i32 to index
    %get3A_518 = arith.index_cast %get3A_516 : i32 to index
    %get3A_519 = arith.constant 80 : index
    %get3A_520 = tpu.vector_load %arg8[%get3A_517, %get3A_518, %get3A_519] {strides = array<i32>} : memref<4x4x128xi32, #tpu.memory_space<vmem>>, vector<1x1x16xi32>,
    %get3A_521 = vector.shape_cast %get3A_520 : vector<1x1x16xi32> to vector<16xi32>
    %add3A_522 = arith.constant 86 : i32
    %add3A_523 = vector.broadcast %add3A_522 : i32 to vector<16xi32>
    %add3A_524 = arith.addi %get3A_521, %add3A_523 : vector<16xi32>
    %swap3A_525 = arith.constant 1 : i32
    %swap3A_526 = arith.constant 2 : i32
    %swap3A_527 = arith.index_cast %swap3A_525 : i32 to index
    %swap3A_528 = arith.index_cast %swap3A_526 : i32 to index
    %swap3A_529 = arith.constant 80 : index
    %swap3A_530 = tpu.vector_load %arg8[%swap3A_527, %swap3A_528, %swap3A_529] {strides = array<i32>} : memref<4x4x128xi32, #tpu.memory_space<vmem>>, vector<1x1x16xi32>,
    %swap3A_531 = vector.shape_cast %swap3A_530 : vector<1x1x16xi32> to vector<16xi32>
    %swap3A_532 = vector.shape_cast %add3A_524 : vector<16xi32> to vector<1x1x16xi32>
    tpu.vector_store %arg8[%swap3A_527, %swap3A_528, %swap3A_529], %swap3A_532 {strides = array<i32>} : memref<4x4x128xi32, #tpu.memory_space<vmem>>, vector<1x1x16xi32>,
    %get3A_533 = arith.constant 1 : i32
    %get3A_534 = arith.constant 2 : i32
    %get3A_535 = arith.index_cast %get3A_533 : i32 to index
    %get3A_536 = arith.index_cast %get3A_534 : i32 to index
    %get3A_537 = arith.constant 96 : index
    %get3A_538 = tpu.vector_load %arg8[%get3A_535, %get3A_536, %get3A_537] {strides = array<i32>} : memref<4x4x128xi32, #tpu.memory_space<vmem>>, vector<1x1x16xi32>,
    %get3A_539 = vector.shape_cast %get3A_538 : vector<1x1x16xi32> to vector<16xi32>
    %add3A_540 = arith.constant 86 : i32
    %add3A_541 = vector.broadcast %add3A_540 : i32 to vector<16xi32>
    %add3A_542 = arith.addi %get3A_539, %add3A_541 : vector<16xi32>
    %swap3A_543 = arith.constant 1 : i32
    %swap3A_544 = arith.constant 2 : i32
    %swap3A_545 = arith.index_cast %swap3A_543 : i32 to index
    %swap3A_546 = arith.index_cast %swap3A_544 : i32 to index
    %swap3A_547 = arith.constant 96 : index
    %swap3A_548 = tpu.vector_load %arg8[%swap3A_545, %swap3A_546, %swap3A_547] {strides = array<i32>} : memref<4x4x128xi32, #tpu.memory_space<vmem>>, vector<1x1x16xi32>,
    %swap3A_549 = vector.shape_cast %swap3A_548 : vector<1x1x16xi32> to vector<16xi32>
    %swap3A_550 = vector.shape_cast %add3A_542 : vector<16xi32> to vector<1x1x16xi32>
    tpu.vector_store %arg8[%swap3A_545, %swap3A_546, %swap3A_547], %swap3A_550 {strides = array<i32>} : memref<4x4x128xi32, #tpu.memory_space<vmem>>, vector<1x1x16xi32>,
    %get3A_551 = arith.constant 1 : i32
    %get3A_552 = arith.constant 2 : i32
    %get3A_553 = arith.index_cast %get3A_551 : i32 to index
    %get3A_554 = arith.index_cast %get3A_552 : i32 to index
    %get3A_555 = arith.constant 112 : index
    %get3A_556 = tpu.vector_load %arg8[%get3A_553, %get3A_554, %get3A_555] {strides = array<i32>} : memref<4x4x128xi32, #tpu.memory_space<vmem>>, vector<1x1x16xi32>,
    %get3A_557 = vector.shape_cast %get3A_556 : vector<1x1x16xi32> to vector<16xi32>
    %add3A_558 = arith.constant 86 : i32
    %add3A_559 = vector.broadcast %add3A_558 : i32 to vector<16xi32>
    %add3A_560 = arith.addi %get3A_557, %add3A_559 : vector<16xi32>
    %swap3A_561 = arith.constant 1 : i32
    %swap3A_562 = arith.constant 2 : i32
    %swap3A_563 = arith.index_cast %swap3A_561 : i32 to index
    %swap3A_564 = arith.index_cast %swap3A_562 : i32 to index
    %swap3A_565 = arith.constant 112 : index
    %swap3A_566 = tpu.vector_load %arg8[%swap3A_563, %swap3A_564, %swap3A_565] {strides = array<i32>} : memref<4x4x128xi32, #tpu.memory_space<vmem>>, vector<1x1x16xi32>,
    %swap3A_567 = vector.shape_cast %swap3A_566 : vector<1x1x16xi32> to vector<16xi32>
    %swap3A_568 = vector.shape_cast %add3A_560 : vector<16xi32> to vector<1x1x16xi32>
    tpu.vector_store %arg8[%swap3A_563, %swap3A_564, %swap3A_565], %swap3A_568 {strides = array<i32>} : memref<4x4x128xi32, #tpu.memory_space<vmem>>, vector<1x1x16xi32>,
    %get3A_569 = arith.constant 1 : i32
    %get3A_570 = arith.constant 3 : i32
    %get3A_571 = arith.index_cast %get3A_569 : i32 to index
    %get3A_572 = arith.index_cast %get3A_570 : i32 to index
    %get3A_573 = arith.constant 0 : index
    %get3A_574 = tpu.vector_load %arg8[%get3A_571, %get3A_572, %get3A_573] {strides = array<i32>} : memref<4x4x128xi32, #tpu.memory_space<vmem>>, vector<1x1x16xi32>,
    %get3A_575 = vector.shape_cast %get3A_574 : vector<1x1x16xi32> to vector<16xi32>
    %add3A_576 = arith.constant 86 : i32
    %add3A_577 = vector.broadcast %add3A_576 : i32 to vector<16xi32>
    %add3A_578 = arith.addi %get3A_575, %add3A_577 : vector<16xi32>
    %swap3A_579 = arith.constant 1 : i32
    %swap3A_580 = arith.constant 3 : i32
    %swap3A_581 = arith.index_cast %swap3A_579 : i32 to index
    %swap3A_582 = arith.index_cast %swap3A_580 : i32 to index
    %swap3A_583 = arith.constant 0 : index
    %swap3A_584 = tpu.vector_load %arg8[%swap3A_581, %swap3A_582, %swap3A_583] {strides = array<i32>} : memref<4x4x128xi32, #tpu.memory_space<vmem>>, vector<1x1x16xi32>,
    %swap3A_585 = vector.shape_cast %swap3A_584 : vector<1x1x16xi32> to vector<16xi32>
    %swap3A_586 = vector.shape_cast %add3A_578 : vector<16xi32> to vector<1x1x16xi32>
    tpu.vector_store %arg8[%swap3A_581, %swap3A_582, %swap3A_583], %swap3A_586 {strides = array<i32>} : memref<4x4x128xi32, #tpu.memory_space<vmem>>, vector<1x1x16xi32>,
    %get3A_587 = arith.constant 1 : i32
    %get3A_588 = arith.constant 3 : i32
    %get3A_589 = arith.index_cast %get3A_587 : i32 to index
    %get3A_590 = arith.index_cast %get3A_588 : i32 to index
    %get3A_591 = arith.constant 16 : index
    %get3A_592 = tpu.vector_load %arg8[%get3A_589, %get3A_590, %get3A_591] {strides = array<i32>} : memref<4x4x128xi32, #tpu.memory_space<vmem>>, vector<1x1x16xi32>,
    %get3A_593 = vector.shape_cast %get3A_592 : vector<1x1x16xi32> to vector<16xi32>
    %add3A_594 = arith.constant 86 : i32
    %add3A_595 = vector.broadcast %add3A_594 : i32 to vector<16xi32>
    %add3A_596 = arith.addi %get3A_593, %add3A_595 : vector<16xi32>
    %swap3A_597 = arith.constant 1 : i32
    %swap3A_598 = arith.constant 3 : i32
    %swap3A_599 = arith.index_cast %swap3A_597 : i32 to index
    %swap3A_600 = arith.index_cast %swap3A_598 : i32 to index
    %swap3A_601 = arith.constant 16 : index
    %swap3A_602 = tpu.vector_load %arg8[%swap3A_599, %swap3A_600, %swap3A_601] {strides = array<i32>} : memref<4x4x128xi32, #tpu.memory_space<vmem>>, vector<1x1x16xi32>,
    %swap3A_603 = vector.shape_cast %swap3A_602 : vector<1x1x16xi32> to vector<16xi32>
    %swap3A_604 = vector.shape_cast %add3A_596 : vector<16xi32> to vector<1x1x16xi32>
    tpu.vector_store %arg8[%swap3A_599, %swap3A_600, %swap3A_601], %swap3A_604 {strides = array<i32>} : memref<4x4x128xi32, #tpu.memory_space<vmem>>, vector<1x1x16xi32>,
    %get3A_605 = arith.constant 1 : i32
    %get3A_606 = arith.constant 3 : i32
    %get3A_607 = arith.index_cast %get3A_605 : i32 to index
    %get3A_608 = arith.index_cast %get3A_606 : i32 to index
    %get3A_609 = arith.constant 32 : index
    %get3A_610 = tpu.vector_load %arg8[%get3A_607, %get3A_608, %get3A_609] {strides = array<i32>} : memref<4x4x128xi32, #tpu.memory_space<vmem>>, vector<1x1x16xi32>,
    %get3A_611 = vector.shape_cast %get3A_610 : vector<1x1x16xi32> to vector<16xi32>
    %add3A_612 = arith.constant 86 : i32
    %add3A_613 = vector.broadcast %add3A_612 : i32 to vector<16xi32>
    %add3A_614 = arith.addi %get3A_611, %add3A_613 : vector<16xi32>
    %swap3A_615 = arith.constant 1 : i32
    %swap3A_616 = arith.constant 3 : i32
    %swap3A_617 = arith.index_cast %swap3A_615 : i32 to index
    %swap3A_618 = arith.index_cast %swap3A_616 : i32 to index
    %swap3A_619 = arith.constant 32 : index
    %swap3A_620 = tpu.vector_load %arg8[%swap3A_617, %swap3A_618, %swap3A_619] {strides = array<i32>} : memref<4x4x128xi32, #tpu.memory_space<vmem>>, vector<1x1x16xi32>,
    %swap3A_621 = vector.shape_cast %swap3A_620 : vector<1x1x16xi32> to vector<16xi32>
    %swap3A_622 = vector.shape_cast %add3A_614 : vector<16xi32> to vector<1x1x16xi32>
    tpu.vector_store %arg8[%swap3A_617, %swap3A_618, %swap3A_619], %swap3A_622 {strides = array<i32>} : memref<4x4x128xi32, #tpu.memory_space<vmem>>, vector<1x1x16xi32>,
    %get3A_623 = arith.constant 1 : i32
    %get3A_624 = arith.constant 3 : i32
    %get3A_625 = arith.index_cast %get3A_623 : i32 to index
    %get3A_626 = arith.index_cast %get3A_624 : i32 to index
    %get3A_627 = arith.constant 48 : index
    %get3A_628 = tpu.vector_load %arg8[%get3A_625, %get3A_626, %get3A_627] {strides = array<i32>} : memref<4x4x128xi32, #tpu.memory_space<vmem>>, vector<1x1x16xi32>,
    %get3A_629 = vector.shape_cast %get3A_628 : vector<1x1x16xi32> to vector<16xi32>
    %add3A_630 = arith.constant 86 : i32
    %add3A_631 = vector.broadcast %add3A_630 : i32 to vector<16xi32>
    %add3A_632 = arith.addi %get3A_629, %add3A_631 : vector<16xi32>
    %swap3A_633 = arith.constant 1 : i32
    %swap3A_634 = arith.constant 3 : i32
    %swap3A_635 = arith.index_cast %swap3A_633 : i32 to index
    %swap3A_636 = arith.index_cast %swap3A_634 : i32 to index
    %swap3A_637 = arith.constant 48 : index
    %swap3A_638 = tpu.vector_load %arg8[%swap3A_635, %swap3A_636, %swap3A_637] {strides = array<i32>} : memref<4x4x128xi32, #tpu.memory_space<vmem>>, vector<1x1x16xi32>,
    %swap3A_639 = vector.shape_cast %swap3A_638 : vector<1x1x16xi32> to vector<16xi32>
    %swap3A_640 = vector.shape_cast %add3A_632 : vector<16xi32> to vector<1x1x16xi32>
    tpu.vector_store %arg8[%swap3A_635, %swap3A_636, %swap3A_637], %swap3A_640 {strides = array<i32>} : memref<4x4x128xi32, #tpu.memory_space<vmem>>, vector<1x1x16xi32>,
    %get3A_641 = arith.constant 1 : i32
    %get3A_642 = arith.constant 3 : i32
    %get3A_643 = arith.index_cast %get3A_641 : i32 to index
    %get3A_644 = arith.index_cast %get3A_642 : i32 to index
    %get3A_645 = arith.constant 64 : index
    %get3A_646 = tpu.vector_load %arg8[%get3A_643, %get3A_644, %get3A_645] {strides = array<i32>} : memref<4x4x128xi32, #tpu.memory_space<vmem>>, vector<1x1x16xi32>,
    %get3A_647 = vector.shape_cast %get3A_646 : vector<1x1x16xi32> to vector<16xi32>
    %add3A_648 = arith.constant 86 : i32
    %add3A_649 = vector.broadcast %add3A_648 : i32 to vector<16xi32>
    %add3A_650 = arith.addi %get3A_647, %add3A_649 : vector<16xi32>
    %swap3A_651 = arith.constant 1 : i32
    %swap3A_652 = arith.constant 3 : i32
    %swap3A_653 = arith.index_cast %swap3A_651 : i32 to index
    %swap3A_654 = arith.index_cast %swap3A_652 : i32 to index
    %swap3A_655 = arith.constant 64 : index
    %swap3A_656 = tpu.vector_load %arg8[%swap3A_653, %swap3A_654, %swap3A_655] {strides = array<i32>} : memref<4x4x128xi32, #tpu.memory_space<vmem>>, vector<1x1x16xi32>,
    %swap3A_657 = vector.shape_cast %swap3A_656 : vector<1x1x16xi32> to vector<16xi32>
    %swap3A_658 = vector.shape_cast %add3A_650 : vector<16xi32> to vector<1x1x16xi32>
    tpu.vector_store %arg8[%swap3A_653, %swap3A_654, %swap3A_655], %swap3A_658 {strides = array<i32>} : memref<4x4x128xi32, #tpu.memory_space<vmem>>, vector<1x1x16xi32>,
    %get3A_659 = arith.constant 1 : i32
    %get3A_660 = arith.constant 3 : i32
    %get3A_661 = arith.index_cast %get3A_659 : i32 to index
    %get3A_662 = arith.index_cast %get3A_660 : i32 to index
    %get3A_663 = arith.constant 80 : index
    %get3A_664 = tpu.vector_load %arg8[%get3A_661, %get3A_662, %get3A_663] {strides = array<i32>} : memref<4x4x128xi32, #tpu.memory_space<vmem>>, vector<1x1x16xi32>,
    %get3A_665 = vector.shape_cast %get3A_664 : vector<1x1x16xi32> to vector<16xi32>
    %add3A_666 = arith.constant 86 : i32
    %add3A_667 = vector.broadcast %add3A_666 : i32 to vector<16xi32>
    %add3A_668 = arith.addi %get3A_665, %add3A_667 : vector<16xi32>
    %swap3A_669 = arith.constant 1 : i32
    %swap3A_670 = arith.constant 3 : i32
    %swap3A_671 = arith.index_cast %swap3A_669 : i32 to index
    %swap3A_672 = arith.index_cast %swap3A_670 : i32 to index
    %swap3A_673 = arith.constant 80 : index
    %swap3A_674 = tpu.vector_load %arg8[%swap3A_671, %swap3A_672, %swap3A_673] {strides = array<i32>} : memref<4x4x128xi32, #tpu.memory_space<vmem>>, vector<1x1x16xi32>,
    %swap3A_675 = vector.shape_cast %swap3A_674 : vector<1x1x16xi32> to vector<16xi32>
    %swap3A_676 = vector.shape_cast %add3A_668 : vector<16xi32> to vector<1x1x16xi32>
    tpu.vector_store %arg8[%swap3A_671, %swap3A_672, %swap3A_673], %swap3A_676 {strides = array<i32>} : memref<4x4x128xi32, #tpu.memory_space<vmem>>, vector<1x1x16xi32>,
    %get3A_677 = arith.constant 1 : i32
    %get3A_678 = arith.constant 3 : i32
    %get3A_679 = arith.index_cast %get3A_677 : i32 to index
    %get3A_680 = arith.index_cast %get3A_678 : i32 to index
    %get3A_681 = arith.constant 96 : index
    %get3A_682 = tpu.vector_load %arg8[%get3A_679, %get3A_680, %get3A_681] {strides = array<i32>} : memref<4x4x128xi32, #tpu.memory_space<vmem>>, vector<1x1x16xi32>,
    %get3A_683 = vector.shape_cast %get3A_682 : vector<1x1x16xi32> to vector<16xi32>
    %add3A_684 = arith.constant 86 : i32
    %add3A_685 = vector.broadcast %add3A_684 : i32 to vector<16xi32>
    %add3A_686 = arith.addi %get3A_683, %add3A_685 : vector<16xi32>
    %swap3A_687 = arith.constant 1 : i32
    %swap3A_688 = arith.constant 3 : i32
    %swap3A_689 = arith.index_cast %swap3A_687 : i32 to index
    %swap3A_690 = arith.index_cast %swap3A_688 : i32 to index
    %swap3A_691 = arith.constant 96 : index
    %swap3A_692 = tpu.vector_load %arg8[%swap3A_689, %swap3A_690, %swap3A_691] {strides = array<i32>} : memref<4x4x128xi32, #tpu.memory_space<vmem>>, vector<1x1x16xi32>,
    %swap3A_693 = vector.shape_cast %swap3A_692 : vector<1x1x16xi32> to vector<16xi32>
    %swap3A_694 = vector.shape_cast %add3A_686 : vector<16xi32> to vector<1x1x16xi32>
    tpu.vector_store %arg8[%swap3A_689, %swap3A_690, %swap3A_691], %swap3A_694 {strides = array<i32>} : memref<4x4x128xi32, #tpu.memory_space<vmem>>, vector<1x1x16xi32>,
    %get3A_695 = arith.constant 1 : i32
    %get3A_696 = arith.constant 3 : i32
    %get3A_697 = arith.index_cast %get3A_695 : i32 to index
    %get3A_698 = arith.index_cast %get3A_696 : i32 to index
    %get3A_699 = arith.constant 112 : index
    %get3A_700 = tpu.vector_load %arg8[%get3A_697, %get3A_698, %get3A_699] {strides = array<i32>} : memref<4x4x128xi32, #tpu.memory_space<vmem>>, vector<1x1x16xi32>,
    %get3A_701 = vector.shape_cast %get3A_700 : vector<1x1x16xi32> to vector<16xi32>
    %add3A_702 = arith.constant 86 : i32
    %add3A_703 = vector.broadcast %add3A_702 : i32 to vector<16xi32>
    %add3A_704 = arith.addi %get3A_701, %add3A_703 : vector<16xi32>
    %swap3A_705 = arith.constant 1 : i32
    %swap3A_706 = arith.constant 3 : i32
    %swap3A_707 = arith.index_cast %swap3A_705 : i32 to index
    %swap3A_708 = arith.index_cast %swap3A_706 : i32 to index
    %swap3A_709 = arith.constant 112 : index
    %swap3A_710 = tpu.vector_load %arg8[%swap3A_707, %swap3A_708, %swap3A_709] {strides = array<i32>} : memref<4x4x128xi32, #tpu.memory_space<vmem>>, vector<1x1x16xi32>,
    %swap3A_711 = vector.shape_cast %swap3A_710 : vector<1x1x16xi32> to vector<16xi32>
    %swap3A_712 = vector.shape_cast %add3A_704 : vector<16xi32> to vector<1x1x16xi32>
    tpu.vector_store %arg8[%swap3A_707, %swap3A_708, %swap3A_709], %swap3A_712 {strides = array<i32>} : memref<4x4x128xi32, #tpu.memory_space<vmem>>, vector<1x1x16xi32>,
    %get3A_713 = arith.constant 2 : i32
    %get3A_714 = arith.constant 0 : i32
    %get3A_715 = arith.index_cast %get3A_713 : i32 to index
    %get3A_716 = arith.index_cast %get3A_714 : i32 to index
    %get3A_717 = arith.constant 0 : index
    %get3A_718 = tpu.vector_load %arg8[%get3A_715, %get3A_716, %get3A_717] {strides = array<i32>} : memref<4x4x128xi32, #tpu.memory_space<vmem>>, vector<1x1x16xi32>,
    %get3A_719 = vector.shape_cast %get3A_718 : vector<1x1x16xi32> to vector<16xi32>
    %add3A_720 = arith.constant 172 : i32
    %add3A_721 = vector.broadcast %add3A_720 : i32 to vector<16xi32>
    %add3A_722 = arith.addi %get3A_719, %add3A_721 : vector<16xi32>
    %swap3A_723 = arith.constant 2 : i32
    %swap3A_724 = arith.constant 0 : i32
    %swap3A_725 = arith.index_cast %swap3A_723 : i32 to index
    %swap3A_726 = arith.index_cast %swap3A_724 : i32 to index
    %swap3A_727 = arith.constant 0 : index
    %swap3A_728 = tpu.vector_load %arg8[%swap3A_725, %swap3A_726, %swap3A_727] {strides = array<i32>} : memref<4x4x128xi32, #tpu.memory_space<vmem>>, vector<1x1x16xi32>,
    %swap3A_729 = vector.shape_cast %swap3A_728 : vector<1x1x16xi32> to vector<16xi32>
    %swap3A_730 = vector.shape_cast %add3A_722 : vector<16xi32> to vector<1x1x16xi32>
    tpu.vector_store %arg8[%swap3A_725, %swap3A_726, %swap3A_727], %swap3A_730 {strides = array<i32>} : memref<4x4x128xi32, #tpu.memory_space<vmem>>, vector<1x1x16xi32>,
    %get3A_731 = arith.constant 2 : i32
    %get3A_732 = arith.constant 0 : i32
    %get3A_733 = arith.index_cast %get3A_731 : i32 to index
    %get3A_734 = arith.index_cast %get3A_732 : i32 to index
    %get3A_735 = arith.constant 16 : index
    %get3A_736 = tpu.vector_load %arg8[%get3A_733, %get3A_734, %get3A_735] {strides = array<i32>} : memref<4x4x128xi32, #tpu.memory_space<vmem>>, vector<1x1x16xi32>,
    %get3A_737 = vector.shape_cast %get3A_736 : vector<1x1x16xi32> to vector<16xi32>
    %add3A_738 = arith.constant 172 : i32
    %add3A_739 = vector.broadcast %add3A_738 : i32 to vector<16xi32>
    %add3A_740 = arith.addi %get3A_737, %add3A_739 : vector<16xi32>
    %swap3A_741 = arith.constant 2 : i32
    %swap3A_742 = arith.constant 0 : i32
    %swap3A_743 = arith.index_cast %swap3A_741 : i32 to index
    %swap3A_744 = arith.index_cast %swap3A_742 : i32 to index
    %swap3A_745 = arith.constant 16 : index
    %swap3A_746 = tpu.vector_load %arg8[%swap3A_743, %swap3A_744, %swap3A_745] {strides = array<i32>} : memref<4x4x128xi32, #tpu.memory_space<vmem>>, vector<1x1x16xi32>,
    %swap3A_747 = vector.shape_cast %swap3A_746 : vector<1x1x16xi32> to vector<16xi32>
    %swap3A_748 = vector.shape_cast %add3A_740 : vector<16xi32> to vector<1x1x16xi32>
    tpu.vector_store %arg8[%swap3A_743, %swap3A_744, %swap3A_745], %swap3A_748 {strides = array<i32>} : memref<4x4x128xi32, #tpu.memory_space<vmem>>, vector<1x1x16xi32>,
    %get3A_749 = arith.constant 2 : i32
    %get3A_750 = arith.constant 0 : i32
    %get3A_751 = arith.index_cast %get3A_749 : i32 to index
    %get3A_752 = arith.index_cast %get3A_750 : i32 to index
    %get3A_753 = arith.constant 32 : index
    %get3A_754 = tpu.vector_load %arg8[%get3A_751, %get3A_752, %get3A_753] {strides = array<i32>} : memref<4x4x128xi32, #tpu.memory_space<vmem>>, vector<1x1x16xi32>,
    %get3A_755 = vector.shape_cast %get3A_754 : vector<1x1x16xi32> to vector<16xi32>
    %add3A_756 = arith.constant 172 : i32
    %add3A_757 = vector.broadcast %add3A_756 : i32 to vector<16xi32>
    %add3A_758 = arith.addi %get3A_755, %add3A_757 : vector<16xi32>
    %swap3A_759 = arith.constant 2 : i32
    %swap3A_760 = arith.constant 0 : i32
    %swap3A_761 = arith.index_cast %swap3A_759 : i32 to index
    %swap3A_762 = arith.index_cast %swap3A_760 : i32 to index
    %swap3A_763 = arith.constant 32 : index
    %swap3A_764 = tpu.vector_load %arg8[%swap3A_761, %swap3A_762, %swap3A_763] {strides = array<i32>} : memref<4x4x128xi32, #tpu.memory_space<vmem>>, vector<1x1x16xi32>,
    %swap3A_765 = vector.shape_cast %swap3A_764 : vector<1x1x16xi32> to vector<16xi32>
    %swap3A_766 = vector.shape_cast %add3A_758 : vector<16xi32> to vector<1x1x16xi32>
    tpu.vector_store %arg8[%swap3A_761, %swap3A_762, %swap3A_763], %swap3A_766 {strides = array<i32>} : memref<4x4x128xi32, #tpu.memory_space<vmem>>, vector<1x1x16xi32>,
    %get3A_767 = arith.constant 2 : i32
    %get3A_768 = arith.constant 0 : i32
    %get3A_769 = arith.index_cast %get3A_767 : i32 to index
    %get3A_770 = arith.index_cast %get3A_768 : i32 to index
    %get3A_771 = arith.constant 48 : index
    %get3A_772 = tpu.vector_load %arg8[%get3A_769, %get3A_770, %get3A_771] {strides = array<i32>} : memref<4x4x128xi32, #tpu.memory_space<vmem>>, vector<1x1x16xi32>,
    %get3A_773 = vector.shape_cast %get3A_772 : vector<1x1x16xi32> to vector<16xi32>
    %add3A_774 = arith.constant 172 : i32
    %add3A_775 = vector.broadcast %add3A_774 : i32 to vector<16xi32>
    %add3A_776 = arith.addi %get3A_773, %add3A_775 : vector<16xi32>
    %swap3A_777 = arith.constant 2 : i32
    %swap3A_778 = arith.constant 0 : i32
    %swap3A_779 = arith.index_cast %swap3A_777 : i32 to index
    %swap3A_780 = arith.index_cast %swap3A_778 : i32 to index
    %swap3A_781 = arith.constant 48 : index
    %swap3A_782 = tpu.vector_load %arg8[%swap3A_779, %swap3A_780, %swap3A_781] {strides = array<i32>} : memref<4x4x128xi32, #tpu.memory_space<vmem>>, vector<1x1x16xi32>,
    %swap3A_783 = vector.shape_cast %swap3A_782 : vector<1x1x16xi32> to vector<16xi32>
    %swap3A_784 = vector.shape_cast %add3A_776 : vector<16xi32> to vector<1x1x16xi32>
    tpu.vector_store %arg8[%swap3A_779, %swap3A_780, %swap3A_781], %swap3A_784 {strides = array<i32>} : memref<4x4x128xi32, #tpu.memory_space<vmem>>, vector<1x1x16xi32>,
    %get3A_785 = arith.constant 2 : i32
    %get3A_786 = arith.constant 0 : i32
    %get3A_787 = arith.index_cast %get3A_785 : i32 to index
    %get3A_788 = arith.index_cast %get3A_786 : i32 to index
    %get3A_789 = arith.constant 64 : index
    %get3A_790 = tpu.vector_load %arg8[%get3A_787, %get3A_788, %get3A_789] {strides = array<i32>} : memref<4x4x128xi32, #tpu.memory_space<vmem>>, vector<1x1x16xi32>,
    %get3A_791 = vector.shape_cast %get3A_790 : vector<1x1x16xi32> to vector<16xi32>
    %add3A_792 = arith.constant 172 : i32
    %add3A_793 = vector.broadcast %add3A_792 : i32 to vector<16xi32>
    %add3A_794 = arith.addi %get3A_791, %add3A_793 : vector<16xi32>
    %swap3A_795 = arith.constant 2 : i32
    %swap3A_796 = arith.constant 0 : i32
    %swap3A_797 = arith.index_cast %swap3A_795 : i32 to index
    %swap3A_798 = arith.index_cast %swap3A_796 : i32 to index
    %swap3A_799 = arith.constant 64 : index
    %swap3A_800 = tpu.vector_load %arg8[%swap3A_797, %swap3A_798, %swap3A_799] {strides = array<i32>} : memref<4x4x128xi32, #tpu.memory_space<vmem>>, vector<1x1x16xi32>,
    %swap3A_801 = vector.shape_cast %swap3A_800 : vector<1x1x16xi32> to vector<16xi32>
    %swap3A_802 = vector.shape_cast %add3A_794 : vector<16xi32> to vector<1x1x16xi32>
    tpu.vector_store %arg8[%swap3A_797, %swap3A_798, %swap3A_799], %swap3A_802 {strides = array<i32>} : memref<4x4x128xi32, #tpu.memory_space<vmem>>, vector<1x1x16xi32>,
    %get3A_803 = arith.constant 2 : i32
    %get3A_804 = arith.constant 0 : i32
    %get3A_805 = arith.index_cast %get3A_803 : i32 to index
    %get3A_806 = arith.index_cast %get3A_804 : i32 to index
    %get3A_807 = arith.constant 80 : index
    %get3A_808 = tpu.vector_load %arg8[%get3A_805, %get3A_806, %get3A_807] {strides = array<i32>} : memref<4x4x128xi32, #tpu.memory_space<vmem>>, vector<1x1x16xi32>,
    %get3A_809 = vector.shape_cast %get3A_808 : vector<1x1x16xi32> to vector<16xi32>
    %add3A_810 = arith.constant 172 : i32
    %add3A_811 = vector.broadcast %add3A_810 : i32 to vector<16xi32>
    %add3A_812 = arith.addi %get3A_809, %add3A_811 : vector<16xi32>
    %swap3A_813 = arith.constant 2 : i32
    %swap3A_814 = arith.constant 0 : i32
    %swap3A_815 = arith.index_cast %swap3A_813 : i32 to index
    %swap3A_816 = arith.index_cast %swap3A_814 : i32 to index
    %swap3A_817 = arith.constant 80 : index
    %swap3A_818 = tpu.vector_load %arg8[%swap3A_815, %swap3A_816, %swap3A_817] {strides = array<i32>} : memref<4x4x128xi32, #tpu.memory_space<vmem>>, vector<1x1x16xi32>,
    %swap3A_819 = vector.shape_cast %swap3A_818 : vector<1x1x16xi32> to vector<16xi32>
    %swap3A_820 = vector.shape_cast %add3A_812 : vector<16xi32> to vector<1x1x16xi32>
    tpu.vector_store %arg8[%swap3A_815, %swap3A_816, %swap3A_817], %swap3A_820 {strides = array<i32>} : memref<4x4x128xi32, #tpu.memory_space<vmem>>, vector<1x1x16xi32>,
    %get3A_821 = arith.constant 2 : i32
    %get3A_822 = arith.constant 0 : i32
    %get3A_823 = arith.index_cast %get3A_821 : i32 to index
    %get3A_824 = arith.index_cast %get3A_822 : i32 to index
    %get3A_825 = arith.constant 96 : index
    %get3A_826 = tpu.vector_load %arg8[%get3A_823, %get3A_824, %get3A_825] {strides = array<i32>} : memref<4x4x128xi32, #tpu.memory_space<vmem>>, vector<1x1x16xi32>,
    %get3A_827 = vector.shape_cast %get3A_826 : vector<1x1x16xi32> to vector<16xi32>
    %add3A_828 = arith.constant 172 : i32
    %add3A_829 = vector.broadcast %add3A_828 : i32 to vector<16xi32>
    %add3A_830 = arith.addi %get3A_827, %add3A_829 : vector<16xi32>
    %swap3A_831 = arith.constant 2 : i32
    %swap3A_832 = arith.constant 0 : i32
    %swap3A_833 = arith.index_cast %swap3A_831 : i32 to index
    %swap3A_834 = arith.index_cast %swap3A_832 : i32 to index
    %swap3A_835 = arith.constant 96 : index
    %swap3A_836 = tpu.vector_load %arg8[%swap3A_833, %swap3A_834, %swap3A_835] {strides = array<i32>} : memref<4x4x128xi32, #tpu.memory_space<vmem>>, vector<1x1x16xi32>,
    %swap3A_837 = vector.shape_cast %swap3A_836 : vector<1x1x16xi32> to vector<16xi32>
    %swap3A_838 = vector.shape_cast %add3A_830 : vector<16xi32> to vector<1x1x16xi32>
    tpu.vector_store %arg8[%swap3A_833, %swap3A_834, %swap3A_835], %swap3A_838 {strides = array<i32>} : memref<4x4x128xi32, #tpu.memory_space<vmem>>, vector<1x1x16xi32>,
    %get3A_839 = arith.constant 2 : i32
    %get3A_840 = arith.constant 0 : i32
    %get3A_841 = arith.index_cast %get3A_839 : i32 to index
    %get3A_842 = arith.index_cast %get3A_840 : i32 to index
    %get3A_843 = arith.constant 112 : index
    %get3A_844 = tpu.vector_load %arg8[%get3A_841, %get3A_842, %get3A_843] {strides = array<i32>} : memref<4x4x128xi32, #tpu.memory_space<vmem>>, vector<1x1x16xi32>,
    %get3A_845 = vector.shape_cast %get3A_844 : vector<1x1x16xi32> to vector<16xi32>
    %add3A_846 = arith.constant 172 : i32
    %add3A_847 = vector.broadcast %add3A_846 : i32 to vector<16xi32>
    %add3A_848 = arith.addi %get3A_845, %add3A_847 : vector<16xi32>
    %swap3A_849 = arith.constant 2 : i32
    %swap3A_850 = arith.constant 0 : i32
    %swap3A_851 = arith.index_cast %swap3A_849 : i32 to index
    %swap3A_852 = arith.index_cast %swap3A_850 : i32 to index
    %swap3A_853 = arith.constant 112 : index
    %swap3A_854 = tpu.vector_load %arg8[%swap3A_851, %swap3A_852, %swap3A_853] {strides = array<i32>} : memref<4x4x128xi32, #tpu.memory_space<vmem>>, vector<1x1x16xi32>,
    %swap3A_855 = vector.shape_cast %swap3A_854 : vector<1x1x16xi32> to vector<16xi32>
    %swap3A_856 = vector.shape_cast %add3A_848 : vector<16xi32> to vector<1x1x16xi32>
    tpu.vector_store %arg8[%swap3A_851, %swap3A_852, %swap3A_853], %swap3A_856 {strides = array<i32>} : memref<4x4x128xi32, #tpu.memory_space<vmem>>, vector<1x1x16xi32>,
    %get3A_857 = arith.constant 2 : i32
    %get3A_858 = arith.constant 1 : i32
    %get3A_859 = arith.index_cast %get3A_857 : i32 to index
    %get3A_860 = arith.index_cast %get3A_858 : i32 to index
    %get3A_861 = arith.constant 0 : index
    %get3A_862 = tpu.vector_load %arg8[%get3A_859, %get3A_860, %get3A_861] {strides = array<i32>} : memref<4x4x128xi32, #tpu.memory_space<vmem>>, vector<1x1x16xi32>,
    %get3A_863 = vector.shape_cast %get3A_862 : vector<1x1x16xi32> to vector<16xi32>
    %add3A_864 = arith.constant 172 : i32
    %add3A_865 = vector.broadcast %add3A_864 : i32 to vector<16xi32>
    %add3A_866 = arith.addi %get3A_863, %add3A_865 : vector<16xi32>
    %swap3A_867 = arith.constant 2 : i32
    %swap3A_868 = arith.constant 1 : i32
    %swap3A_869 = arith.index_cast %swap3A_867 : i32 to index
    %swap3A_870 = arith.index_cast %swap3A_868 : i32 to index
    %swap3A_871 = arith.constant 0 : index
    %swap3A_872 = tpu.vector_load %arg8[%swap3A_869, %swap3A_870, %swap3A_871] {strides = array<i32>} : memref<4x4x128xi32, #tpu.memory_space<vmem>>, vector<1x1x16xi32>,
    %swap3A_873 = vector.shape_cast %swap3A_872 : vector<1x1x16xi32> to vector<16xi32>
    %swap3A_874 = vector.shape_cast %add3A_866 : vector<16xi32> to vector<1x1x16xi32>
    tpu.vector_store %arg8[%swap3A_869, %swap3A_870, %swap3A_871], %swap3A_874 {strides = array<i32>} : memref<4x4x128xi32, #tpu.memory_space<vmem>>, vector<1x1x16xi32>,
    %get3A_875 = arith.constant 2 : i32
    %get3A_876 = arith.constant 1 : i32
    %get3A_877 = arith.index_cast %get3A_875 : i32 to index
    %get3A_878 = arith.index_cast %get3A_876 : i32 to index
    %get3A_879 = arith.constant 16 : index
    %get3A_880 = tpu.vector_load %arg8[%get3A_877, %get3A_878, %get3A_879] {strides = array<i32>} : memref<4x4x128xi32, #tpu.memory_space<vmem>>, vector<1x1x16xi32>,
    %get3A_881 = vector.shape_cast %get3A_880 : vector<1x1x16xi32> to vector<16xi32>
    %add3A_882 = arith.constant 172 : i32
    %add3A_883 = vector.broadcast %add3A_882 : i32 to vector<16xi32>
    %add3A_884 = arith.addi %get3A_881, %add3A_883 : vector<16xi32>
    %swap3A_885 = arith.constant 2 : i32
    %swap3A_886 = arith.constant 1 : i32
    %swap3A_887 = arith.index_cast %swap3A_885 : i32 to index
    %swap3A_888 = arith.index_cast %swap3A_886 : i32 to index
    %swap3A_889 = arith.constant 16 : index
    %swap3A_890 = tpu.vector_load %arg8[%swap3A_887, %swap3A_888, %swap3A_889] {strides = array<i32>} : memref<4x4x128xi32, #tpu.memory_space<vmem>>, vector<1x1x16xi32>,
    %swap3A_891 = vector.shape_cast %swap3A_890 : vector<1x1x16xi32> to vector<16xi32>
    %swap3A_892 = vector.shape_cast %add3A_884 : vector<16xi32> to vector<1x1x16xi32>
    tpu.vector_store %arg8[%swap3A_887, %swap3A_888, %swap3A_889], %swap3A_892 {strides = array<i32>} : memref<4x4x128xi32, #tpu.memory_space<vmem>>, vector<1x1x16xi32>,
    %get3A_893 = arith.constant 2 : i32
    %get3A_894 = arith.constant 1 : i32
    %get3A_895 = arith.index_cast %get3A_893 : i32 to index
    %get3A_896 = arith.index_cast %get3A_894 : i32 to index
    %get3A_897 = arith.constant 32 : index
    %get3A_898 = tpu.vector_load %arg8[%get3A_895, %get3A_896, %get3A_897] {strides = array<i32>} : memref<4x4x128xi32, #tpu.memory_space<vmem>>, vector<1x1x16xi32>,
    %get3A_899 = vector.shape_cast %get3A_898 : vector<1x1x16xi32> to vector<16xi32>
    %add3A_900 = arith.constant 172 : i32
    %add3A_901 = vector.broadcast %add3A_900 : i32 to vector<16xi32>
    %add3A_902 = arith.addi %get3A_899, %add3A_901 : vector<16xi32>
    %swap3A_903 = arith.constant 2 : i32
    %swap3A_904 = arith.constant 1 : i32
    %swap3A_905 = arith.index_cast %swap3A_903 : i32 to index
    %swap3A_906 = arith.index_cast %swap3A_904 : i32 to index
    %swap3A_907 = arith.constant 32 : index
    %swap3A_908 = tpu.vector_load %arg8[%swap3A_905, %swap3A_906, %swap3A_907] {strides = array<i32>} : memref<4x4x128xi32, #tpu.memory_space<vmem>>, vector<1x1x16xi32>,
    %swap3A_909 = vector.shape_cast %swap3A_908 : vector<1x1x16xi32> to vector<16xi32>
    %swap3A_910 = vector.shape_cast %add3A_902 : vector<16xi32> to vector<1x1x16xi32>
    tpu.vector_store %arg8[%swap3A_905, %swap3A_906, %swap3A_907], %swap3A_910 {strides = array<i32>} : memref<4x4x128xi32, #tpu.memory_space<vmem>>, vector<1x1x16xi32>,
    %get3A_911 = arith.constant 2 : i32
    %get3A_912 = arith.constant 1 : i32
    %get3A_913 = arith.index_cast %get3A_911 : i32 to index
    %get3A_914 = arith.index_cast %get3A_912 : i32 to index
    %get3A_915 = arith.constant 48 : index
    %get3A_916 = tpu.vector_load %arg8[%get3A_913, %get3A_914, %get3A_915] {strides = array<i32>} : memref<4x4x128xi32, #tpu.memory_space<vmem>>, vector<1x1x16xi32>,
    %get3A_917 = vector.shape_cast %get3A_916 : vector<1x1x16xi32> to vector<16xi32>
    %add3A_918 = arith.constant 172 : i32
    %add3A_919 = vector.broadcast %add3A_918 : i32 to vector<16xi32>
    %add3A_920 = arith.addi %get3A_917, %add3A_919 : vector<16xi32>
    %swap3A_921 = arith.constant 2 : i32
    %swap3A_922 = arith.constant 1 : i32
    %swap3A_923 = arith.index_cast %swap3A_921 : i32 to index
    %swap3A_924 = arith.index_cast %swap3A_922 : i32 to index
    %swap3A_925 = arith.constant 48 : index
    %swap3A_926 = tpu.vector_load %arg8[%swap3A_923, %swap3A_924, %swap3A_925] {strides = array<i32>} : memref<4x4x128xi32, #tpu.memory_space<vmem>>, vector<1x1x16xi32>,
    %swap3A_927 = vector.shape_cast %swap3A_926 : vector<1x1x16xi32> to vector<16xi32>
    %swap3A_928 = vector.shape_cast %add3A_920 : vector<16xi32> to vector<1x1x16xi32>
    tpu.vector_store %arg8[%swap3A_923, %swap3A_924, %swap3A_925], %swap3A_928 {strides = array<i32>} : memref<4x4x128xi32, #tpu.memory_space<vmem>>, vector<1x1x16xi32>,
    %get3A_929 = arith.constant 2 : i32
    %get3A_930 = arith.constant 1 : i32
    %get3A_931 = arith.index_cast %get3A_929 : i32 to index
    %get3A_932 = arith.index_cast %get3A_930 : i32 to index
    %get3A_933 = arith.constant 64 : index
    %get3A_934 = tpu.vector_load %arg8[%get3A_931, %get3A_932, %get3A_933] {strides = array<i32>} : memref<4x4x128xi32, #tpu.memory_space<vmem>>, vector<1x1x16xi32>,
    %get3A_935 = vector.shape_cast %get3A_934 : vector<1x1x16xi32> to vector<16xi32>
    %add3A_936 = arith.constant 172 : i32
    %add3A_937 = vector.broadcast %add3A_936 : i32 to vector<16xi32>
    %add3A_938 = arith.addi %get3A_935, %add3A_937 : vector<16xi32>
    %swap3A_939 = arith.constant 2 : i32
    %swap3A_940 = arith.constant 1 : i32
    %swap3A_941 = arith.index_cast %swap3A_939 : i32 to index
    %swap3A_942 = arith.index_cast %swap3A_940 : i32 to index
    %swap3A_943 = arith.constant 64 : index
    %swap3A_944 = tpu.vector_load %arg8[%swap3A_941, %swap3A_942, %swap3A_943] {strides = array<i32>} : memref<4x4x128xi32, #tpu.memory_space<vmem>>, vector<1x1x16xi32>,
    %swap3A_945 = vector.shape_cast %swap3A_944 : vector<1x1x16xi32> to vector<16xi32>
    %swap3A_946 = vector.shape_cast %add3A_938 : vector<16xi32> to vector<1x1x16xi32>
    tpu.vector_store %arg8[%swap3A_941, %swap3A_942, %swap3A_943], %swap3A_946 {strides = array<i32>} : memref<4x4x128xi32, #tpu.memory_space<vmem>>, vector<1x1x16xi32>,
    %get3A_947 = arith.constant 2 : i32
    %get3A_948 = arith.constant 1 : i32
    %get3A_949 = arith.index_cast %get3A_947 : i32 to index
    %get3A_950 = arith.index_cast %get3A_948 : i32 to index
    %get3A_951 = arith.constant 80 : index
    %get3A_952 = tpu.vector_load %arg8[%get3A_949, %get3A_950, %get3A_951] {strides = array<i32>} : memref<4x4x128xi32, #tpu.memory_space<vmem>>, vector<1x1x16xi32>,
    %get3A_953 = vector.shape_cast %get3A_952 : vector<1x1x16xi32> to vector<16xi32>
    %add3A_954 = arith.constant 172 : i32
    %add3A_955 = vector.broadcast %add3A_954 : i32 to vector<16xi32>
    %add3A_956 = arith.addi %get3A_953, %add3A_955 : vector<16xi32>
    %swap3A_957 = arith.constant 2 : i32
    %swap3A_958 = arith.constant 1 : i32
    %swap3A_959 = arith.index_cast %swap3A_957 : i32 to index
    %swap3A_960 = arith.index_cast %swap3A_958 : i32 to index
    %swap3A_961 = arith.constant 80 : index
    %swap3A_962 = tpu.vector_load %arg8[%swap3A_959, %swap3A_960, %swap3A_961] {strides = array<i32>} : memref<4x4x128xi32, #tpu.memory_space<vmem>>, vector<1x1x16xi32>,
    %swap3A_963 = vector.shape_cast %swap3A_962 : vector<1x1x16xi32> to vector<16xi32>
    %swap3A_964 = vector.shape_cast %add3A_956 : vector<16xi32> to vector<1x1x16xi32>
    tpu.vector_store %arg8[%swap3A_959, %swap3A_960, %swap3A_961], %swap3A_964 {strides = array<i32>} : memref<4x4x128xi32, #tpu.memory_space<vmem>>, vector<1x1x16xi32>,
    %get3A_965 = arith.constant 2 : i32
    %get3A_966 = arith.constant 1 : i32
    %get3A_967 = arith.index_cast %get3A_965 : i32 to index
    %get3A_968 = arith.index_cast %get3A_966 : i32 to index
    %get3A_969 = arith.constant 96 : index
    %get3A_970 = tpu.vector_load %arg8[%get3A_967, %get3A_968, %get3A_969] {strides = array<i32>} : memref<4x4x128xi32, #tpu.memory_space<vmem>>, vector<1x1x16xi32>,
    %get3A_971 = vector.shape_cast %get3A_970 : vector<1x1x16xi32> to vector<16xi32>
    %add3A_972 = arith.constant 172 : i32
    %add3A_973 = vector.broadcast %add3A_972 : i32 to vector<16xi32>
    %add3A_974 = arith.addi %get3A_971, %add3A_973 : vector<16xi32>
    %swap3A_975 = arith.constant 2 : i32
    %swap3A_976 = arith.constant 1 : i32
    %swap3A_977 = arith.index_cast %swap3A_975 : i32 to index
    %swap3A_978 = arith.index_cast %swap3A_976 : i32 to index
    %swap3A_979 = arith.constant 96 : index
    %swap3A_980 = tpu.vector_load %arg8[%swap3A_977, %swap3A_978, %swap3A_979] {strides = array<i32>} : memref<4x4x128xi32, #tpu.memory_space<vmem>>, vector<1x1x16xi32>,
    %swap3A_981 = vector.shape_cast %swap3A_980 : vector<1x1x16xi32> to vector<16xi32>
    %swap3A_982 = vector.shape_cast %add3A_974 : vector<16xi32> to vector<1x1x16xi32>
    tpu.vector_store %arg8[%swap3A_977, %swap3A_978, %swap3A_979], %swap3A_982 {strides = array<i32>} : memref<4x4x128xi32, #tpu.memory_space<vmem>>, vector<1x1x16xi32>,
    %get3A_983 = arith.constant 2 : i32
    %get3A_984 = arith.constant 1 : i32
    %get3A_985 = arith.index_cast %get3A_983 : i32 to index
    %get3A_986 = arith.index_cast %get3A_984 : i32 to index
    %get3A_987 = arith.constant 112 : index
    %get3A_988 = tpu.vector_load %arg8[%get3A_985, %get3A_986, %get3A_987] {strides = array<i32>} : memref<4x4x128xi32, #tpu.memory_space<vmem>>, vector<1x1x16xi32>,
    %get3A_989 = vector.shape_cast %get3A_988 : vector<1x1x16xi32> to vector<16xi32>
    %add3A_990 = arith.constant 172 : i32
    %add3A_991 = vector.broadcast %add3A_990 : i32 to vector<16xi32>
    %add3A_992 = arith.addi %get3A_989, %add3A_991 : vector<16xi32>
    %swap3A_993 = arith.constant 2 : i32
    %swap3A_994 = arith.constant 1 : i32
    %swap3A_995 = arith.index_cast %swap3A_993 : i32 to index
    %swap3A_996 = arith.index_cast %swap3A_994 : i32 to index
    %swap3A_997 = arith.constant 112 : index
    %swap3A_998 = tpu.vector_load %arg8[%swap3A_995, %swap3A_996, %swap3A_997] {strides = array<i32>} : memref<4x4x128xi32, #tpu.memory_space<vmem>>, vector<1x1x16xi32>,
    %swap3A_999 = vector.shape_cast %swap3A_998 : vector<1x1x16xi32> to vector<16xi32>
    %swap3A_1000 = vector.shape_cast %add3A_992 : vector<16xi32> to vector<1x1x16xi32>
    tpu.vector_store %arg8[%swap3A_995, %swap3A_996, %swap3A_997], %swap3A_1000 {strides = array<i32>} : memref<4x4x128xi32, #tpu.memory_space<vmem>>, vector<1x1x16xi32>,
    %get3A_1001 = arith.constant 2 : i32
    %get3A_1002 = arith.constant 2 : i32
    %get3A_1003 = arith.index_cast %get3A_1001 : i32 to index
    %get3A_1004 = arith.index_cast %get3A_1002 : i32 to index
    %get3A_1005 = arith.constant 0 : index
    %get3A_1006 = tpu.vector_load %arg8[%get3A_1003, %get3A_1004, %get3A_1005] {strides = array<i32>} : memref<4x4x128xi32, #tpu.memory_space<vmem>>, vector<1x1x16xi32>,
    %get3A_1007 = vector.shape_cast %get3A_1006 : vector<1x1x16xi32> to vector<16xi32>
    %add3A_1008 = arith.constant 172 : i32
    %add3A_1009 = vector.broadcast %add3A_1008 : i32 to vector<16xi32>
    %add3A_1010 = arith.addi %get3A_1007, %add3A_1009 : vector<16xi32>
    %swap3A_1011 = arith.constant 2 : i32
    %swap3A_1012 = arith.constant 2 : i32
    %swap3A_1013 = arith.index_cast %swap3A_1011 : i32 to index
    %swap3A_1014 = arith.index_cast %swap3A_1012 : i32 to index
    %swap3A_1015 = arith.constant 0 : index
    %swap3A_1016 = tpu.vector_load %arg8[%swap3A_1013, %swap3A_1014, %swap3A_1015] {strides = array<i32>} : memref<4x4x128xi32, #tpu.memory_space<vmem>>, vector<1x1x16xi32>,
    %swap3A_1017 = vector.shape_cast %swap3A_1016 : vector<1x1x16xi32> to vector<16xi32>
    %swap3A_1018 = vector.shape_cast %add3A_1010 : vector<16xi32> to vector<1x1x16xi32>
    tpu.vector_store %arg8[%swap3A_1013, %swap3A_1014, %swap3A_1015], %swap3A_1018 {strides = array<i32>} : memref<4x4x128xi32, #tpu.memory_space<vmem>>, vector<1x1x16xi32>,
    %get3A_1019 = arith.constant 2 : i32
    %get3A_1020 = arith.constant 2 : i32
    %get3A_1021 = arith.index_cast %get3A_1019 : i32 to index
    %get3A_1022 = arith.index_cast %get3A_1020 : i32 to index
    %get3A_1023 = arith.constant 16 : index
    %get3A_1024 = tpu.vector_load %arg8[%get3A_1021, %get3A_1022, %get3A_1023] {strides = array<i32>} : memref<4x4x128xi32, #tpu.memory_space<vmem>>, vector<1x1x16xi32>,
    %get3A_1025 = vector.shape_cast %get3A_1024 : vector<1x1x16xi32> to vector<16xi32>
    %add3A_1026 = arith.constant 172 : i32
    %add3A_1027 = vector.broadcast %add3A_1026 : i32 to vector<16xi32>
    %add3A_1028 = arith.addi %get3A_1025, %add3A_1027 : vector<16xi32>
    %swap3A_1029 = arith.constant 2 : i32
    %swap3A_1030 = arith.constant 2 : i32
    %swap3A_1031 = arith.index_cast %swap3A_1029 : i32 to index
    %swap3A_1032 = arith.index_cast %swap3A_1030 : i32 to index
    %swap3A_1033 = arith.constant 16 : index
    %swap3A_1034 = tpu.vector_load %arg8[%swap3A_1031, %swap3A_1032, %swap3A_1033] {strides = array<i32>} : memref<4x4x128xi32, #tpu.memory_space<vmem>>, vector<1x1x16xi32>,
    %swap3A_1035 = vector.shape_cast %swap3A_1034 : vector<1x1x16xi32> to vector<16xi32>
    %swap3A_1036 = vector.shape_cast %add3A_1028 : vector<16xi32> to vector<1x1x16xi32>
    tpu.vector_store %arg8[%swap3A_1031, %swap3A_1032, %swap3A_1033], %swap3A_1036 {strides = array<i32>} : memref<4x4x128xi32, #tpu.memory_space<vmem>>, vector<1x1x16xi32>,
    %get3A_1037 = arith.constant 2 : i32
    %get3A_1038 = arith.constant 2 : i32
    %get3A_1039 = arith.index_cast %get3A_1037 : i32 to index
    %get3A_1040 = arith.index_cast %get3A_1038 : i32 to index
    %get3A_1041 = arith.constant 32 : index
    %get3A_1042 = tpu.vector_load %arg8[%get3A_1039, %get3A_1040, %get3A_1041] {strides = array<i32>} : memref<4x4x128xi32, #tpu.memory_space<vmem>>, vector<1x1x16xi32>,
    %get3A_1043 = vector.shape_cast %get3A_1042 : vector<1x1x16xi32> to vector<16xi32>
    %add3A_1044 = arith.constant 172 : i32
    %add3A_1045 = vector.broadcast %add3A_1044 : i32 to vector<16xi32>
    %add3A_1046 = arith.addi %get3A_1043, %add3A_1045 : vector<16xi32>
    %swap3A_1047 = arith.constant 2 : i32
    %swap3A_1048 = arith.constant 2 : i32
    %swap3A_1049 = arith.index_cast %swap3A_1047 : i32 to index
    %swap3A_1050 = arith.index_cast %swap3A_1048 : i32 to index
    %swap3A_1051 = arith.constant 32 : index
    %swap3A_1052 = tpu.vector_load %arg8[%swap3A_1049, %swap3A_1050, %swap3A_1051] {strides = array<i32>} : memref<4x4x128xi32, #tpu.memory_space<vmem>>, vector<1x1x16xi32>,
    %swap3A_1053 = vector.shape_cast %swap3A_1052 : vector<1x1x16xi32> to vector<16xi32>
    %swap3A_1054 = vector.shape_cast %add3A_1046 : vector<16xi32> to vector<1x1x16xi32>
    tpu.vector_store %arg8[%swap3A_1049, %swap3A_1050, %swap3A_1051], %swap3A_1054 {strides = array<i32>} : memref<4x4x128xi32, #tpu.memory_space<vmem>>, vector<1x1x16xi32>,
    %get3A_1055 = arith.constant 2 : i32
    %get3A_1056 = arith.constant 2 : i32
    %get3A_1057 = arith.index_cast %get3A_1055 : i32 to index
    %get3A_1058 = arith.index_cast %get3A_1056 : i32 to index
    %get3A_1059 = arith.constant 48 : index
    %get3A_1060 = tpu.vector_load %arg8[%get3A_1057, %get3A_1058, %get3A_1059] {strides = array<i32>} : memref<4x4x128xi32, #tpu.memory_space<vmem>>, vector<1x1x16xi32>,
    %get3A_1061 = vector.shape_cast %get3A_1060 : vector<1x1x16xi32> to vector<16xi32>
    %add3A_1062 = arith.constant 172 : i32
    %add3A_1063 = vector.broadcast %add3A_1062 : i32 to vector<16xi32>
    %add3A_1064 = arith.addi %get3A_1061, %add3A_1063 : vector<16xi32>
    %swap3A_1065 = arith.constant 2 : i32
    %swap3A_1066 = arith.constant 2 : i32
    %swap3A_1067 = arith.index_cast %swap3A_1065 : i32 to index
    %swap3A_1068 = arith.index_cast %swap3A_1066 : i32 to index
    %swap3A_1069 = arith.constant 48 : index
    %swap3A_1070 = tpu.vector_load %arg8[%swap3A_1067, %swap3A_1068, %swap3A_1069] {strides = array<i32>} : memref<4x4x128xi32, #tpu.memory_space<vmem>>, vector<1x1x16xi32>,
    %swap3A_1071 = vector.shape_cast %swap3A_1070 : vector<1x1x16xi32> to vector<16xi32>
    %swap3A_1072 = vector.shape_cast %add3A_1064 : vector<16xi32> to vector<1x1x16xi32>
    tpu.vector_store %arg8[%swap3A_1067, %swap3A_1068, %swap3A_1069], %swap3A_1072 {strides = array<i32>} : memref<4x4x128xi32, #tpu.memory_space<vmem>>, vector<1x1x16xi32>,
    %get3A_1073 = arith.constant 2 : i32
    %get3A_1074 = arith.constant 2 : i32
    %get3A_1075 = arith.index_cast %get3A_1073 : i32 to index
    %get3A_1076 = arith.index_cast %get3A_1074 : i32 to index
    %get3A_1077 = arith.constant 64 : index
    %get3A_1078 = tpu.vector_load %arg8[%get3A_1075, %get3A_1076, %get3A_1077] {strides = array<i32>} : memref<4x4x128xi32, #tpu.memory_space<vmem>>, vector<1x1x16xi32>,
    %get3A_1079 = vector.shape_cast %get3A_1078 : vector<1x1x16xi32> to vector<16xi32>
    %add3A_1080 = arith.constant 172 : i32
    %add3A_1081 = vector.broadcast %add3A_1080 : i32 to vector<16xi32>
    %add3A_1082 = arith.addi %get3A_1079, %add3A_1081 : vector<16xi32>
    %swap3A_1083 = arith.constant 2 : i32
    %swap3A_1084 = arith.constant 2 : i32
    %swap3A_1085 = arith.index_cast %swap3A_1083 : i32 to index
    %swap3A_1086 = arith.index_cast %swap3A_1084 : i32 to index
    %swap3A_1087 = arith.constant 64 : index
    %swap3A_1088 = tpu.vector_load %arg8[%swap3A_1085, %swap3A_1086, %swap3A_1087] {strides = array<i32>} : memref<4x4x128xi32, #tpu.memory_space<vmem>>, vector<1x1x16xi32>,
    %swap3A_1089 = vector.shape_cast %swap3A_1088 : vector<1x1x16xi32> to vector<16xi32>
    %swap3A_1090 = vector.shape_cast %add3A_1082 : vector<16xi32> to vector<1x1x16xi32>
    tpu.vector_store %arg8[%swap3A_1085, %swap3A_1086, %swap3A_1087], %swap3A_1090 {strides = array<i32>} : memref<4x4x128xi32, #tpu.memory_space<vmem>>, vector<1x1x16xi32>,
    %get3A_1091 = arith.constant 2 : i32
    %get3A_1092 = arith.constant 2 : i32
    %get3A_1093 = arith.index_cast %get3A_1091 : i32 to index
    %get3A_1094 = arith.index_cast %get3A_1092 : i32 to index
    %get3A_1095 = arith.constant 80 : index
    %get3A_1096 = tpu.vector_load %arg8[%get3A_1093, %get3A_1094, %get3A_1095] {strides = array<i32>} : memref<4x4x128xi32, #tpu.memory_space<vmem>>, vector<1x1x16xi32>,
    %get3A_1097 = vector.shape_cast %get3A_1096 : vector<1x1x16xi32> to vector<16xi32>
    %add3A_1098 = arith.constant 172 : i32
    %add3A_1099 = vector.broadcast %add3A_1098 : i32 to vector<16xi32>
    %add3A_1100 = arith.addi %get3A_1097, %add3A_1099 : vector<16xi32>
    %swap3A_1101 = arith.constant 2 : i32
    %swap3A_1102 = arith.constant 2 : i32
    %swap3A_1103 = arith.index_cast %swap3A_1101 : i32 to index
    %swap3A_1104 = arith.index_cast %swap3A_1102 : i32 to index
    %swap3A_1105 = arith.constant 80 : index
    %swap3A_1106 = tpu.vector_load %arg8[%swap3A_1103, %swap3A_1104, %swap3A_1105] {strides = array<i32>} : memref<4x4x128xi32, #tpu.memory_space<vmem>>, vector<1x1x16xi32>,
    %swap3A_1107 = vector.shape_cast %swap3A_1106 : vector<1x1x16xi32> to vector<16xi32>
    %swap3A_1108 = vector.shape_cast %add3A_1100 : vector<16xi32> to vector<1x1x16xi32>
    tpu.vector_store %arg8[%swap3A_1103, %swap3A_1104, %swap3A_1105], %swap3A_1108 {strides = array<i32>} : memref<4x4x128xi32, #tpu.memory_space<vmem>>, vector<1x1x16xi32>,
    %get3A_1109 = arith.constant 2 : i32
    %get3A_1110 = arith.constant 2 : i32
    %get3A_1111 = arith.index_cast %get3A_1109 : i32 to index
    %get3A_1112 = arith.index_cast %get3A_1110 : i32 to index
    %get3A_1113 = arith.constant 96 : index
    %get3A_1114 = tpu.vector_load %arg8[%get3A_1111, %get3A_1112, %get3A_1113] {strides = array<i32>} : memref<4x4x128xi32, #tpu.memory_space<vmem>>, vector<1x1x16xi32>,
    %get3A_1115 = vector.shape_cast %get3A_1114 : vector<1x1x16xi32> to vector<16xi32>
    %add3A_1116 = arith.constant 172 : i32
    %add3A_1117 = vector.broadcast %add3A_1116 : i32 to vector<16xi32>
    %add3A_1118 = arith.addi %get3A_1115, %add3A_1117 : vector<16xi32>
    %swap3A_1119 = arith.constant 2 : i32
    %swap3A_1120 = arith.constant 2 : i32
    %swap3A_1121 = arith.index_cast %swap3A_1119 : i32 to index
    %swap3A_1122 = arith.index_cast %swap3A_1120 : i32 to index
    %swap3A_1123 = arith.constant 96 : index
    %swap3A_1124 = tpu.vector_load %arg8[%swap3A_1121, %swap3A_1122, %swap3A_1123] {strides = array<i32>} : memref<4x4x128xi32, #tpu.memory_space<vmem>>, vector<1x1x16xi32>,
    %swap3A_1125 = vector.shape_cast %swap3A_1124 : vector<1x1x16xi32> to vector<16xi32>
    %swap3A_1126 = vector.shape_cast %add3A_1118 : vector<16xi32> to vector<1x1x16xi32>
    tpu.vector_store %arg8[%swap3A_1121, %swap3A_1122, %swap3A_1123], %swap3A_1126 {strides = array<i32>} : memref<4x4x128xi32, #tpu.memory_space<vmem>>, vector<1x1x16xi32>,
    %get3A_1127 = arith.constant 2 : i32
    %get3A_1128 = arith.constant 2 : i32
    %get3A_1129 = arith.index_cast %get3A_1127 : i32 to index
    %get3A_1130 = arith.index_cast %get3A_1128 : i32 to index
    %get3A_1131 = arith.constant 112 : index
    %get3A_1132 = tpu.vector_load %arg8[%get3A_1129, %get3A_1130, %get3A_1131] {strides = array<i32>} : memref<4x4x128xi32, #tpu.memory_space<vmem>>, vector<1x1x16xi32>,
    %get3A_1133 = vector.shape_cast %get3A_1132 : vector<1x1x16xi32> to vector<16xi32>
    %add3A_1134 = arith.constant 172 : i32
    %add3A_1135 = vector.broadcast %add3A_1134 : i32 to vector<16xi32>
    %add3A_1136 = arith.addi %get3A_1133, %add3A_1135 : vector<16xi32>
    %swap3A_1137 = arith.constant 2 : i32
    %swap3A_1138 = arith.constant 2 : i32
    %swap3A_1139 = arith.index_cast %swap3A_1137 : i32 to index
    %swap3A_1140 = arith.index_cast %swap3A_1138 : i32 to index
    %swap3A_1141 = arith.constant 112 : index
    %swap3A_1142 = tpu.vector_load %arg8[%swap3A_1139, %swap3A_1140, %swap3A_1141] {strides = array<i32>} : memref<4x4x128xi32, #tpu.memory_space<vmem>>, vector<1x1x16xi32>,
    %swap3A_1143 = vector.shape_cast %swap3A_1142 : vector<1x1x16xi32> to vector<16xi32>
    %swap3A_1144 = vector.shape_cast %add3A_1136 : vector<16xi32> to vector<1x1x16xi32>
    tpu.vector_store %arg8[%swap3A_1139, %swap3A_1140, %swap3A_1141], %swap3A_1144 {strides = array<i32>} : memref<4x4x128xi32, #tpu.memory_space<vmem>>, vector<1x1x16xi32>,
    %get3A_1145 = arith.constant 2 : i32
    %get3A_1146 = arith.constant 3 : i32
    %get3A_1147 = arith.index_cast %get3A_1145 : i32 to index
    %get3A_1148 = arith.index_cast %get3A_1146 : i32 to index
    %get3A_1149 = arith.constant 0 : index
    %get3A_1150 = tpu.vector_load %arg8[%get3A_1147, %get3A_1148, %get3A_1149] {strides = array<i32>} : memref<4x4x128xi32, #tpu.memory_space<vmem>>, vector<1x1x16xi32>,
    %get3A_1151 = vector.shape_cast %get3A_1150 : vector<1x1x16xi32> to vector<16xi32>
    %add3A_1152 = arith.constant 172 : i32
    %add3A_1153 = vector.broadcast %add3A_1152 : i32 to vector<16xi32>
    %add3A_1154 = arith.addi %get3A_1151, %add3A_1153 : vector<16xi32>
    %swap3A_1155 = arith.constant 2 : i32
    %swap3A_1156 = arith.constant 3 : i32
    %swap3A_1157 = arith.index_cast %swap3A_1155 : i32 to index
    %swap3A_1158 = arith.index_cast %swap3A_1156 : i32 to index
    %swap3A_1159 = arith.constant 0 : index
    %swap3A_1160 = tpu.vector_load %arg8[%swap3A_1157, %swap3A_1158, %swap3A_1159] {strides = array<i32>} : memref<4x4x128xi32, #tpu.memory_space<vmem>>, vector<1x1x16xi32>,
    %swap3A_1161 = vector.shape_cast %swap3A_1160 : vector<1x1x16xi32> to vector<16xi32>
    %swap3A_1162 = vector.shape_cast %add3A_1154 : vector<16xi32> to vector<1x1x16xi32>
    tpu.vector_store %arg8[%swap3A_1157, %swap3A_1158, %swap3A_1159], %swap3A_1162 {strides = array<i32>} : memref<4x4x128xi32, #tpu.memory_space<vmem>>, vector<1x1x16xi32>,
    %get3A_1163 = arith.constant 2 : i32
    %get3A_1164 = arith.constant 3 : i32
    %get3A_1165 = arith.index_cast %get3A_1163 : i32 to index
    %get3A_1166 = arith.index_cast %get3A_1164 : i32 to index
    %get3A_1167 = arith.constant 16 : index
    %get3A_1168 = tpu.vector_load %arg8[%get3A_1165, %get3A_1166, %get3A_1167] {strides = array<i32>} : memref<4x4x128xi32, #tpu.memory_space<vmem>>, vector<1x1x16xi32>,
    %get3A_1169 = vector.shape_cast %get3A_1168 : vector<1x1x16xi32> to vector<16xi32>
    %add3A_1170 = arith.constant 172 : i32
    %add3A_1171 = vector.broadcast %add3A_1170 : i32 to vector<16xi32>
    %add3A_1172 = arith.addi %get3A_1169, %add3A_1171 : vector<16xi32>
    %swap3A_1173 = arith.constant 2 : i32
    %swap3A_1174 = arith.constant 3 : i32
    %swap3A_1175 = arith.index_cast %swap3A_1173 : i32 to index
    %swap3A_1176 = arith.index_cast %swap3A_1174 : i32 to index
    %swap3A_1177 = arith.constant 16 : index
    %swap3A_1178 = tpu.vector_load %arg8[%swap3A_1175, %swap3A_1176, %swap3A_1177] {strides = array<i32>} : memref<4x4x128xi32, #tpu.memory_space<vmem>>, vector<1x1x16xi32>,
    %swap3A_1179 = vector.shape_cast %swap3A_1178 : vector<1x1x16xi32> to vector<16xi32>
    %swap3A_1180 = vector.shape_cast %add3A_1172 : vector<16xi32> to vector<1x1x16xi32>
    tpu.vector_store %arg8[%swap3A_1175, %swap3A_1176, %swap3A_1177], %swap3A_1180 {strides = array<i32>} : memref<4x4x128xi32, #tpu.memory_space<vmem>>, vector<1x1x16xi32>,
    %get3A_1181 = arith.constant 2 : i32
    %get3A_1182 = arith.constant 3 : i32
    %get3A_1183 = arith.index_cast %get3A_1181 : i32 to index
    %get3A_1184 = arith.index_cast %get3A_1182 : i32 to index
    %get3A_1185 = arith.constant 32 : index
    %get3A_1186 = tpu.vector_load %arg8[%get3A_1183, %get3A_1184, %get3A_1185] {strides = array<i32>} : memref<4x4x128xi32, #tpu.memory_space<vmem>>, vector<1x1x16xi32>,
    %get3A_1187 = vector.shape_cast %get3A_1186 : vector<1x1x16xi32> to vector<16xi32>
    %add3A_1188 = arith.constant 172 : i32
    %add3A_1189 = vector.broadcast %add3A_1188 : i32 to vector<16xi32>
    %add3A_1190 = arith.addi %get3A_1187, %add3A_1189 : vector<16xi32>
    %swap3A_1191 = arith.constant 2 : i32
    %swap3A_1192 = arith.constant 3 : i32
    %swap3A_1193 = arith.index_cast %swap3A_1191 : i32 to index
    %swap3A_1194 = arith.index_cast %swap3A_1192 : i32 to index
    %swap3A_1195 = arith.constant 32 : index
    %swap3A_1196 = tpu.vector_load %arg8[%swap3A_1193, %swap3A_1194, %swap3A_1195] {strides = array<i32>} : memref<4x4x128xi32, #tpu.memory_space<vmem>>, vector<1x1x16xi32>,
    %swap3A_1197 = vector.shape_cast %swap3A_1196 : vector<1x1x16xi32> to vector<16xi32>
    %swap3A_1198 = vector.shape_cast %add3A_1190 : vector<16xi32> to vector<1x1x16xi32>
    tpu.vector_store %arg8[%swap3A_1193, %swap3A_1194, %swap3A_1195], %swap3A_1198 {strides = array<i32>} : memref<4x4x128xi32, #tpu.memory_space<vmem>>, vector<1x1x16xi32>,
    %get3A_1199 = arith.constant 2 : i32
    %get3A_1200 = arith.constant 3 : i32
    %get3A_1201 = arith.index_cast %get3A_1199 : i32 to index
    %get3A_1202 = arith.index_cast %get3A_1200 : i32 to index
    %get3A_1203 = arith.constant 48 : index
    %get3A_1204 = tpu.vector_load %arg8[%get3A_1201, %get3A_1202, %get3A_1203] {strides = array<i32>} : memref<4x4x128xi32, #tpu.memory_space<vmem>>, vector<1x1x16xi32>,
    %get3A_1205 = vector.shape_cast %get3A_1204 : vector<1x1x16xi32> to vector<16xi32>
    %add3A_1206 = arith.constant 172 : i32
    %add3A_1207 = vector.broadcast %add3A_1206 : i32 to vector<16xi32>
    %add3A_1208 = arith.addi %get3A_1205, %add3A_1207 : vector<16xi32>
    %swap3A_1209 = arith.constant 2 : i32
    %swap3A_1210 = arith.constant 3 : i32
    %swap3A_1211 = arith.index_cast %swap3A_1209 : i32 to index
    %swap3A_1212 = arith.index_cast %swap3A_1210 : i32 to index
    %swap3A_1213 = arith.constant 48 : index
    %swap3A_1214 = tpu.vector_load %arg8[%swap3A_1211, %swap3A_1212, %swap3A_1213] {strides = array<i32>} : memref<4x4x128xi32, #tpu.memory_space<vmem>>, vector<1x1x16xi32>,
    %swap3A_1215 = vector.shape_cast %swap3A_1214 : vector<1x1x16xi32> to vector<16xi32>
    %swap3A_1216 = vector.shape_cast %add3A_1208 : vector<16xi32> to vector<1x1x16xi32>
    tpu.vector_store %arg8[%swap3A_1211, %swap3A_1212, %swap3A_1213], %swap3A_1216 {strides = array<i32>} : memref<4x4x128xi32, #tpu.memory_space<vmem>>, vector<1x1x16xi32>,
    %get3A_1217 = arith.constant 2 : i32
    %get3A_1218 = arith.constant 3 : i32
    %get3A_1219 = arith.index_cast %get3A_1217 : i32 to index
    %get3A_1220 = arith.index_cast %get3A_1218 : i32 to index
    %get3A_1221 = arith.constant 64 : index
    %get3A_1222 = tpu.vector_load %arg8[%get3A_1219, %get3A_1220, %get3A_1221] {strides = array<i32>} : memref<4x4x128xi32, #tpu.memory_space<vmem>>, vector<1x1x16xi32>,
    %get3A_1223 = vector.shape_cast %get3A_1222 : vector<1x1x16xi32> to vector<16xi32>
    %add3A_1224 = arith.constant 172 : i32
    %add3A_1225 = vector.broadcast %add3A_1224 : i32 to vector<16xi32>
    %add3A_1226 = arith.addi %get3A_1223, %add3A_1225 : vector<16xi32>
    %swap3A_1227 = arith.constant 2 : i32
    %swap3A_1228 = arith.constant 3 : i32
    %swap3A_1229 = arith.index_cast %swap3A_1227 : i32 to index
    %swap3A_1230 = arith.index_cast %swap3A_1228 : i32 to index
    %swap3A_1231 = arith.constant 64 : index
    %swap3A_1232 = tpu.vector_load %arg8[%swap3A_1229, %swap3A_1230, %swap3A_1231] {strides = array<i32>} : memref<4x4x128xi32, #tpu.memory_space<vmem>>, vector<1x1x16xi32>,
    %swap3A_1233 = vector.shape_cast %swap3A_1232 : vector<1x1x16xi32> to vector<16xi32>
    %swap3A_1234 = vector.shape_cast %add3A_1226 : vector<16xi32> to vector<1x1x16xi32>
    tpu.vector_store %arg8[%swap3A_1229, %swap3A_1230, %swap3A_1231], %swap3A_1234 {strides = array<i32>} : memref<4x4x128xi32, #tpu.memory_space<vmem>>, vector<1x1x16xi32>,
    %get3A_1235 = arith.constant 2 : i32
    %get3A_1236 = arith.constant 3 : i32
    %get3A_1237 = arith.index_cast %get3A_1235 : i32 to index
    %get3A_1238 = arith.index_cast %get3A_1236 : i32 to index
    %get3A_1239 = arith.constant 80 : index
    %get3A_1240 = tpu.vector_load %arg8[%get3A_1237, %get3A_1238, %get3A_1239] {strides = array<i32>} : memref<4x4x128xi32, #tpu.memory_space<vmem>>, vector<1x1x16xi32>,
    %get3A_1241 = vector.shape_cast %get3A_1240 : vector<1x1x16xi32> to vector<16xi32>
    %add3A_1242 = arith.constant 172 : i32
    %add3A_1243 = vector.broadcast %add3A_1242 : i32 to vector<16xi32>
    %add3A_1244 = arith.addi %get3A_1241, %add3A_1243 : vector<16xi32>
    %swap3A_1245 = arith.constant 2 : i32
    %swap3A_1246 = arith.constant 3 : i32
    %swap3A_1247 = arith.index_cast %swap3A_1245 : i32 to index
    %swap3A_1248 = arith.index_cast %swap3A_1246 : i32 to index
    %swap3A_1249 = arith.constant 80 : index
    %swap3A_1250 = tpu.vector_load %arg8[%swap3A_1247, %swap3A_1248, %swap3A_1249] {strides = array<i32>} : memref<4x4x128xi32, #tpu.memory_space<vmem>>, vector<1x1x16xi32>,
    %swap3A_1251 = vector.shape_cast %swap3A_1250 : vector<1x1x16xi32> to vector<16xi32>
    %swap3A_1252 = vector.shape_cast %add3A_1244 : vector<16xi32> to vector<1x1x16xi32>
    tpu.vector_store %arg8[%swap3A_1247, %swap3A_1248, %swap3A_1249], %swap3A_1252 {strides = array<i32>} : memref<4x4x128xi32, #tpu.memory_space<vmem>>, vector<1x1x16xi32>,
    %get3A_1253 = arith.constant 2 : i32
    %get3A_1254 = arith.constant 3 : i32
    %get3A_1255 = arith.index_cast %get3A_1253 : i32 to index
    %get3A_1256 = arith.index_cast %get3A_1254 : i32 to index
    %get3A_1257 = arith.constant 96 : index
    %get3A_1258 = tpu.vector_load %arg8[%get3A_1255, %get3A_1256, %get3A_1257] {strides = array<i32>} : memref<4x4x128xi32, #tpu.memory_space<vmem>>, vector<1x1x16xi32>,
    %get3A_1259 = vector.shape_cast %get3A_1258 : vector<1x1x16xi32> to vector<16xi32>
    %add3A_1260 = arith.constant 172 : i32
    %add3A_1261 = vector.broadcast %add3A_1260 : i32 to vector<16xi32>
    %add3A_1262 = arith.addi %get3A_1259, %add3A_1261 : vector<16xi32>
    %swap3A_1263 = arith.constant 2 : i32
    %swap3A_1264 = arith.constant 3 : i32
    %swap3A_1265 = arith.index_cast %swap3A_1263 : i32 to index
    %swap3A_1266 = arith.index_cast %swap3A_1264 : i32 to index
    %swap3A_1267 = arith.constant 96 : index
    %swap3A_1268 = tpu.vector_load %arg8[%swap3A_1265, %swap3A_1266, %swap3A_1267] {strides = array<i32>} : memref<4x4x128xi32, #tpu.memory_space<vmem>>, vector<1x1x16xi32>,
    %swap3A_1269 = vector.shape_cast %swap3A_1268 : vector<1x1x16xi32> to vector<16xi32>
    %swap3A_1270 = vector.shape_cast %add3A_1262 : vector<16xi32> to vector<1x1x16xi32>
    tpu.vector_store %arg8[%swap3A_1265, %swap3A_1266, %swap3A_1267], %swap3A_1270 {strides = array<i32>} : memref<4x4x128xi32, #tpu.memory_space<vmem>>, vector<1x1x16xi32>,
    %get3A_1271 = arith.constant 2 : i32
    %get3A_1272 = arith.constant 3 : i32
    %get3A_1273 = arith.index_cast %get3A_1271 : i32 to index
    %get3A_1274 = arith.index_cast %get3A_1272 : i32 to index
    %get3A_1275 = arith.constant 112 : index
    %get3A_1276 = tpu.vector_load %arg8[%get3A_1273, %get3A_1274, %get3A_1275] {strides = array<i32>} : memref<4x4x128xi32, #tpu.memory_space<vmem>>, vector<1x1x16xi32>,
    %get3A_1277 = vector.shape_cast %get3A_1276 : vector<1x1x16xi32> to vector<16xi32>
    %add3A_1278 = arith.constant 172 : i32
    %add3A_1279 = vector.broadcast %add3A_1278 : i32 to vector<16xi32>
    %add3A_1280 = arith.addi %get3A_1277, %add3A_1279 : vector<16xi32>
    %swap3A_1281 = arith.constant 2 : i32
    %swap3A_1282 = arith.constant 3 : i32
    %swap3A_1283 = arith.index_cast %swap3A_1281 : i32 to index
    %swap3A_1284 = arith.index_cast %swap3A_1282 : i32 to index
    %swap3A_1285 = arith.constant 112 : index
    %swap3A_1286 = tpu.vector_load %arg8[%swap3A_1283, %swap3A_1284, %swap3A_1285] {strides = array<i32>} : memref<4x4x128xi32, #tpu.memory_space<vmem>>, vector<1x1x16xi32>,
    %swap3A_1287 = vector.shape_cast %swap3A_1286 : vector<1x1x16xi32> to vector<16xi32>
    %swap3A_1288 = vector.shape_cast %add3A_1280 : vector<16xi32> to vector<1x1x16xi32>
    tpu.vector_store %arg8[%swap3A_1283, %swap3A_1284, %swap3A_1285], %swap3A_1288 {strides = array<i32>} : memref<4x4x128xi32, #tpu.memory_space<vmem>>, vector<1x1x16xi32>,
    %get3A_1289 = arith.constant 3 : i32
    %get3A_1290 = arith.constant 0 : i32
    %get3A_1291 = arith.index_cast %get3A_1289 : i32 to index
    %get3A_1292 = arith.index_cast %get3A_1290 : i32 to index
    %get3A_1293 = arith.constant 0 : index
    %get3A_1294 = tpu.vector_load %arg8[%get3A_1291, %get3A_1292, %get3A_1293] {strides = array<i32>} : memref<4x4x128xi32, #tpu.memory_space<vmem>>, vector<1x1x16xi32>,
    %get3A_1295 = vector.shape_cast %get3A_1294 : vector<1x1x16xi32> to vector<16xi32>
    %add3A_1296 = arith.constant 196 : i32
    %add3A_1297 = vector.broadcast %add3A_1296 : i32 to vector<16xi32>
    %add3A_1298 = arith.addi %get3A_1295, %add3A_1297 : vector<16xi32>
    %swap3A_1299 = arith.constant 3 : i32
    %swap3A_1300 = arith.constant 0 : i32
    %swap3A_1301 = arith.index_cast %swap3A_1299 : i32 to index
    %swap3A_1302 = arith.index_cast %swap3A_1300 : i32 to index
    %swap3A_1303 = arith.constant 0 : index
    %swap3A_1304 = tpu.vector_load %arg8[%swap3A_1301, %swap3A_1302, %swap3A_1303] {strides = array<i32>} : memref<4x4x128xi32, #tpu.memory_space<vmem>>, vector<1x1x16xi32>,
    %swap3A_1305 = vector.shape_cast %swap3A_1304 : vector<1x1x16xi32> to vector<16xi32>
    %swap3A_1306 = vector.shape_cast %add3A_1298 : vector<16xi32> to vector<1x1x16xi32>
    tpu.vector_store %arg8[%swap3A_1301, %swap3A_1302, %swap3A_1303], %swap3A_1306 {strides = array<i32>} : memref<4x4x128xi32, #tpu.memory_space<vmem>>, vector<1x1x16xi32>,
    %get3A_1307 = arith.constant 3 : i32
    %get3A_1308 = arith.constant 0 : i32
    %get3A_1309 = arith.index_cast %get3A_1307 : i32 to index
    %get3A_1310 = arith.index_cast %get3A_1308 : i32 to index
    %get3A_1311 = arith.constant 16 : index
    %get3A_1312 = tpu.vector_load %arg8[%get3A_1309, %get3A_1310, %get3A_1311] {strides = array<i32>} : memref<4x4x128xi32, #tpu.memory_space<vmem>>, vector<1x1x16xi32>,
    %get3A_1313 = vector.shape_cast %get3A_1312 : vector<1x1x16xi32> to vector<16xi32>
    %add3A_1314 = arith.constant 196 : i32
    %add3A_1315 = vector.broadcast %add3A_1314 : i32 to vector<16xi32>
    %add3A_1316 = arith.addi %get3A_1313, %add3A_1315 : vector<16xi32>
    %swap3A_1317 = arith.constant 3 : i32
    %swap3A_1318 = arith.constant 0 : i32
    %swap3A_1319 = arith.index_cast %swap3A_1317 : i32 to index
    %swap3A_1320 = arith.index_cast %swap3A_1318 : i32 to index
    %swap3A_1321 = arith.constant 16 : index
    %swap3A_1322 = tpu.vector_load %arg8[%swap3A_1319, %swap3A_1320, %swap3A_1321] {strides = array<i32>} : memref<4x4x128xi32, #tpu.memory_space<vmem>>, vector<1x1x16xi32>,
    %swap3A_1323 = vector.shape_cast %swap3A_1322 : vector<1x1x16xi32> to vector<16xi32>
    %swap3A_1324 = vector.shape_cast %add3A_1316 : vector<16xi32> to vector<1x1x16xi32>
    tpu.vector_store %arg8[%swap3A_1319, %swap3A_1320, %swap3A_1321], %swap3A_1324 {strides = array<i32>} : memref<4x4x128xi32, #tpu.memory_space<vmem>>, vector<1x1x16xi32>,
    %get3A_1325 = arith.constant 3 : i32
    %get3A_1326 = arith.constant 0 : i32
    %get3A_1327 = arith.index_cast %get3A_1325 : i32 to index
    %get3A_1328 = arith.index_cast %get3A_1326 : i32 to index
    %get3A_1329 = arith.constant 32 : index
    %get3A_1330 = tpu.vector_load %arg8[%get3A_1327, %get3A_1328, %get3A_1329] {strides = array<i32>} : memref<4x4x128xi32, #tpu.memory_space<vmem>>, vector<1x1x16xi32>,
    %get3A_1331 = vector.shape_cast %get3A_1330 : vector<1x1x16xi32> to vector<16xi32>
    %add3A_1332 = arith.constant 196 : i32
    %add3A_1333 = vector.broadcast %add3A_1332 : i32 to vector<16xi32>
    %add3A_1334 = arith.addi %get3A_1331, %add3A_1333 : vector<16xi32>
    %swap3A_1335 = arith.constant 3 : i32
    %swap3A_1336 = arith.constant 0 : i32
    %swap3A_1337 = arith.index_cast %swap3A_1335 : i32 to index
    %swap3A_1338 = arith.index_cast %swap3A_1336 : i32 to index
    %swap3A_1339 = arith.constant 32 : index
    %swap3A_1340 = tpu.vector_load %arg8[%swap3A_1337, %swap3A_1338, %swap3A_1339] {strides = array<i32>} : memref<4x4x128xi32, #tpu.memory_space<vmem>>, vector<1x1x16xi32>,
    %swap3A_1341 = vector.shape_cast %swap3A_1340 : vector<1x1x16xi32> to vector<16xi32>
    %swap3A_1342 = vector.shape_cast %add3A_1334 : vector<16xi32> to vector<1x1x16xi32>
    tpu.vector_store %arg8[%swap3A_1337, %swap3A_1338, %swap3A_1339], %swap3A_1342 {strides = array<i32>} : memref<4x4x128xi32, #tpu.memory_space<vmem>>, vector<1x1x16xi32>,
    %get3A_1343 = arith.constant 3 : i32
    %get3A_1344 = arith.constant 0 : i32
    %get3A_1345 = arith.index_cast %get3A_1343 : i32 to index
    %get3A_1346 = arith.index_cast %get3A_1344 : i32 to index
    %get3A_1347 = arith.constant 48 : index
    %get3A_1348 = tpu.vector_load %arg8[%get3A_1345, %get3A_1346, %get3A_1347] {strides = array<i32>} : memref<4x4x128xi32, #tpu.memory_space<vmem>>, vector<1x1x16xi32>,
    %get3A_1349 = vector.shape_cast %get3A_1348 : vector<1x1x16xi32> to vector<16xi32>
    %add3A_1350 = arith.constant 196 : i32
    %add3A_1351 = vector.broadcast %add3A_1350 : i32 to vector<16xi32>
    %add3A_1352 = arith.addi %get3A_1349, %add3A_1351 : vector<16xi32>
    %swap3A_1353 = arith.constant 3 : i32
    %swap3A_1354 = arith.constant 0 : i32
    %swap3A_1355 = arith.index_cast %swap3A_1353 : i32 to index
    %swap3A_1356 = arith.index_cast %swap3A_1354 : i32 to index
    %swap3A_1357 = arith.constant 48 : index
    %swap3A_1358 = tpu.vector_load %arg8[%swap3A_1355, %swap3A_1356, %swap3A_1357] {strides = array<i32>} : memref<4x4x128xi32, #tpu.memory_space<vmem>>, vector<1x1x16xi32>,
    %swap3A_1359 = vector.shape_cast %swap3A_1358 : vector<1x1x16xi32> to vector<16xi32>
    %swap3A_1360 = vector.shape_cast %add3A_1352 : vector<16xi32> to vector<1x1x16xi32>
    tpu.vector_store %arg8[%swap3A_1355, %swap3A_1356, %swap3A_1357], %swap3A_1360 {strides = array<i32>} : memref<4x4x128xi32, #tpu.memory_space<vmem>>, vector<1x1x16xi32>,
    %get3A_1361 = arith.constant 3 : i32
    %get3A_1362 = arith.constant 0 : i32
    %get3A_1363 = arith.index_cast %get3A_1361 : i32 to index
    %get3A_1364 = arith.index_cast %get3A_1362 : i32 to index
    %get3A_1365 = arith.constant 64 : index
    %get3A_1366 = tpu.vector_load %arg8[%get3A_1363, %get3A_1364, %get3A_1365] {strides = array<i32>} : memref<4x4x128xi32, #tpu.memory_space<vmem>>, vector<1x1x16xi32>,
    %get3A_1367 = vector.shape_cast %get3A_1366 : vector<1x1x16xi32> to vector<16xi32>
    %add3A_1368 = arith.constant 196 : i32
    %add3A_1369 = vector.broadcast %add3A_1368 : i32 to vector<16xi32>
    %add3A_1370 = arith.addi %get3A_1367, %add3A_1369 : vector<16xi32>
    %swap3A_1371 = arith.constant 3 : i32
    %swap3A_1372 = arith.constant 0 : i32
    %swap3A_1373 = arith.index_cast %swap3A_1371 : i32 to index
    %swap3A_1374 = arith.index_cast %swap3A_1372 : i32 to index
    %swap3A_1375 = arith.constant 64 : index
    %swap3A_1376 = tpu.vector_load %arg8[%swap3A_1373, %swap3A_1374, %swap3A_1375] {strides = array<i32>} : memref<4x4x128xi32, #tpu.memory_space<vmem>>, vector<1x1x16xi32>,
    %swap3A_1377 = vector.shape_cast %swap3A_1376 : vector<1x1x16xi32> to vector<16xi32>
    %swap3A_1378 = vector.shape_cast %add3A_1370 : vector<16xi32> to vector<1x1x16xi32>
    tpu.vector_store %arg8[%swap3A_1373, %swap3A_1374, %swap3A_1375], %swap3A_1378 {strides = array<i32>} : memref<4x4x128xi32, #tpu.memory_space<vmem>>, vector<1x1x16xi32>,
    %get3A_1379 = arith.constant 3 : i32
    %get3A_1380 = arith.constant 0 : i32
    %get3A_1381 = arith.index_cast %get3A_1379 : i32 to index
    %get3A_1382 = arith.index_cast %get3A_1380 : i32 to index
    %get3A_1383 = arith.constant 80 : index
    %get3A_1384 = tpu.vector_load %arg8[%get3A_1381, %get3A_1382, %get3A_1383] {strides = array<i32>} : memref<4x4x128xi32, #tpu.memory_space<vmem>>, vector<1x1x16xi32>,
    %get3A_1385 = vector.shape_cast %get3A_1384 : vector<1x1x16xi32> to vector<16xi32>
    %add3A_1386 = arith.constant 196 : i32
    %add3A_1387 = vector.broadcast %add3A_1386 : i32 to vector<16xi32>
    %add3A_1388 = arith.addi %get3A_1385, %add3A_1387 : vector<16xi32>
    %swap3A_1389 = arith.constant 3 : i32
    %swap3A_1390 = arith.constant 0 : i32
    %swap3A_1391 = arith.index_cast %swap3A_1389 : i32 to index
    %swap3A_1392 = arith.index_cast %swap3A_1390 : i32 to index
    %swap3A_1393 = arith.constant 80 : index
    %swap3A_1394 = tpu.vector_load %arg8[%swap3A_1391, %swap3A_1392, %swap3A_1393] {strides = array<i32>} : memref<4x4x128xi32, #tpu.memory_space<vmem>>, vector<1x1x16xi32>,
    %swap3A_1395 = vector.shape_cast %swap3A_1394 : vector<1x1x16xi32> to vector<16xi32>
    %swap3A_1396 = vector.shape_cast %add3A_1388 : vector<16xi32> to vector<1x1x16xi32>
    tpu.vector_store %arg8[%swap3A_1391, %swap3A_1392, %swap3A_1393], %swap3A_1396 {strides = array<i32>} : memref<4x4x128xi32, #tpu.memory_space<vmem>>, vector<1x1x16xi32>,
    %get3A_1397 = arith.constant 3 : i32
    %get3A_1398 = arith.constant 0 : i32
    %get3A_1399 = arith.index_cast %get3A_1397 : i32 to index
    %get3A_1400 = arith.index_cast %get3A_1398 : i32 to index
    %get3A_1401 = arith.constant 96 : index
    %get3A_1402 = tpu.vector_load %arg8[%get3A_1399, %get3A_1400, %get3A_1401] {strides = array<i32>} : memref<4x4x128xi32, #tpu.memory_space<vmem>>, vector<1x1x16xi32>,
    %get3A_1403 = vector.shape_cast %get3A_1402 : vector<1x1x16xi32> to vector<16xi32>
    %add3A_1404 = arith.constant 196 : i32
    %add3A_1405 = vector.broadcast %add3A_1404 : i32 to vector<16xi32>
    %add3A_1406 = arith.addi %get3A_1403, %add3A_1405 : vector<16xi32>
    %swap3A_1407 = arith.constant 3 : i32
    %swap3A_1408 = arith.constant 0 : i32
    %swap3A_1409 = arith.index_cast %swap3A_1407 : i32 to index
    %swap3A_1410 = arith.index_cast %swap3A_1408 : i32 to index
    %swap3A_1411 = arith.constant 96 : index
    %swap3A_1412 = tpu.vector_load %arg8[%swap3A_1409, %swap3A_1410, %swap3A_1411] {strides = array<i32>} : memref<4x4x128xi32, #tpu.memory_space<vmem>>, vector<1x1x16xi32>,
    %swap3A_1413 = vector.shape_cast %swap3A_1412 : vector<1x1x16xi32> to vector<16xi32>
    %swap3A_1414 = vector.shape_cast %add3A_1406 : vector<16xi32> to vector<1x1x16xi32>
    tpu.vector_store %arg8[%swap3A_1409, %swap3A_1410, %swap3A_1411], %swap3A_1414 {strides = array<i32>} : memref<4x4x128xi32, #tpu.memory_space<vmem>>, vector<1x1x16xi32>,
    %get3A_1415 = arith.constant 3 : i32
    %get3A_1416 = arith.constant 0 : i32
    %get3A_1417 = arith.index_cast %get3A_1415 : i32 to index
    %get3A_1418 = arith.index_cast %get3A_1416 : i32 to index
    %get3A_1419 = arith.constant 112 : index
    %get3A_1420 = tpu.vector_load %arg8[%get3A_1417, %get3A_1418, %get3A_1419] {strides = array<i32>} : memref<4x4x128xi32, #tpu.memory_space<vmem>>, vector<1x1x16xi32>,
    %get3A_1421 = vector.shape_cast %get3A_1420 : vector<1x1x16xi32> to vector<16xi32>
    %add3A_1422 = arith.constant 196 : i32
    %add3A_1423 = vector.broadcast %add3A_1422 : i32 to vector<16xi32>
    %add3A_1424 = arith.addi %get3A_1421, %add3A_1423 : vector<16xi32>
    %swap3A_1425 = arith.constant 3 : i32
    %swap3A_1426 = arith.constant 0 : i32
    %swap3A_1427 = arith.index_cast %swap3A_1425 : i32 to index
    %swap3A_1428 = arith.index_cast %swap3A_1426 : i32 to index
    %swap3A_1429 = arith.constant 112 : index
    %swap3A_1430 = tpu.vector_load %arg8[%swap3A_1427, %swap3A_1428, %swap3A_1429] {strides = array<i32>} : memref<4x4x128xi32, #tpu.memory_space<vmem>>, vector<1x1x16xi32>,
    %swap3A_1431 = vector.shape_cast %swap3A_1430 : vector<1x1x16xi32> to vector<16xi32>
    %swap3A_1432 = vector.shape_cast %add3A_1424 : vector<16xi32> to vector<1x1x16xi32>
    tpu.vector_store %arg8[%swap3A_1427, %swap3A_1428, %swap3A_1429], %swap3A_1432 {strides = array<i32>} : memref<4x4x128xi32, #tpu.memory_space<vmem>>, vector<1x1x16xi32>,
    %get3A_1433 = arith.constant 3 : i32
    %get3A_1434 = arith.constant 1 : i32
    %get3A_1435 = arith.index_cast %get3A_1433 : i32 to index
    %get3A_1436 = arith.index_cast %get3A_1434 : i32 to index
    %get3A_1437 = arith.constant 0 : index
    %get3A_1438 = tpu.vector_load %arg8[%get3A_1435, %get3A_1436, %get3A_1437] {strides = array<i32>} : memref<4x4x128xi32, #tpu.memory_space<vmem>>, vector<1x1x16xi32>,
    %get3A_1439 = vector.shape_cast %get3A_1438 : vector<1x1x16xi32> to vector<16xi32>
    %add3A_1440 = arith.constant 196 : i32
    %add3A_1441 = vector.broadcast %add3A_1440 : i32 to vector<16xi32>
    %add3A_1442 = arith.addi %get3A_1439, %add3A_1441 : vector<16xi32>
    %swap3A_1443 = arith.constant 3 : i32
    %swap3A_1444 = arith.constant 1 : i32
    %swap3A_1445 = arith.index_cast %swap3A_1443 : i32 to index
    %swap3A_1446 = arith.index_cast %swap3A_1444 : i32 to index
    %swap3A_1447 = arith.constant 0 : index
    %swap3A_1448 = tpu.vector_load %arg8[%swap3A_1445, %swap3A_1446, %swap3A_1447] {strides = array<i32>} : memref<4x4x128xi32, #tpu.memory_space<vmem>>, vector<1x1x16xi32>,
    %swap3A_1449 = vector.shape_cast %swap3A_1448 : vector<1x1x16xi32> to vector<16xi32>
    %swap3A_1450 = vector.shape_cast %add3A_1442 : vector<16xi32> to vector<1x1x16xi32>
    tpu.vector_store %arg8[%swap3A_1445, %swap3A_1446, %swap3A_1447], %swap3A_1450 {strides = array<i32>} : memref<4x4x128xi32, #tpu.memory_space<vmem>>, vector<1x1x16xi32>,
    %get3A_1451 = arith.constant 3 : i32
    %get3A_1452 = arith.constant 1 : i32
    %get3A_1453 = arith.index_cast %get3A_1451 : i32 to index
    %get3A_1454 = arith.index_cast %get3A_1452 : i32 to index
    %get3A_1455 = arith.constant 16 : index
    %get3A_1456 = tpu.vector_load %arg8[%get3A_1453, %get3A_1454, %get3A_1455] {strides = array<i32>} : memref<4x4x128xi32, #tpu.memory_space<vmem>>, vector<1x1x16xi32>,
    %get3A_1457 = vector.shape_cast %get3A_1456 : vector<1x1x16xi32> to vector<16xi32>
    %add3A_1458 = arith.constant 196 : i32
    %add3A_1459 = vector.broadcast %add3A_1458 : i32 to vector<16xi32>
    %add3A_1460 = arith.addi %get3A_1457, %add3A_1459 : vector<16xi32>
    %swap3A_1461 = arith.constant 3 : i32
    %swap3A_1462 = arith.constant 1 : i32
    %swap3A_1463 = arith.index_cast %swap3A_1461 : i32 to index
    %swap3A_1464 = arith.index_cast %swap3A_1462 : i32 to index
    %swap3A_1465 = arith.constant 16 : index
    %swap3A_1466 = tpu.vector_load %arg8[%swap3A_1463, %swap3A_1464, %swap3A_1465] {strides = array<i32>} : memref<4x4x128xi32, #tpu.memory_space<vmem>>, vector<1x1x16xi32>,
    %swap3A_1467 = vector.shape_cast %swap3A_1466 : vector<1x1x16xi32> to vector<16xi32>
    %swap3A_1468 = vector.shape_cast %add3A_1460 : vector<16xi32> to vector<1x1x16xi32>
    tpu.vector_store %arg8[%swap3A_1463, %swap3A_1464, %swap3A_1465], %swap3A_1468 {strides = array<i32>} : memref<4x4x128xi32, #tpu.memory_space<vmem>>, vector<1x1x16xi32>,
    %get3A_1469 = arith.constant 3 : i32
    %get3A_1470 = arith.constant 1 : i32
    %get3A_1471 = arith.index_cast %get3A_1469 : i32 to index
    %get3A_1472 = arith.index_cast %get3A_1470 : i32 to index
    %get3A_1473 = arith.constant 32 : index
    %get3A_1474 = tpu.vector_load %arg8[%get3A_1471, %get3A_1472, %get3A_1473] {strides = array<i32>} : memref<4x4x128xi32, #tpu.memory_space<vmem>>, vector<1x1x16xi32>,
    %get3A_1475 = vector.shape_cast %get3A_1474 : vector<1x1x16xi32> to vector<16xi32>
    %add3A_1476 = arith.constant 196 : i32
    %add3A_1477 = vector.broadcast %add3A_1476 : i32 to vector<16xi32>
    %add3A_1478 = arith.addi %get3A_1475, %add3A_1477 : vector<16xi32>
    %swap3A_1479 = arith.constant 3 : i32
    %swap3A_1480 = arith.constant 1 : i32
    %swap3A_1481 = arith.index_cast %swap3A_1479 : i32 to index
    %swap3A_1482 = arith.index_cast %swap3A_1480 : i32 to index
    %swap3A_1483 = arith.constant 32 : index
    %swap3A_1484 = tpu.vector_load %arg8[%swap3A_1481, %swap3A_1482, %swap3A_1483] {strides = array<i32>} : memref<4x4x128xi32, #tpu.memory_space<vmem>>, vector<1x1x16xi32>,
    %swap3A_1485 = vector.shape_cast %swap3A_1484 : vector<1x1x16xi32> to vector<16xi32>
    %swap3A_1486 = vector.shape_cast %add3A_1478 : vector<16xi32> to vector<1x1x16xi32>
    tpu.vector_store %arg8[%swap3A_1481, %swap3A_1482, %swap3A_1483], %swap3A_1486 {strides = array<i32>} : memref<4x4x128xi32, #tpu.memory_space<vmem>>, vector<1x1x16xi32>,
    %get3A_1487 = arith.constant 3 : i32
    %get3A_1488 = arith.constant 1 : i32
    %get3A_1489 = arith.index_cast %get3A_1487 : i32 to index
    %get3A_1490 = arith.index_cast %get3A_1488 : i32 to index
    %get3A_1491 = arith.constant 48 : index
    %get3A_1492 = tpu.vector_load %arg8[%get3A_1489, %get3A_1490, %get3A_1491] {strides = array<i32>} : memref<4x4x128xi32, #tpu.memory_space<vmem>>, vector<1x1x16xi32>,
    %get3A_1493 = vector.shape_cast %get3A_1492 : vector<1x1x16xi32> to vector<16xi32>
    %add3A_1494 = arith.constant 196 : i32
    %add3A_1495 = vector.broadcast %add3A_1494 : i32 to vector<16xi32>
    %add3A_1496 = arith.addi %get3A_1493, %add3A_1495 : vector<16xi32>
    %swap3A_1497 = arith.constant 3 : i32
    %swap3A_1498 = arith.constant 1 : i32
    %swap3A_1499 = arith.index_cast %swap3A_1497 : i32 to index
    %swap3A_1500 = arith.index_cast %swap3A_1498 : i32 to index
    %swap3A_1501 = arith.constant 48 : index
    %swap3A_1502 = tpu.vector_load %arg8[%swap3A_1499, %swap3A_1500, %swap3A_1501] {strides = array<i32>} : memref<4x4x128xi32, #tpu.memory_space<vmem>>, vector<1x1x16xi32>,
    %swap3A_1503 = vector.shape_cast %swap3A_1502 : vector<1x1x16xi32> to vector<16xi32>
    %swap3A_1504 = vector.shape_cast %add3A_1496 : vector<16xi32> to vector<1x1x16xi32>
    tpu.vector_store %arg8[%swap3A_1499, %swap3A_1500, %swap3A_1501], %swap3A_1504 {strides = array<i32>} : memref<4x4x128xi32, #tpu.memory_space<vmem>>, vector<1x1x16xi32>,
    %get3A_1505 = arith.constant 3 : i32
    %get3A_1506 = arith.constant 1 : i32
    %get3A_1507 = arith.index_cast %get3A_1505 : i32 to index
    %get3A_1508 = arith.index_cast %get3A_1506 : i32 to index
    %get3A_1509 = arith.constant 64 : index
    %get3A_1510 = tpu.vector_load %arg8[%get3A_1507, %get3A_1508, %get3A_1509] {strides = array<i32>} : memref<4x4x128xi32, #tpu.memory_space<vmem>>, vector<1x1x16xi32>,
    %get3A_1511 = vector.shape_cast %get3A_1510 : vector<1x1x16xi32> to vector<16xi32>
    %add3A_1512 = arith.constant 196 : i32
    %add3A_1513 = vector.broadcast %add3A_1512 : i32 to vector<16xi32>
    %add3A_1514 = arith.addi %get3A_1511, %add3A_1513 : vector<16xi32>
    %swap3A_1515 = arith.constant 3 : i32
    %swap3A_1516 = arith.constant 1 : i32
    %swap3A_1517 = arith.index_cast %swap3A_1515 : i32 to index
    %swap3A_1518 = arith.index_cast %swap3A_1516 : i32 to index
    %swap3A_1519 = arith.constant 64 : index
    %swap3A_1520 = tpu.vector_load %arg8[%swap3A_1517, %swap3A_1518, %swap3A_1519] {strides = array<i32>} : memref<4x4x128xi32, #tpu.memory_space<vmem>>, vector<1x1x16xi32>,
    %swap3A_1521 = vector.shape_cast %swap3A_1520 : vector<1x1x16xi32> to vector<16xi32>
    %swap3A_1522 = vector.shape_cast %add3A_1514 : vector<16xi32> to vector<1x1x16xi32>
    tpu.vector_store %arg8[%swap3A_1517, %swap3A_1518, %swap3A_1519], %swap3A_1522 {strides = array<i32>} : memref<4x4x128xi32, #tpu.memory_space<vmem>>, vector<1x1x16xi32>,
    %get3A_1523 = arith.constant 3 : i32
    %get3A_1524 = arith.constant 1 : i32
    %get3A_1525 = arith.index_cast %get3A_1523 : i32 to index
    %get3A_1526 = arith.index_cast %get3A_1524 : i32 to index
    %get3A_1527 = arith.constant 80 : index
    %get3A_1528 = tpu.vector_load %arg8[%get3A_1525, %get3A_1526, %get3A_1527] {strides = array<i32>} : memref<4x4x128xi32, #tpu.memory_space<vmem>>, vector<1x1x16xi32>,
    %get3A_1529 = vector.shape_cast %get3A_1528 : vector<1x1x16xi32> to vector<16xi32>
    %add3A_1530 = arith.constant 196 : i32
    %add3A_1531 = vector.broadcast %add3A_1530 : i32 to vector<16xi32>
    %add3A_1532 = arith.addi %get3A_1529, %add3A_1531 : vector<16xi32>
    %swap3A_1533 = arith.constant 3 : i32
    %swap3A_1534 = arith.constant 1 : i32
    %swap3A_1535 = arith.index_cast %swap3A_1533 : i32 to index
    %swap3A_1536 = arith.index_cast %swap3A_1534 : i32 to index
    %swap3A_1537 = arith.constant 80 : index
    %swap3A_1538 = tpu.vector_load %arg8[%swap3A_1535, %swap3A_1536, %swap3A_1537] {strides = array<i32>} : memref<4x4x128xi32, #tpu.memory_space<vmem>>, vector<1x1x16xi32>,
    %swap3A_1539 = vector.shape_cast %swap3A_1538 : vector<1x1x16xi32> to vector<16xi32>
    %swap3A_1540 = vector.shape_cast %add3A_1532 : vector<16xi32> to vector<1x1x16xi32>
    tpu.vector_store %arg8[%swap3A_1535, %swap3A_1536, %swap3A_1537], %swap3A_1540 {strides = array<i32>} : memref<4x4x128xi32, #tpu.memory_space<vmem>>, vector<1x1x16xi32>,
    %get3A_1541 = arith.constant 3 : i32
    %get3A_1542 = arith.constant 1 : i32
    %get3A_1543 = arith.index_cast %get3A_1541 : i32 to index
    %get3A_1544 = arith.index_cast %get3A_1542 : i32 to index
    %get3A_1545 = arith.constant 96 : index
    %get3A_1546 = tpu.vector_load %arg8[%get3A_1543, %get3A_1544, %get3A_1545] {strides = array<i32>} : memref<4x4x128xi32, #tpu.memory_space<vmem>>, vector<1x1x16xi32>,
    %get3A_1547 = vector.shape_cast %get3A_1546 : vector<1x1x16xi32> to vector<16xi32>
    %add3A_1548 = arith.constant 196 : i32
    %add3A_1549 = vector.broadcast %add3A_1548 : i32 to vector<16xi32>
    %add3A_1550 = arith.addi %get3A_1547, %add3A_1549 : vector<16xi32>
    %swap3A_1551 = arith.constant 3 : i32
    %swap3A_1552 = arith.constant 1 : i32
    %swap3A_1553 = arith.index_cast %swap3A_1551 : i32 to index
    %swap3A_1554 = arith.index_cast %swap3A_1552 : i32 to index
    %swap3A_1555 = arith.constant 96 : index
    %swap3A_1556 = tpu.vector_load %arg8[%swap3A_1553, %swap3A_1554, %swap3A_1555] {strides = array<i32>} : memref<4x4x128xi32, #tpu.memory_space<vmem>>, vector<1x1x16xi32>,
    %swap3A_1557 = vector.shape_cast %swap3A_1556 : vector<1x1x16xi32> to vector<16xi32>
    %swap3A_1558 = vector.shape_cast %add3A_1550 : vector<16xi32> to vector<1x1x16xi32>
    tpu.vector_store %arg8[%swap3A_1553, %swap3A_1554, %swap3A_1555], %swap3A_1558 {strides = array<i32>} : memref<4x4x128xi32, #tpu.memory_space<vmem>>, vector<1x1x16xi32>,
    %get3A_1559 = arith.constant 3 : i32
    %get3A_1560 = arith.constant 1 : i32
    %get3A_1561 = arith.index_cast %get3A_1559 : i32 to index
    %get3A_1562 = arith.index_cast %get3A_1560 : i32 to index
    %get3A_1563 = arith.constant 112 : index
    %get3A_1564 = tpu.vector_load %arg8[%get3A_1561, %get3A_1562, %get3A_1563] {strides = array<i32>} : memref<4x4x128xi32, #tpu.memory_space<vmem>>, vector<1x1x16xi32>,
    %get3A_1565 = vector.shape_cast %get3A_1564 : vector<1x1x16xi32> to vector<16xi32>
    %add3A_1566 = arith.constant 196 : i32
    %add3A_1567 = vector.broadcast %add3A_1566 : i32 to vector<16xi32>
    %add3A_1568 = arith.addi %get3A_1565, %add3A_1567 : vector<16xi32>
    %swap3A_1569 = arith.constant 3 : i32
    %swap3A_1570 = arith.constant 1 : i32
    %swap3A_1571 = arith.index_cast %swap3A_1569 : i32 to index
    %swap3A_1572 = arith.index_cast %swap3A_1570 : i32 to index
    %swap3A_1573 = arith.constant 112 : index
    %swap3A_1574 = tpu.vector_load %arg8[%swap3A_1571, %swap3A_1572, %swap3A_1573] {strides = array<i32>} : memref<4x4x128xi32, #tpu.memory_space<vmem>>, vector<1x1x16xi32>,
    %swap3A_1575 = vector.shape_cast %swap3A_1574 : vector<1x1x16xi32> to vector<16xi32>
    %swap3A_1576 = vector.shape_cast %add3A_1568 : vector<16xi32> to vector<1x1x16xi32>
    tpu.vector_store %arg8[%swap3A_1571, %swap3A_1572, %swap3A_1573], %swap3A_1576 {strides = array<i32>} : memref<4x4x128xi32, #tpu.memory_space<vmem>>, vector<1x1x16xi32>,
    %get3A_1577 = arith.constant 3 : i32
    %get3A_1578 = arith.constant 2 : i32
    %get3A_1579 = arith.index_cast %get3A_1577 : i32 to index
    %get3A_1580 = arith.index_cast %get3A_1578 : i32 to index
    %get3A_1581 = arith.constant 0 : index
    %get3A_1582 = tpu.vector_load %arg8[%get3A_1579, %get3A_1580, %get3A_1581] {strides = array<i32>} : memref<4x4x128xi32, #tpu.memory_space<vmem>>, vector<1x1x16xi32>,
    %get3A_1583 = vector.shape_cast %get3A_1582 : vector<1x1x16xi32> to vector<16xi32>
    %add3A_1584 = arith.constant 196 : i32
    %add3A_1585 = vector.broadcast %add3A_1584 : i32 to vector<16xi32>
    %add3A_1586 = arith.addi %get3A_1583, %add3A_1585 : vector<16xi32>
    %swap3A_1587 = arith.constant 3 : i32
    %swap3A_1588 = arith.constant 2 : i32
    %swap3A_1589 = arith.index_cast %swap3A_1587 : i32 to index
    %swap3A_1590 = arith.index_cast %swap3A_1588 : i32 to index
    %swap3A_1591 = arith.constant 0 : index
    %swap3A_1592 = tpu.vector_load %arg8[%swap3A_1589, %swap3A_1590, %swap3A_1591] {strides = array<i32>} : memref<4x4x128xi32, #tpu.memory_space<vmem>>, vector<1x1x16xi32>,
    %swap3A_1593 = vector.shape_cast %swap3A_1592 : vector<1x1x16xi32> to vector<16xi32>
    %swap3A_1594 = vector.shape_cast %add3A_1586 : vector<16xi32> to vector<1x1x16xi32>
    tpu.vector_store %arg8[%swap3A_1589, %swap3A_1590, %swap3A_1591], %swap3A_1594 {strides = array<i32>} : memref<4x4x128xi32, #tpu.memory_space<vmem>>, vector<1x1x16xi32>,
    %get3A_1595 = arith.constant 3 : i32
    %get3A_1596 = arith.constant 2 : i32
    %get3A_1597 = arith.index_cast %get3A_1595 : i32 to index
    %get3A_1598 = arith.index_cast %get3A_1596 : i32 to index
    %get3A_1599 = arith.constant 16 : index
    %get3A_1600 = tpu.vector_load %arg8[%get3A_1597, %get3A_1598, %get3A_1599] {strides = array<i32>} : memref<4x4x128xi32, #tpu.memory_space<vmem>>, vector<1x1x16xi32>,
    %get3A_1601 = vector.shape_cast %get3A_1600 : vector<1x1x16xi32> to vector<16xi32>
    %add3A_1602 = arith.constant 196 : i32
    %add3A_1603 = vector.broadcast %add3A_1602 : i32 to vector<16xi32>
    %add3A_1604 = arith.addi %get3A_1601, %add3A_1603 : vector<16xi32>
    %swap3A_1605 = arith.constant 3 : i32
    %swap3A_1606 = arith.constant 2 : i32
    %swap3A_1607 = arith.index_cast %swap3A_1605 : i32 to index
    %swap3A_1608 = arith.index_cast %swap3A_1606 : i32 to index
    %swap3A_1609 = arith.constant 16 : index
    %swap3A_1610 = tpu.vector_load %arg8[%swap3A_1607, %swap3A_1608, %swap3A_1609] {strides = array<i32>} : memref<4x4x128xi32, #tpu.memory_space<vmem>>, vector<1x1x16xi32>,
    %swap3A_1611 = vector.shape_cast %swap3A_1610 : vector<1x1x16xi32> to vector<16xi32>
    %swap3A_1612 = vector.shape_cast %add3A_1604 : vector<16xi32> to vector<1x1x16xi32>
    tpu.vector_store %arg8[%swap3A_1607, %swap3A_1608, %swap3A_1609], %swap3A_1612 {strides = array<i32>} : memref<4x4x128xi32, #tpu.memory_space<vmem>>, vector<1x1x16xi32>,
    %get3A_1613 = arith.constant 3 : i32
    %get3A_1614 = arith.constant 2 : i32
    %get3A_1615 = arith.index_cast %get3A_1613 : i32 to index
    %get3A_1616 = arith.index_cast %get3A_1614 : i32 to index
    %get3A_1617 = arith.constant 32 : index
    %get3A_1618 = tpu.vector_load %arg8[%get3A_1615, %get3A_1616, %get3A_1617] {strides = array<i32>} : memref<4x4x128xi32, #tpu.memory_space<vmem>>, vector<1x1x16xi32>,
    %get3A_1619 = vector.shape_cast %get3A_1618 : vector<1x1x16xi32> to vector<16xi32>
    %add3A_1620 = arith.constant 196 : i32
    %add3A_1621 = vector.broadcast %add3A_1620 : i32 to vector<16xi32>
    %add3A_1622 = arith.addi %get3A_1619, %add3A_1621 : vector<16xi32>
    %swap3A_1623 = arith.constant 3 : i32
    %swap3A_1624 = arith.constant 2 : i32
    %swap3A_1625 = arith.index_cast %swap3A_1623 : i32 to index
    %swap3A_1626 = arith.index_cast %swap3A_1624 : i32 to index
    %swap3A_1627 = arith.constant 32 : index
    %swap3A_1628 = tpu.vector_load %arg8[%swap3A_1625, %swap3A_1626, %swap3A_1627] {strides = array<i32>} : memref<4x4x128xi32, #tpu.memory_space<vmem>>, vector<1x1x16xi32>,
    %swap3A_1629 = vector.shape_cast %swap3A_1628 : vector<1x1x16xi32> to vector<16xi32>
    %swap3A_1630 = vector.shape_cast %add3A_1622 : vector<16xi32> to vector<1x1x16xi32>
    tpu.vector_store %arg8[%swap3A_1625, %swap3A_1626, %swap3A_1627], %swap3A_1630 {strides = array<i32>} : memref<4x4x128xi32, #tpu.memory_space<vmem>>, vector<1x1x16xi32>,
    %get3A_1631 = arith.constant 3 : i32
    %get3A_1632 = arith.constant 2 : i32
    %get3A_1633 = arith.index_cast %get3A_1631 : i32 to index
    %get3A_1634 = arith.index_cast %get3A_1632 : i32 to index
    %get3A_1635 = arith.constant 48 : index
    %get3A_1636 = tpu.vector_load %arg8[%get3A_1633, %get3A_1634, %get3A_1635] {strides = array<i32>} : memref<4x4x128xi32, #tpu.memory_space<vmem>>, vector<1x1x16xi32>,
    %get3A_1637 = vector.shape_cast %get3A_1636 : vector<1x1x16xi32> to vector<16xi32>
    %add3A_1638 = arith.constant 196 : i32
    %add3A_1639 = vector.broadcast %add3A_1638 : i32 to vector<16xi32>
    %add3A_1640 = arith.addi %get3A_1637, %add3A_1639 : vector<16xi32>
    %swap3A_1641 = arith.constant 3 : i32
    %swap3A_1642 = arith.constant 2 : i32
    %swap3A_1643 = arith.index_cast %swap3A_1641 : i32 to index
    %swap3A_1644 = arith.index_cast %swap3A_1642 : i32 to index
    %swap3A_1645 = arith.constant 48 : index
    %swap3A_1646 = tpu.vector_load %arg8[%swap3A_1643, %swap3A_1644, %swap3A_1645] {strides = array<i32>} : memref<4x4x128xi32, #tpu.memory_space<vmem>>, vector<1x1x16xi32>,
    %swap3A_1647 = vector.shape_cast %swap3A_1646 : vector<1x1x16xi32> to vector<16xi32>
    %swap3A_1648 = vector.shape_cast %add3A_1640 : vector<16xi32> to vector<1x1x16xi32>
    tpu.vector_store %arg8[%swap3A_1643, %swap3A_1644, %swap3A_1645], %swap3A_1648 {strides = array<i32>} : memref<4x4x128xi32, #tpu.memory_space<vmem>>, vector<1x1x16xi32>,
    %get3A_1649 = arith.constant 3 : i32
    %get3A_1650 = arith.constant 2 : i32
    %get3A_1651 = arith.index_cast %get3A_1649 : i32 to index
    %get3A_1652 = arith.index_cast %get3A_1650 : i32 to index
    %get3A_1653 = arith.constant 64 : index
    %get3A_1654 = tpu.vector_load %arg8[%get3A_1651, %get3A_1652, %get3A_1653] {strides = array<i32>} : memref<4x4x128xi32, #tpu.memory_space<vmem>>, vector<1x1x16xi32>,
    %get3A_1655 = vector.shape_cast %get3A_1654 : vector<1x1x16xi32> to vector<16xi32>
    %add3A_1656 = arith.constant 196 : i32
    %add3A_1657 = vector.broadcast %add3A_1656 : i32 to vector<16xi32>
    %add3A_1658 = arith.addi %get3A_1655, %add3A_1657 : vector<16xi32>
    %swap3A_1659 = arith.constant 3 : i32
    %swap3A_1660 = arith.constant 2 : i32
    %swap3A_1661 = arith.index_cast %swap3A_1659 : i32 to index
    %swap3A_1662 = arith.index_cast %swap3A_1660 : i32 to index
    %swap3A_1663 = arith.constant 64 : index
    %swap3A_1664 = tpu.vector_load %arg8[%swap3A_1661, %swap3A_1662, %swap3A_1663] {strides = array<i32>} : memref<4x4x128xi32, #tpu.memory_space<vmem>>, vector<1x1x16xi32>,
    %swap3A_1665 = vector.shape_cast %swap3A_1664 : vector<1x1x16xi32> to vector<16xi32>
    %swap3A_1666 = vector.shape_cast %add3A_1658 : vector<16xi32> to vector<1x1x16xi32>
    tpu.vector_store %arg8[%swap3A_1661, %swap3A_1662, %swap3A_1663], %swap3A_1666 {strides = array<i32>} : memref<4x4x128xi32, #tpu.memory_space<vmem>>, vector<1x1x16xi32>,
    %get3A_1667 = arith.constant 3 : i32
    %get3A_1668 = arith.constant 2 : i32
    %get3A_1669 = arith.index_cast %get3A_1667 : i32 to index
    %get3A_1670 = arith.index_cast %get3A_1668 : i32 to index
    %get3A_1671 = arith.constant 80 : index
    %get3A_1672 = tpu.vector_load %arg8[%get3A_1669, %get3A_1670, %get3A_1671] {strides = array<i32>} : memref<4x4x128xi32, #tpu.memory_space<vmem>>, vector<1x1x16xi32>,
    %get3A_1673 = vector.shape_cast %get3A_1672 : vector<1x1x16xi32> to vector<16xi32>
    %add3A_1674 = arith.constant 196 : i32
    %add3A_1675 = vector.broadcast %add3A_1674 : i32 to vector<16xi32>
    %add3A_1676 = arith.addi %get3A_1673, %add3A_1675 : vector<16xi32>
    %swap3A_1677 = arith.constant 3 : i32
    %swap3A_1678 = arith.constant 2 : i32
    %swap3A_1679 = arith.index_cast %swap3A_1677 : i32 to index
    %swap3A_1680 = arith.index_cast %swap3A_1678 : i32 to index
    %swap3A_1681 = arith.constant 80 : index
    %swap3A_1682 = tpu.vector_load %arg8[%swap3A_1679, %swap3A_1680, %swap3A_1681] {strides = array<i32>} : memref<4x4x128xi32, #tpu.memory_space<vmem>>, vector<1x1x16xi32>,
    %swap3A_1683 = vector.shape_cast %swap3A_1682 : vector<1x1x16xi32> to vector<16xi32>
    %swap3A_1684 = vector.shape_cast %add3A_1676 : vector<16xi32> to vector<1x1x16xi32>
    tpu.vector_store %arg8[%swap3A_1679, %swap3A_1680, %swap3A_1681], %swap3A_1684 {strides = array<i32>} : memref<4x4x128xi32, #tpu.memory_space<vmem>>, vector<1x1x16xi32>,
    %get3A_1685 = arith.constant 3 : i32
    %get3A_1686 = arith.constant 2 : i32
    %get3A_1687 = arith.index_cast %get3A_1685 : i32 to index
    %get3A_1688 = arith.index_cast %get3A_1686 : i32 to index
    %get3A_1689 = arith.constant 96 : index
    %get3A_1690 = tpu.vector_load %arg8[%get3A_1687, %get3A_1688, %get3A_1689] {strides = array<i32>} : memref<4x4x128xi32, #tpu.memory_space<vmem>>, vector<1x1x16xi32>,
    %get3A_1691 = vector.shape_cast %get3A_1690 : vector<1x1x16xi32> to vector<16xi32>
    %add3A_1692 = arith.constant 196 : i32
    %add3A_1693 = vector.broadcast %add3A_1692 : i32 to vector<16xi32>
    %add3A_1694 = arith.addi %get3A_1691, %add3A_1693 : vector<16xi32>
    %swap3A_1695 = arith.constant 3 : i32
    %swap3A_1696 = arith.constant 2 : i32
    %swap3A_1697 = arith.index_cast %swap3A_1695 : i32 to index
    %swap3A_1698 = arith.index_cast %swap3A_1696 : i32 to index
    %swap3A_1699 = arith.constant 96 : index
    %swap3A_1700 = tpu.vector_load %arg8[%swap3A_1697, %swap3A_1698, %swap3A_1699] {strides = array<i32>} : memref<4x4x128xi32, #tpu.memory_space<vmem>>, vector<1x1x16xi32>,
    %swap3A_1701 = vector.shape_cast %swap3A_1700 : vector<1x1x16xi32> to vector<16xi32>
    %swap3A_1702 = vector.shape_cast %add3A_1694 : vector<16xi32> to vector<1x1x16xi32>
    tpu.vector_store %arg8[%swap3A_1697, %swap3A_1698, %swap3A_1699], %swap3A_1702 {strides = array<i32>} : memref<4x4x128xi32, #tpu.memory_space<vmem>>, vector<1x1x16xi32>,
    %get3A_1703 = arith.constant 3 : i32
    %get3A_1704 = arith.constant 2 : i32
    %get3A_1705 = arith.index_cast %get3A_1703 : i32 to index
    %get3A_1706 = arith.index_cast %get3A_1704 : i32 to index
    %get3A_1707 = arith.constant 112 : index
    %get3A_1708 = tpu.vector_load %arg8[%get3A_1705, %get3A_1706, %get3A_1707] {strides = array<i32>} : memref<4x4x128xi32, #tpu.memory_space<vmem>>, vector<1x1x16xi32>,
    %get3A_1709 = vector.shape_cast %get3A_1708 : vector<1x1x16xi32> to vector<16xi32>
    %add3A_1710 = arith.constant 196 : i32
    %add3A_1711 = vector.broadcast %add3A_1710 : i32 to vector<16xi32>
    %add3A_1712 = arith.addi %get3A_1709, %add3A_1711 : vector<16xi32>
    %swap3A_1713 = arith.constant 3 : i32
    %swap3A_1714 = arith.constant 2 : i32
    %swap3A_1715 = arith.index_cast %swap3A_1713 : i32 to index
    %swap3A_1716 = arith.index_cast %swap3A_1714 : i32 to index
    %swap3A_1717 = arith.constant 112 : index
    %swap3A_1718 = tpu.vector_load %arg8[%swap3A_1715, %swap3A_1716, %swap3A_1717] {strides = array<i32>} : memref<4x4x128xi32, #tpu.memory_space<vmem>>, vector<1x1x16xi32>,
    %swap3A_1719 = vector.shape_cast %swap3A_1718 : vector<1x1x16xi32> to vector<16xi32>
    %swap3A_1720 = vector.shape_cast %add3A_1712 : vector<16xi32> to vector<1x1x16xi32>
    tpu.vector_store %arg8[%swap3A_1715, %swap3A_1716, %swap3A_1717], %swap3A_1720 {strides = array<i32>} : memref<4x4x128xi32, #tpu.memory_space<vmem>>, vector<1x1x16xi32>,
    %get3A_1721 = arith.constant 3 : i32
    %get3A_1722 = arith.constant 3 : i32
    %get3A_1723 = arith.index_cast %get3A_1721 : i32 to index
    %get3A_1724 = arith.index_cast %get3A_1722 : i32 to index
    %get3A_1725 = arith.constant 0 : index
    %get3A_1726 = tpu.vector_load %arg8[%get3A_1723, %get3A_1724, %get3A_1725] {strides = array<i32>} : memref<4x4x128xi32, #tpu.memory_space<vmem>>, vector<1x1x16xi32>,
    %get3A_1727 = vector.shape_cast %get3A_1726 : vector<1x1x16xi32> to vector<16xi32>
    %add3A_1728 = arith.constant 196 : i32
    %add3A_1729 = vector.broadcast %add3A_1728 : i32 to vector<16xi32>
    %add3A_1730 = arith.addi %get3A_1727, %add3A_1729 : vector<16xi32>
    %swap3A_1731 = arith.constant 3 : i32
    %swap3A_1732 = arith.constant 3 : i32
    %swap3A_1733 = arith.index_cast %swap3A_1731 : i32 to index
    %swap3A_1734 = arith.index_cast %swap3A_1732 : i32 to index
    %swap3A_1735 = arith.constant 0 : index
    %swap3A_1736 = tpu.vector_load %arg8[%swap3A_1733, %swap3A_1734, %swap3A_1735] {strides = array<i32>} : memref<4x4x128xi32, #tpu.memory_space<vmem>>, vector<1x1x16xi32>,
    %swap3A_1737 = vector.shape_cast %swap3A_1736 : vector<1x1x16xi32> to vector<16xi32>
    %swap3A_1738 = vector.shape_cast %add3A_1730 : vector<16xi32> to vector<1x1x16xi32>
    tpu.vector_store %arg8[%swap3A_1733, %swap3A_1734, %swap3A_1735], %swap3A_1738 {strides = array<i32>} : memref<4x4x128xi32, #tpu.memory_space<vmem>>, vector<1x1x16xi32>,
    %get3A_1739 = arith.constant 3 : i32
    %get3A_1740 = arith.constant 3 : i32
    %get3A_1741 = arith.index_cast %get3A_1739 : i32 to index
    %get3A_1742 = arith.index_cast %get3A_1740 : i32 to index
    %get3A_1743 = arith.constant 16 : index
    %get3A_1744 = tpu.vector_load %arg8[%get3A_1741, %get3A_1742, %get3A_1743] {strides = array<i32>} : memref<4x4x128xi32, #tpu.memory_space<vmem>>, vector<1x1x16xi32>,
    %get3A_1745 = vector.shape_cast %get3A_1744 : vector<1x1x16xi32> to vector<16xi32>
    %add3A_1746 = arith.constant 196 : i32
    %add3A_1747 = vector.broadcast %add3A_1746 : i32 to vector<16xi32>
    %add3A_1748 = arith.addi %get3A_1745, %add3A_1747 : vector<16xi32>
    %swap3A_1749 = arith.constant 3 : i32
    %swap3A_1750 = arith.constant 3 : i32
    %swap3A_1751 = arith.index_cast %swap3A_1749 : i32 to index
    %swap3A_1752 = arith.index_cast %swap3A_1750 : i32 to index
    %swap3A_1753 = arith.constant 16 : index
    %swap3A_1754 = tpu.vector_load %arg8[%swap3A_1751, %swap3A_1752, %swap3A_1753] {strides = array<i32>} : memref<4x4x128xi32, #tpu.memory_space<vmem>>, vector<1x1x16xi32>,
    %swap3A_1755 = vector.shape_cast %swap3A_1754 : vector<1x1x16xi32> to vector<16xi32>
    %swap3A_1756 = vector.shape_cast %add3A_1748 : vector<16xi32> to vector<1x1x16xi32>
    tpu.vector_store %arg8[%swap3A_1751, %swap3A_1752, %swap3A_1753], %swap3A_1756 {strides = array<i32>} : memref<4x4x128xi32, #tpu.memory_space<vmem>>, vector<1x1x16xi32>,
    %get3A_1757 = arith.constant 3 : i32
    %get3A_1758 = arith.constant 3 : i32
    %get3A_1759 = arith.index_cast %get3A_1757 : i32 to index
    %get3A_1760 = arith.index_cast %get3A_1758 : i32 to index
    %get3A_1761 = arith.constant 32 : index
    %get3A_1762 = tpu.vector_load %arg8[%get3A_1759, %get3A_1760, %get3A_1761] {strides = array<i32>} : memref<4x4x128xi32, #tpu.memory_space<vmem>>, vector<1x1x16xi32>,
    %get3A_1763 = vector.shape_cast %get3A_1762 : vector<1x1x16xi32> to vector<16xi32>
    %add3A_1764 = arith.constant 196 : i32
    %add3A_1765 = vector.broadcast %add3A_1764 : i32 to vector<16xi32>
    %add3A_1766 = arith.addi %get3A_1763, %add3A_1765 : vector<16xi32>
    %swap3A_1767 = arith.constant 3 : i32
    %swap3A_1768 = arith.constant 3 : i32
    %swap3A_1769 = arith.index_cast %swap3A_1767 : i32 to index
    %swap3A_1770 = arith.index_cast %swap3A_1768 : i32 to index
    %swap3A_1771 = arith.constant 32 : index
    %swap3A_1772 = tpu.vector_load %arg8[%swap3A_1769, %swap3A_1770, %swap3A_1771] {strides = array<i32>} : memref<4x4x128xi32, #tpu.memory_space<vmem>>, vector<1x1x16xi32>,
    %swap3A_1773 = vector.shape_cast %swap3A_1772 : vector<1x1x16xi32> to vector<16xi32>
    %swap3A_1774 = vector.shape_cast %add3A_1766 : vector<16xi32> to vector<1x1x16xi32>
    tpu.vector_store %arg8[%swap3A_1769, %swap3A_1770, %swap3A_1771], %swap3A_1774 {strides = array<i32>} : memref<4x4x128xi32, #tpu.memory_space<vmem>>, vector<1x1x16xi32>,
    %get3A_1775 = arith.constant 3 : i32
    %get3A_1776 = arith.constant 3 : i32
    %get3A_1777 = arith.index_cast %get3A_1775 : i32 to index
    %get3A_1778 = arith.index_cast %get3A_1776 : i32 to index
    %get3A_1779 = arith.constant 48 : index
    %get3A_1780 = tpu.vector_load %arg8[%get3A_1777, %get3A_1778, %get3A_1779] {strides = array<i32>} : memref<4x4x128xi32, #tpu.memory_space<vmem>>, vector<1x1x16xi32>,
    %get3A_1781 = vector.shape_cast %get3A_1780 : vector<1x1x16xi32> to vector<16xi32>
    %add3A_1782 = arith.constant 196 : i32
    %add3A_1783 = vector.broadcast %add3A_1782 : i32 to vector<16xi32>
    %add3A_1784 = arith.addi %get3A_1781, %add3A_1783 : vector<16xi32>
    %swap3A_1785 = arith.constant 3 : i32
    %swap3A_1786 = arith.constant 3 : i32
    %swap3A_1787 = arith.index_cast %swap3A_1785 : i32 to index
    %swap3A_1788 = arith.index_cast %swap3A_1786 : i32 to index
    %swap3A_1789 = arith.constant 48 : index
    %swap3A_1790 = tpu.vector_load %arg8[%swap3A_1787, %swap3A_1788, %swap3A_1789] {strides = array<i32>} : memref<4x4x128xi32, #tpu.memory_space<vmem>>, vector<1x1x16xi32>,
    %swap3A_1791 = vector.shape_cast %swap3A_1790 : vector<1x1x16xi32> to vector<16xi32>
    %swap3A_1792 = vector.shape_cast %add3A_1784 : vector<16xi32> to vector<1x1x16xi32>
    tpu.vector_store %arg8[%swap3A_1787, %swap3A_1788, %swap3A_1789], %swap3A_1792 {strides = array<i32>} : memref<4x4x128xi32, #tpu.memory_space<vmem>>, vector<1x1x16xi32>,
    %get3A_1793 = arith.constant 3 : i32
    %get3A_1794 = arith.constant 3 : i32
    %get3A_1795 = arith.index_cast %get3A_1793 : i32 to index
    %get3A_1796 = arith.index_cast %get3A_1794 : i32 to index
    %get3A_1797 = arith.constant 64 : index
    %get3A_1798 = tpu.vector_load %arg8[%get3A_1795, %get3A_1796, %get3A_1797] {strides = array<i32>} : memref<4x4x128xi32, #tpu.memory_space<vmem>>, vector<1x1x16xi32>,
    %get3A_1799 = vector.shape_cast %get3A_1798 : vector<1x1x16xi32> to vector<16xi32>
    %add3A_1800 = arith.constant 196 : i32
    %add3A_1801 = vector.broadcast %add3A_1800 : i32 to vector<16xi32>
    %add3A_1802 = arith.addi %get3A_1799, %add3A_1801 : vector<16xi32>
    %swap3A_1803 = arith.constant 3 : i32
    %swap3A_1804 = arith.constant 3 : i32
    %swap3A_1805 = arith.index_cast %swap3A_1803 : i32 to index
    %swap3A_1806 = arith.index_cast %swap3A_1804 : i32 to index
    %swap3A_1807 = arith.constant 64 : index
    %swap3A_1808 = tpu.vector_load %arg8[%swap3A_1805, %swap3A_1806, %swap3A_1807] {strides = array<i32>} : memref<4x4x128xi32, #tpu.memory_space<vmem>>, vector<1x1x16xi32>,
    %swap3A_1809 = vector.shape_cast %swap3A_1808 : vector<1x1x16xi32> to vector<16xi32>
    %swap3A_1810 = vector.shape_cast %add3A_1802 : vector<16xi32> to vector<1x1x16xi32>
    tpu.vector_store %arg8[%swap3A_1805, %swap3A_1806, %swap3A_1807], %swap3A_1810 {strides = array<i32>} : memref<4x4x128xi32, #tpu.memory_space<vmem>>, vector<1x1x16xi32>,
    %get3A_1811 = arith.constant 3 : i32
    %get3A_1812 = arith.constant 3 : i32
    %get3A_1813 = arith.index_cast %get3A_1811 : i32 to index
    %get3A_1814 = arith.index_cast %get3A_1812 : i32 to index
    %get3A_1815 = arith.constant 80 : index
    %get3A_1816 = tpu.vector_load %arg8[%get3A_1813, %get3A_1814, %get3A_1815] {strides = array<i32>} : memref<4x4x128xi32, #tpu.memory_space<vmem>>, vector<1x1x16xi32>,
    %get3A_1817 = vector.shape_cast %get3A_1816 : vector<1x1x16xi32> to vector<16xi32>
    %add3A_1818 = arith.constant 196 : i32
    %add3A_1819 = vector.broadcast %add3A_1818 : i32 to vector<16xi32>
    %add3A_1820 = arith.addi %get3A_1817, %add3A_1819 : vector<16xi32>
    %swap3A_1821 = arith.constant 3 : i32
    %swap3A_1822 = arith.constant 3 : i32
    %swap3A_1823 = arith.index_cast %swap3A_1821 : i32 to index
    %swap3A_1824 = arith.index_cast %swap3A_1822 : i32 to index
    %swap3A_1825 = arith.constant 80 : index
    %swap3A_1826 = tpu.vector_load %arg8[%swap3A_1823, %swap3A_1824, %swap3A_1825] {strides = array<i32>} : memref<4x4x128xi32, #tpu.memory_space<vmem>>, vector<1x1x16xi32>,
    %swap3A_1827 = vector.shape_cast %swap3A_1826 : vector<1x1x16xi32> to vector<16xi32>
    %swap3A_1828 = vector.shape_cast %add3A_1820 : vector<16xi32> to vector<1x1x16xi32>
    tpu.vector_store %arg8[%swap3A_1823, %swap3A_1824, %swap3A_1825], %swap3A_1828 {strides = array<i32>} : memref<4x4x128xi32, #tpu.memory_space<vmem>>, vector<1x1x16xi32>,
    %get3A_1829 = arith.constant 3 : i32
    %get3A_1830 = arith.constant 3 : i32
    %get3A_1831 = arith.index_cast %get3A_1829 : i32 to index
    %get3A_1832 = arith.index_cast %get3A_1830 : i32 to index
    %get3A_1833 = arith.constant 96 : index
    %get3A_1834 = tpu.vector_load %arg8[%get3A_1831, %get3A_1832, %get3A_1833] {strides = array<i32>} : memref<4x4x128xi32, #tpu.memory_space<vmem>>, vector<1x1x16xi32>,
    %get3A_1835 = vector.shape_cast %get3A_1834 : vector<1x1x16xi32> to vector<16xi32>
    %add3A_1836 = arith.constant 196 : i32
    %add3A_1837 = vector.broadcast %add3A_1836 : i32 to vector<16xi32>
    %add3A_1838 = arith.addi %get3A_1835, %add3A_1837 : vector<16xi32>
    %swap3A_1839 = arith.constant 3 : i32
    %swap3A_1840 = arith.constant 3 : i32
    %swap3A_1841 = arith.index_cast %swap3A_1839 : i32 to index
    %swap3A_1842 = arith.index_cast %swap3A_1840 : i32 to index
    %swap3A_1843 = arith.constant 96 : index
    %swap3A_1844 = tpu.vector_load %arg8[%swap3A_1841, %swap3A_1842, %swap3A_1843] {strides = array<i32>} : memref<4x4x128xi32, #tpu.memory_space<vmem>>, vector<1x1x16xi32>,
    %swap3A_1845 = vector.shape_cast %swap3A_1844 : vector<1x1x16xi32> to vector<16xi32>
    %swap3A_1846 = vector.shape_cast %add3A_1838 : vector<16xi32> to vector<1x1x16xi32>
    tpu.vector_store %arg8[%swap3A_1841, %swap3A_1842, %swap3A_1843], %swap3A_1846 {strides = array<i32>} : memref<4x4x128xi32, #tpu.memory_space<vmem>>, vector<1x1x16xi32>,
    %get3A_1847 = arith.constant 3 : i32
    %get3A_1848 = arith.constant 3 : i32
    %get3A_1849 = arith.index_cast %get3A_1847 : i32 to index
    %get3A_1850 = arith.index_cast %get3A_1848 : i32 to index
    %get3A_1851 = arith.constant 112 : index
    %get3A_1852 = tpu.vector_load %arg8[%get3A_1849, %get3A_1850, %get3A_1851] {strides = array<i32>} : memref<4x4x128xi32, #tpu.memory_space<vmem>>, vector<1x1x16xi32>,
    %get3A_1853 = vector.shape_cast %get3A_1852 : vector<1x1x16xi32> to vector<16xi32>
    %add3A_1854 = arith.constant 196 : i32
    %add3A_1855 = vector.broadcast %add3A_1854 : i32 to vector<16xi32>
    %add3A_1856 = arith.addi %get3A_1853, %add3A_1855 : vector<16xi32>
    %swap3A_1857 = arith.constant 3 : i32
    %swap3A_1858 = arith.constant 3 : i32
    %swap3A_1859 = arith.index_cast %swap3A_1857 : i32 to index
    %swap3A_1860 = arith.index_cast %swap3A_1858 : i32 to index
    %swap3A_1861 = arith.constant 112 : index
    %swap3A_1862 = tpu.vector_load %arg8[%swap3A_1859, %swap3A_1860, %swap3A_1861] {strides = array<i32>} : memref<4x4x128xi32, #tpu.memory_space<vmem>>, vector<1x1x16xi32>,
    %swap3A_1863 = vector.shape_cast %swap3A_1862 : vector<1x1x16xi32> to vector<16xi32>
    %swap3A_1864 = vector.shape_cast %add3A_1856 : vector<16xi32> to vector<1x1x16xi32>
    tpu.vector_store %arg8[%swap3A_1859, %swap3A_1860, %swap3A_1861], %swap3A_1864 {strides = array<i32>} : memref<4x4x128xi32, #tpu.memory_space<vmem>>, vector<1x1x16xi32>,
    %barrier3A = arith.constant 0 : index
    tpu.barrier barrier_id(%barrier3A)
    %dma_start3A_1865 = arith.constant 0 : i32
    %dma_start3A_1866 = arith.constant 0 : i32
    %dma_start3A_1867 = arith.constant 0 : i32
    %dma_start3A_1868 = arith.constant 0 : i32
    %dma_start3A_1869 = tpu.memref_slice %arg9[%dma_start3A_1867, %dma_start3A_1868] : memref<2048x32xf32, #tpu.memory_space<vmem>> -> memref<128x32xf32, #tpu.memory_space<vmem>>
    %dma_start3A_1870 = arith.constant 0 : i32
    %dma_start3A_1871 = tpu.memref_slice %arg8[%dma_start3A_1865, %dma_start3A_1866, %dma_start3A_1870] : memref<4x4x128xi32, #tpu.memory_space<vmem>> -> memref<1x1x128xi32, #tpu.memory_space<vmem>>
    %dma_start3A_1872 = tpu.memref_squeeze %dma_start3A_1871 : memref<1x1x128xi32, #tpu.memory_space<vmem>> -> memref<128xi32, #tpu.memory_space<vmem>>
    %dma_start3A_1873 = arith.constant 0 : i32
    %dma_start3A_1874 = arith.constant 0 : i32
    %dma_start3A_1875 = tpu.memref_slice %arg10[%dma_start3A_1873, %dma_start3A_1874] : memref<204x32xf32, #tpu.memory_space<vmem_shared>> -> memref<204x32xf32, #tpu.memory_space<vmem_shared>>
    tpu.enqueue_indirect_dma source(%dma_start3A_1875 : memref<204x32xf32, #tpu.memory_space<vmem_shared>>) target(%dma_start3A_1869 : memref<128x32xf32, #tpu.memory_space<vmem>>) offsets(%dma_start3A_1872 : memref<128xi32, #tpu.memory_space<vmem>>) semaphore(%arg12 : memref<!tpu.dma_semaphore, #tpu.memory_space<semaphore_mem>>)
    %dma_start3A_1876 = arith.constant 0 : i32
    %dma_start3A_1877 = arith.constant 1 : i32
    %dma_start3A_1878 = arith.constant 128 : i32
    %dma_start3A_1879 = arith.constant 0 : i32
    %dma_start3A_1880 = tpu.memref_slice %arg9[%dma_start3A_1878, %dma_start3A_1879] : memref<2048x32xf32, #tpu.memory_space<vmem>> -> memref<128x32xf32, #tpu.memory_space<vmem>>
    %dma_start3A_1881 = arith.constant 0 : i32
    %dma_start3A_1882 = tpu.memref_slice %arg8[%dma_start3A_1876, %dma_start3A_1877, %dma_start3A_1881] : memref<4x4x128xi32, #tpu.memory_space<vmem>> -> memref<1x1x128xi32, #tpu.memory_space<vmem>>
    %dma_start3A_1883 = tpu.memref_squeeze %dma_start3A_1882 : memref<1x1x128xi32, #tpu.memory_space<vmem>> -> memref<128xi32, #tpu.memory_space<vmem>>
    %dma_start3A_1884 = arith.constant 0 : i32
    %dma_start3A_1885 = arith.constant 0 : i32
    %dma_start3A_1886 = tpu.memref_slice %arg10[%dma_start3A_1884, %dma_start3A_1885] : memref<204x32xf32, #tpu.memory_space<vmem_shared>> -> memref<204x32xf32, #tpu.memory_space<vmem_shared>>
    tpu.enqueue_indirect_dma source(%dma_start3A_1886 : memref<204x32xf32, #tpu.memory_space<vmem_shared>>) target(%dma_start3A_1880 : memref<128x32xf32, #tpu.memory_space<vmem>>) offsets(%dma_start3A_1883 : memref<128xi32, #tpu.memory_space<vmem>>) semaphore(%arg12 : memref<!tpu.dma_semaphore, #tpu.memory_space<semaphore_mem>>)
    %dma_start3A_1887 = arith.constant 0 : i32
    %dma_start3A_1888 = arith.constant 2 : i32
    %dma_start3A_1889 = arith.constant 256 : i32
    %dma_start3A_1890 = arith.constant 0 : i32
    %dma_start3A_1891 = tpu.memref_slice %arg9[%dma_start3A_1889, %dma_start3A_1890] : memref<2048x32xf32, #tpu.memory_space<vmem>> -> memref<128x32xf32, #tpu.memory_space<vmem>>
    %dma_start3A_1892 = arith.constant 0 : i32
    %dma_start3A_1893 = tpu.memref_slice %arg8[%dma_start3A_1887, %dma_start3A_1888, %dma_start3A_1892] : memref<4x4x128xi32, #tpu.memory_space<vmem>> -> memref<1x1x128xi32, #tpu.memory_space<vmem>>
    %dma_start3A_1894 = tpu.memref_squeeze %dma_start3A_1893 : memref<1x1x128xi32, #tpu.memory_space<vmem>> -> memref<128xi32, #tpu.memory_space<vmem>>
    %dma_start3A_1895 = arith.constant 0 : i32
    %dma_start3A_1896 = arith.constant 0 : i32
    %dma_start3A_1897 = tpu.memref_slice %arg10[%dma_start3A_1895, %dma_start3A_1896] : memref<204x32xf32, #tpu.memory_space<vmem_shared>> -> memref<204x32xf32, #tpu.memory_space<vmem_shared>>
    tpu.enqueue_indirect_dma source(%dma_start3A_1897 : memref<204x32xf32, #tpu.memory_space<vmem_shared>>) target(%dma_start3A_1891 : memref<128x32xf32, #tpu.memory_space<vmem>>) offsets(%dma_start3A_1894 : memref<128xi32, #tpu.memory_space<vmem>>) semaphore(%arg12 : memref<!tpu.dma_semaphore, #tpu.memory_space<semaphore_mem>>)
    %dma_start3A_1898 = arith.constant 0 : i32
    %dma_start3A_1899 = arith.constant 3 : i32
    %dma_start3A_1900 = arith.constant 384 : i32
    %dma_start3A_1901 = arith.constant 0 : i32
    %dma_start3A_1902 = tpu.memref_slice %arg9[%dma_start3A_1900, %dma_start3A_1901] : memref<2048x32xf32, #tpu.memory_space<vmem>> -> memref<128x32xf32, #tpu.memory_space<vmem>>
    %dma_start3A_1903 = arith.constant 0 : i32
    %dma_start3A_1904 = tpu.memref_slice %arg8[%dma_start3A_1898, %dma_start3A_1899, %dma_start3A_1903] : memref<4x4x128xi32, #tpu.memory_space<vmem>> -> memref<1x1x128xi32, #tpu.memory_space<vmem>>
    %dma_start3A_1905 = tpu.memref_squeeze %dma_start3A_1904 : memref<1x1x128xi32, #tpu.memory_space<vmem>> -> memref<128xi32, #tpu.memory_space<vmem>>
    %dma_start3A_1906 = arith.constant 0 : i32
    %dma_start3A_1907 = arith.constant 0 : i32
    %dma_start3A_1908 = tpu.memref_slice %arg10[%dma_start3A_1906, %dma_start3A_1907] : memref<204x32xf32, #tpu.memory_space<vmem_shared>> -> memref<204x32xf32, #tpu.memory_space<vmem_shared>>
    tpu.enqueue_indirect_dma source(%dma_start3A_1908 : memref<204x32xf32, #tpu.memory_space<vmem_shared>>) target(%dma_start3A_1902 : memref<128x32xf32, #tpu.memory_space<vmem>>) offsets(%dma_start3A_1905 : memref<128xi32, #tpu.memory_space<vmem>>) semaphore(%arg12 : memref<!tpu.dma_semaphore, #tpu.memory_space<semaphore_mem>>)
    %dma_start3A_1909 = arith.constant 1 : i32
    %dma_start3A_1910 = arith.constant 0 : i32
    %dma_start3A_1911 = arith.constant 512 : i32
    %dma_start3A_1912 = arith.constant 0 : i32
    %dma_start3A_1913 = tpu.memref_slice %arg9[%dma_start3A_1911, %dma_start3A_1912] : memref<2048x32xf32, #tpu.memory_space<vmem>> -> memref<128x32xf32, #tpu.memory_space<vmem>>
    %dma_start3A_1914 = arith.constant 0 : i32
    %dma_start3A_1915 = tpu.memref_slice %arg8[%dma_start3A_1909, %dma_start3A_1910, %dma_start3A_1914] : memref<4x4x128xi32, #tpu.memory_space<vmem>> -> memref<1x1x128xi32, #tpu.memory_space<vmem>>
    %dma_start3A_1916 = tpu.memref_squeeze %dma_start3A_1915 : memref<1x1x128xi32, #tpu.memory_space<vmem>> -> memref<128xi32, #tpu.memory_space<vmem>>
    %dma_start3A_1917 = arith.constant 0 : i32
    %dma_start3A_1918 = arith.constant 0 : i32
    %dma_start3A_1919 = tpu.memref_slice %arg10[%dma_start3A_1917, %dma_start3A_1918] : memref<204x32xf32, #tpu.memory_space<vmem_shared>> -> memref<204x32xf32, #tpu.memory_space<vmem_shared>>
    tpu.enqueue_indirect_dma source(%dma_start3A_1919 : memref<204x32xf32, #tpu.memory_space<vmem_shared>>) target(%dma_start3A_1913 : memref<128x32xf32, #tpu.memory_space<vmem>>) offsets(%dma_start3A_1916 : memref<128xi32, #tpu.memory_space<vmem>>) semaphore(%arg12 : memref<!tpu.dma_semaphore, #tpu.memory_space<semaphore_mem>>)
    %dma_start3A_1920 = arith.constant 1 : i32
    %dma_start3A_1921 = arith.constant 1 : i32
    %dma_start3A_1922 = arith.constant 640 : i32
    %dma_start3A_1923 = arith.constant 0 : i32
    %dma_start3A_1924 = tpu.memref_slice %arg9[%dma_start3A_1922, %dma_start3A_1923] : memref<2048x32xf32, #tpu.memory_space<vmem>> -> memref<128x32xf32, #tpu.memory_space<vmem>>
    %dma_start3A_1925 = arith.constant 0 : i32
    %dma_start3A_1926 = tpu.memref_slice %arg8[%dma_start3A_1920, %dma_start3A_1921, %dma_start3A_1925] : memref<4x4x128xi32, #tpu.memory_space<vmem>> -> memref<1x1x128xi32, #tpu.memory_space<vmem>>
    %dma_start3A_1927 = tpu.memref_squeeze %dma_start3A_1926 : memref<1x1x128xi32, #tpu.memory_space<vmem>> -> memref<128xi32, #tpu.memory_space<vmem>>
    %dma_start3A_1928 = arith.constant 0 : i32
    %dma_start3A_1929 = arith.constant 0 : i32
    %dma_start3A_1930 = tpu.memref_slice %arg10[%dma_start3A_1928, %dma_start3A_1929] : memref<204x32xf32, #tpu.memory_space<vmem_shared>> -> memref<204x32xf32, #tpu.memory_space<vmem_shared>>
    tpu.enqueue_indirect_dma source(%dma_start3A_1930 : memref<204x32xf32, #tpu.memory_space<vmem_shared>>) target(%dma_start3A_1924 : memref<128x32xf32, #tpu.memory_space<vmem>>) offsets(%dma_start3A_1927 : memref<128xi32, #tpu.memory_space<vmem>>) semaphore(%arg12 : memref<!tpu.dma_semaphore, #tpu.memory_space<semaphore_mem>>)
    %dma_start3A_1931 = arith.constant 1 : i32
    %dma_start3A_1932 = arith.constant 2 : i32
    %dma_start3A_1933 = arith.constant 768 : i32
    %dma_start3A_1934 = arith.constant 0 : i32
    %dma_start3A_1935 = tpu.memref_slice %arg9[%dma_start3A_1933, %dma_start3A_1934] : memref<2048x32xf32, #tpu.memory_space<vmem>> -> memref<128x32xf32, #tpu.memory_space<vmem>>
    %dma_start3A_1936 = arith.constant 0 : i32
    %dma_start3A_1937 = tpu.memref_slice %arg8[%dma_start3A_1931, %dma_start3A_1932, %dma_start3A_1936] : memref<4x4x128xi32, #tpu.memory_space<vmem>> -> memref<1x1x128xi32, #tpu.memory_space<vmem>>
    %dma_start3A_1938 = tpu.memref_squeeze %dma_start3A_1937 : memref<1x1x128xi32, #tpu.memory_space<vmem>> -> memref<128xi32, #tpu.memory_space<vmem>>
    %dma_start3A_1939 = arith.constant 0 : i32
    %dma_start3A_1940 = arith.constant 0 : i32
    %dma_start3A_1941 = tpu.memref_slice %arg10[%dma_start3A_1939, %dma_start3A_1940] : memref<204x32xf32, #tpu.memory_space<vmem_shared>> -> memref<204x32xf32, #tpu.memory_space<vmem_shared>>
    tpu.enqueue_indirect_dma source(%dma_start3A_1941 : memref<204x32xf32, #tpu.memory_space<vmem_shared>>) target(%dma_start3A_1935 : memref<128x32xf32, #tpu.memory_space<vmem>>) offsets(%dma_start3A_1938 : memref<128xi32, #tpu.memory_space<vmem>>) semaphore(%arg12 : memref<!tpu.dma_semaphore, #tpu.memory_space<semaphore_mem>>)
    %dma_start3A_1942 = arith.constant 1 : i32
    %dma_start3A_1943 = arith.constant 3 : i32
    %dma_start3A_1944 = arith.constant 896 : i32
    %dma_start3A_1945 = arith.constant 0 : i32
    %dma_start3A_1946 = tpu.memref_slice %arg9[%dma_start3A_1944, %dma_start3A_1945] : memref<2048x32xf32, #tpu.memory_space<vmem>> -> memref<128x32xf32, #tpu.memory_space<vmem>>
    %dma_start3A_1947 = arith.constant 0 : i32
    %dma_start3A_1948 = tpu.memref_slice %arg8[%dma_start3A_1942, %dma_start3A_1943, %dma_start3A_1947] : memref<4x4x128xi32, #tpu.memory_space<vmem>> -> memref<1x1x128xi32, #tpu.memory_space<vmem>>
    %dma_start3A_1949 = tpu.memref_squeeze %dma_start3A_1948 : memref<1x1x128xi32, #tpu.memory_space<vmem>> -> memref<128xi32, #tpu.memory_space<vmem>>
    %dma_start3A_1950 = arith.constant 0 : i32
    %dma_start3A_1951 = arith.constant 0 : i32
    %dma_start3A_1952 = tpu.memref_slice %arg10[%dma_start3A_1950, %dma_start3A_1951] : memref<204x32xf32, #tpu.memory_space<vmem_shared>> -> memref<204x32xf32, #tpu.memory_space<vmem_shared>>
    tpu.enqueue_indirect_dma source(%dma_start3A_1952 : memref<204x32xf32, #tpu.memory_space<vmem_shared>>) target(%dma_start3A_1946 : memref<128x32xf32, #tpu.memory_space<vmem>>) offsets(%dma_start3A_1949 : memref<128xi32, #tpu.memory_space<vmem>>) semaphore(%arg12 : memref<!tpu.dma_semaphore, #tpu.memory_space<semaphore_mem>>)
    %dma_start3A_1953 = arith.constant 2 : i32
    %dma_start3A_1954 = arith.constant 0 : i32
    %dma_start3A_1955 = arith.constant 1024 : i32
    %dma_start3A_1956 = arith.constant 0 : i32
    %dma_start3A_1957 = tpu.memref_slice %arg9[%dma_start3A_1955, %dma_start3A_1956] : memref<2048x32xf32, #tpu.memory_space<vmem>> -> memref<128x32xf32, #tpu.memory_space<vmem>>
    %dma_start3A_1958 = arith.constant 0 : i32
    %dma_start3A_1959 = tpu.memref_slice %arg8[%dma_start3A_1953, %dma_start3A_1954, %dma_start3A_1958] : memref<4x4x128xi32, #tpu.memory_space<vmem>> -> memref<1x1x128xi32, #tpu.memory_space<vmem>>
    %dma_start3A_1960 = tpu.memref_squeeze %dma_start3A_1959 : memref<1x1x128xi32, #tpu.memory_space<vmem>> -> memref<128xi32, #tpu.memory_space<vmem>>
    %dma_start3A_1961 = arith.constant 0 : i32
    %dma_start3A_1962 = arith.constant 0 : i32
    %dma_start3A_1963 = tpu.memref_slice %arg10[%dma_start3A_1961, %dma_start3A_1962] : memref<204x32xf32, #tpu.memory_space<vmem_shared>> -> memref<204x32xf32, #tpu.memory_space<vmem_shared>>
    tpu.enqueue_indirect_dma source(%dma_start3A_1963 : memref<204x32xf32, #tpu.memory_space<vmem_shared>>) target(%dma_start3A_1957 : memref<128x32xf32, #tpu.memory_space<vmem>>) offsets(%dma_start3A_1960 : memref<128xi32, #tpu.memory_space<vmem>>) semaphore(%arg12 : memref<!tpu.dma_semaphore, #tpu.memory_space<semaphore_mem>>)
    %dma_start3A_1964 = arith.constant 2 : i32
    %dma_start3A_1965 = arith.constant 1 : i32
    %dma_start3A_1966 = arith.constant 1152 : i32
    %dma_start3A_1967 = arith.constant 0 : i32
    %dma_start3A_1968 = tpu.memref_slice %arg9[%dma_start3A_1966, %dma_start3A_1967] : memref<2048x32xf32, #tpu.memory_space<vmem>> -> memref<128x32xf32, #tpu.memory_space<vmem>>
    %dma_start3A_1969 = arith.constant 0 : i32
    %dma_start3A_1970 = tpu.memref_slice %arg8[%dma_start3A_1964, %dma_start3A_1965, %dma_start3A_1969] : memref<4x4x128xi32, #tpu.memory_space<vmem>> -> memref<1x1x128xi32, #tpu.memory_space<vmem>>
    %dma_start3A_1971 = tpu.memref_squeeze %dma_start3A_1970 : memref<1x1x128xi32, #tpu.memory_space<vmem>> -> memref<128xi32, #tpu.memory_space<vmem>>
    %dma_start3A_1972 = arith.constant 0 : i32
    %dma_start3A_1973 = arith.constant 0 : i32
    %dma_start3A_1974 = tpu.memref_slice %arg10[%dma_start3A_1972, %dma_start3A_1973] : memref<204x32xf32, #tpu.memory_space<vmem_shared>> -> memref<204x32xf32, #tpu.memory_space<vmem_shared>>
    tpu.enqueue_indirect_dma source(%dma_start3A_1974 : memref<204x32xf32, #tpu.memory_space<vmem_shared>>) target(%dma_start3A_1968 : memref<128x32xf32, #tpu.memory_space<vmem>>) offsets(%dma_start3A_1971 : memref<128xi32, #tpu.memory_space<vmem>>) semaphore(%arg12 : memref<!tpu.dma_semaphore, #tpu.memory_space<semaphore_mem>>)
    %dma_start3A_1975 = arith.constant 2 : i32
    %dma_start3A_1976 = arith.constant 2 : i32
    %dma_start3A_1977 = arith.constant 1280 : i32
    %dma_start3A_1978 = arith.constant 0 : i32
    %dma_start3A_1979 = tpu.memref_slice %arg9[%dma_start3A_1977, %dma_start3A_1978] : memref<2048x32xf32, #tpu.memory_space<vmem>> -> memref<128x32xf32, #tpu.memory_space<vmem>>
    %dma_start3A_1980 = arith.constant 0 : i32
    %dma_start3A_1981 = tpu.memref_slice %arg8[%dma_start3A_1975, %dma_start3A_1976, %dma_start3A_1980] : memref<4x4x128xi32, #tpu.memory_space<vmem>> -> memref<1x1x128xi32, #tpu.memory_space<vmem>>
    %dma_start3A_1982 = tpu.memref_squeeze %dma_start3A_1981 : memref<1x1x128xi32, #tpu.memory_space<vmem>> -> memref<128xi32, #tpu.memory_space<vmem>>
    %dma_start3A_1983 = arith.constant 0 : i32
    %dma_start3A_1984 = arith.constant 0 : i32
    %dma_start3A_1985 = tpu.memref_slice %arg10[%dma_start3A_1983, %dma_start3A_1984] : memref<204x32xf32, #tpu.memory_space<vmem_shared>> -> memref<204x32xf32, #tpu.memory_space<vmem_shared>>
    tpu.enqueue_indirect_dma source(%dma_start3A_1985 : memref<204x32xf32, #tpu.memory_space<vmem_shared>>) target(%dma_start3A_1979 : memref<128x32xf32, #tpu.memory_space<vmem>>) offsets(%dma_start3A_1982 : memref<128xi32, #tpu.memory_space<vmem>>) semaphore(%arg12 : memref<!tpu.dma_semaphore, #tpu.memory_space<semaphore_mem>>)
    %dma_start3A_1986 = arith.constant 2 : i32
    %dma_start3A_1987 = arith.constant 3 : i32
    %dma_start3A_1988 = arith.constant 1408 : i32
    %dma_start3A_1989 = arith.constant 0 : i32
    %dma_start3A_1990 = tpu.memref_slice %arg9[%dma_start3A_1988, %dma_start3A_1989] : memref<2048x32xf32, #tpu.memory_space<vmem>> -> memref<128x32xf32, #tpu.memory_space<vmem>>
    %dma_start3A_1991 = arith.constant 0 : i32
    %dma_start3A_1992 = tpu.memref_slice %arg8[%dma_start3A_1986, %dma_start3A_1987, %dma_start3A_1991] : memref<4x4x128xi32, #tpu.memory_space<vmem>> -> memref<1x1x128xi32, #tpu.memory_space<vmem>>
    %dma_start3A_1993 = tpu.memref_squeeze %dma_start3A_1992 : memref<1x1x128xi32, #tpu.memory_space<vmem>> -> memref<128xi32, #tpu.memory_space<vmem>>
    %dma_start3A_1994 = arith.constant 0 : i32
    %dma_start3A_1995 = arith.constant 0 : i32
    %dma_start3A_1996 = tpu.memref_slice %arg10[%dma_start3A_1994, %dma_start3A_1995] : memref<204x32xf32, #tpu.memory_space<vmem_shared>> -> memref<204x32xf32, #tpu.memory_space<vmem_shared>>
    tpu.enqueue_indirect_dma source(%dma_start3A_1996 : memref<204x32xf32, #tpu.memory_space<vmem_shared>>) target(%dma_start3A_1990 : memref<128x32xf32, #tpu.memory_space<vmem>>) offsets(%dma_start3A_1993 : memref<128xi32, #tpu.memory_space<vmem>>) semaphore(%arg12 : memref<!tpu.dma_semaphore, #tpu.memory_space<semaphore_mem>>)
    %dma_start3A_1997 = arith.constant 3 : i32
    %dma_start3A_1998 = arith.constant 0 : i32
    %dma_start3A_1999 = arith.constant 1536 : i32
    %dma_start3A_2000 = arith.constant 0 : i32
    %dma_start3A_2001 = tpu.memref_slice %arg9[%dma_start3A_1999, %dma_start3A_2000] : memref<2048x32xf32, #tpu.memory_space<vmem>> -> memref<128x32xf32, #tpu.memory_space<vmem>>
    %dma_start3A_2002 = arith.constant 0 : i32
    %dma_start3A_2003 = tpu.memref_slice %arg8[%dma_start3A_1997, %dma_start3A_1998, %dma_start3A_2002] : memref<4x4x128xi32, #tpu.memory_space<vmem>> -> memref<1x1x128xi32, #tpu.memory_space<vmem>>
    %dma_start3A_2004 = tpu.memref_squeeze %dma_start3A_2003 : memref<1x1x128xi32, #tpu.memory_space<vmem>> -> memref<128xi32, #tpu.memory_space<vmem>>
    %dma_start3A_2005 = arith.constant 0 : i32
    %dma_start3A_2006 = arith.constant 0 : i32
    %dma_start3A_2007 = tpu.memref_slice %arg10[%dma_start3A_2005, %dma_start3A_2006] : memref<204x32xf32, #tpu.memory_space<vmem_shared>> -> memref<204x32xf32, #tpu.memory_space<vmem_shared>>
    tpu.enqueue_indirect_dma source(%dma_start3A_2007 : memref<204x32xf32, #tpu.memory_space<vmem_shared>>) target(%dma_start3A_2001 : memref<128x32xf32, #tpu.memory_space<vmem>>) offsets(%dma_start3A_2004 : memref<128xi32, #tpu.memory_space<vmem>>) semaphore(%arg12 : memref<!tpu.dma_semaphore, #tpu.memory_space<semaphore_mem>>)
    %dma_start3A_2008 = arith.constant 3 : i32
    %dma_start3A_2009 = arith.constant 1 : i32
    %dma_start3A_2010 = arith.constant 1664 : i32
    %dma_start3A_2011 = arith.constant 0 : i32
    %dma_start3A_2012 = tpu.memref_slice %arg9[%dma_start3A_2010, %dma_start3A_2011] : memref<2048x32xf32, #tpu.memory_space<vmem>> -> memref<128x32xf32, #tpu.memory_space<vmem>>
    %dma_start3A_2013 = arith.constant 0 : i32
    %dma_start3A_2014 = tpu.memref_slice %arg8[%dma_start3A_2008, %dma_start3A_2009, %dma_start3A_2013] : memref<4x4x128xi32, #tpu.memory_space<vmem>> -> memref<1x1x128xi32, #tpu.memory_space<vmem>>
    %dma_start3A_2015 = tpu.memref_squeeze %dma_start3A_2014 : memref<1x1x128xi32, #tpu.memory_space<vmem>> -> memref<128xi32, #tpu.memory_space<vmem>>
    %dma_start3A_2016 = arith.constant 0 : i32
    %dma_start3A_2017 = arith.constant 0 : i32
    %dma_start3A_2018 = tpu.memref_slice %arg10[%dma_start3A_2016, %dma_start3A_2017] : memref<204x32xf32, #tpu.memory_space<vmem_shared>> -> memref<204x32xf32, #tpu.memory_space<vmem_shared>>
    tpu.enqueue_indirect_dma source(%dma_start3A_2018 : memref<204x32xf32, #tpu.memory_space<vmem_shared>>) target(%dma_start3A_2012 : memref<128x32xf32, #tpu.memory_space<vmem>>) offsets(%dma_start3A_2015 : memref<128xi32, #tpu.memory_space<vmem>>) semaphore(%arg12 : memref<!tpu.dma_semaphore, #tpu.memory_space<semaphore_mem>>)
    %dma_start3A_2019 = arith.constant 3 : i32
    %dma_start3A_2020 = arith.constant 2 : i32
    %dma_start3A_2021 = arith.constant 1792 : i32
    %dma_start3A_2022 = arith.constant 0 : i32
    %dma_start3A_2023 = tpu.memref_slice %arg9[%dma_start3A_2021, %dma_start3A_2022] : memref<2048x32xf32, #tpu.memory_space<vmem>> -> memref<128x32xf32, #tpu.memory_space<vmem>>
    %dma_start3A_2024 = arith.constant 0 : i32
    %dma_start3A_2025 = tpu.memref_slice %arg8[%dma_start3A_2019, %dma_start3A_2020, %dma_start3A_2024] : memref<4x4x128xi32, #tpu.memory_space<vmem>> -> memref<1x1x128xi32, #tpu.memory_space<vmem>>
    %dma_start3A_2026 = tpu.memref_squeeze %dma_start3A_2025 : memref<1x1x128xi32, #tpu.memory_space<vmem>> -> memref<128xi32, #tpu.memory_space<vmem>>
    %dma_start3A_2027 = arith.constant 0 : i32
    %dma_start3A_2028 = arith.constant 0 : i32
    %dma_start3A_2029 = tpu.memref_slice %arg10[%dma_start3A_2027, %dma_start3A_2028] : memref<204x32xf32, #tpu.memory_space<vmem_shared>> -> memref<204x32xf32, #tpu.memory_space<vmem_shared>>
    tpu.enqueue_indirect_dma source(%dma_start3A_2029 : memref<204x32xf32, #tpu.memory_space<vmem_shared>>) target(%dma_start3A_2023 : memref<128x32xf32, #tpu.memory_space<vmem>>) offsets(%dma_start3A_2026 : memref<128xi32, #tpu.memory_space<vmem>>) semaphore(%arg12 : memref<!tpu.dma_semaphore, #tpu.memory_space<semaphore_mem>>)
    %dma_start3A_2030 = arith.constant 3 : i32
    %dma_start3A_2031 = arith.constant 3 : i32
    %dma_start3A_2032 = arith.constant 1920 : i32
    %dma_start3A_2033 = arith.constant 0 : i32
    %dma_start3A_2034 = tpu.memref_slice %arg9[%dma_start3A_2032, %dma_start3A_2033] : memref<2048x32xf32, #tpu.memory_space<vmem>> -> memref<128x32xf32, #tpu.memory_space<vmem>>
    %dma_start3A_2035 = arith.constant 0 : i32
    %dma_start3A_2036 = tpu.memref_slice %arg8[%dma_start3A_2030, %dma_start3A_2031, %dma_start3A_2035] : memref<4x4x128xi32, #tpu.memory_space<vmem>> -> memref<1x1x128xi32, #tpu.memory_space<vmem>>
    %dma_start3A_2037 = tpu.memref_squeeze %dma_start3A_2036 : memref<1x1x128xi32, #tpu.memory_space<vmem>> -> memref<128xi32, #tpu.memory_space<vmem>>
    %dma_start3A_2038 = arith.constant 0 : i32
    %dma_start3A_2039 = arith.constant 0 : i32
    %dma_start3A_2040 = tpu.memref_slice %arg10[%dma_start3A_2038, %dma_start3A_2039] : memref<204x32xf32, #tpu.memory_space<vmem_shared>> -> memref<204x32xf32, #tpu.memory_space<vmem_shared>>
    tpu.enqueue_indirect_dma source(%dma_start3A_2040 : memref<204x32xf32, #tpu.memory_space<vmem_shared>>) target(%dma_start3A_2034 : memref<128x32xf32, #tpu.memory_space<vmem>>) offsets(%dma_start3A_2037 : memref<128xi32, #tpu.memory_space<vmem>>) semaphore(%arg12 : memref<!tpu.dma_semaphore, #tpu.memory_space<semaphore_mem>>)
    %dma_wait3A_2041 = arith.constant 0 : i32
    %dma_wait3A_2042 = arith.constant 0 : i32
    %dma_wait3A_2043 = arith.constant 0 : i32
    %dma_wait3A_2044 = arith.constant 0 : i32
    %dma_wait3A_2045 = tpu.memref_slice %arg9[%dma_wait3A_2043, %dma_wait3A_2044] : memref<2048x32xf32, #tpu.memory_space<vmem>> -> memref<128x32xf32, #tpu.memory_space<vmem>>
    %dma_wait3A_2046 = arith.constant 0 : i32
    %dma_wait3A_2047 = tpu.memref_slice %arg8[%dma_wait3A_2041, %dma_wait3A_2042, %dma_wait3A_2046] : memref<4x4x128xi32, #tpu.memory_space<vmem>> -> memref<1x1x128xi32, #tpu.memory_space<vmem>>
    %dma_wait3A_2048 = tpu.memref_squeeze %dma_wait3A_2047 : memref<1x1x128xi32, #tpu.memory_space<vmem>> -> memref<128xi32, #tpu.memory_space<vmem>>
    %dma_wait3A_2049 = arith.constant 0 : i32
    %dma_wait3A_2050 = arith.constant 0 : i32
    %dma_wait3A_2051 = tpu.memref_slice %arg10[%dma_wait3A_2049, %dma_wait3A_2050] : memref<204x32xf32, #tpu.memory_space<vmem_shared>> -> memref<204x32xf32, #tpu.memory_space<vmem_shared>>
    tpu.wait_indirect_dma semaphore(%arg12 : memref<!tpu.dma_semaphore, #tpu.memory_space<semaphore_mem>>) src(%dma_wait3A_2051 : memref<204x32xf32, #tpu.memory_space<vmem_shared>>) dst(%dma_wait3A_2045 : memref<128x32xf32, #tpu.memory_space<vmem>>)
    %dma_wait3A_2052 = arith.constant 0 : i32
    %dma_wait3A_2053 = arith.constant 1 : i32
    %dma_wait3A_2054 = arith.constant 128 : i32
    %dma_wait3A_2055 = arith.constant 0 : i32
    %dma_wait3A_2056 = tpu.memref_slice %arg9[%dma_wait3A_2054, %dma_wait3A_2055] : memref<2048x32xf32, #tpu.memory_space<vmem>> -> memref<128x32xf32, #tpu.memory_space<vmem>>
    %dma_wait3A_2057 = arith.constant 0 : i32
    %dma_wait3A_2058 = tpu.memref_slice %arg8[%dma_wait3A_2052, %dma_wait3A_2053, %dma_wait3A_2057] : memref<4x4x128xi32, #tpu.memory_space<vmem>> -> memref<1x1x128xi32, #tpu.memory_space<vmem>>
    %dma_wait3A_2059 = tpu.memref_squeeze %dma_wait3A_2058 : memref<1x1x128xi32, #tpu.memory_space<vmem>> -> memref<128xi32, #tpu.memory_space<vmem>>
    %dma_wait3A_2060 = arith.constant 0 : i32
    %dma_wait3A_2061 = arith.constant 0 : i32
    %dma_wait3A_2062 = tpu.memref_slice %arg10[%dma_wait3A_2060, %dma_wait3A_2061] : memref<204x32xf32, #tpu.memory_space<vmem_shared>> -> memref<204x32xf32, #tpu.memory_space<vmem_shared>>
    tpu.wait_indirect_dma semaphore(%arg12 : memref<!tpu.dma_semaphore, #tpu.memory_space<semaphore_mem>>) src(%dma_wait3A_2062 : memref<204x32xf32, #tpu.memory_space<vmem_shared>>) dst(%dma_wait3A_2056 : memref<128x32xf32, #tpu.memory_space<vmem>>)
    %dma_wait3A_2063 = arith.constant 0 : i32
    %dma_wait3A_2064 = arith.constant 2 : i32
    %dma_wait3A_2065 = arith.constant 256 : i32
    %dma_wait3A_2066 = arith.constant 0 : i32
    %dma_wait3A_2067 = tpu.memref_slice %arg9[%dma_wait3A_2065, %dma_wait3A_2066] : memref<2048x32xf32, #tpu.memory_space<vmem>> -> memref<128x32xf32, #tpu.memory_space<vmem>>
    %dma_wait3A_2068 = arith.constant 0 : i32
    %dma_wait3A_2069 = tpu.memref_slice %arg8[%dma_wait3A_2063, %dma_wait3A_2064, %dma_wait3A_2068] : memref<4x4x128xi32, #tpu.memory_space<vmem>> -> memref<1x1x128xi32, #tpu.memory_space<vmem>>
    %dma_wait3A_2070 = tpu.memref_squeeze %dma_wait3A_2069 : memref<1x1x128xi32, #tpu.memory_space<vmem>> -> memref<128xi32, #tpu.memory_space<vmem>>
    %dma_wait3A_2071 = arith.constant 0 : i32
    %dma_wait3A_2072 = arith.constant 0 : i32
    %dma_wait3A_2073 = tpu.memref_slice %arg10[%dma_wait3A_2071, %dma_wait3A_2072] : memref<204x32xf32, #tpu.memory_space<vmem_shared>> -> memref<204x32xf32, #tpu.memory_space<vmem_shared>>
    tpu.wait_indirect_dma semaphore(%arg12 : memref<!tpu.dma_semaphore, #tpu.memory_space<semaphore_mem>>) src(%dma_wait3A_2073 : memref<204x32xf32, #tpu.memory_space<vmem_shared>>) dst(%dma_wait3A_2067 : memref<128x32xf32, #tpu.memory_space<vmem>>)
    %dma_wait3A_2074 = arith.constant 0 : i32
    %dma_wait3A_2075 = arith.constant 3 : i32
    %dma_wait3A_2076 = arith.constant 384 : i32
    %dma_wait3A_2077 = arith.constant 0 : i32
    %dma_wait3A_2078 = tpu.memref_slice %arg9[%dma_wait3A_2076, %dma_wait3A_2077] : memref<2048x32xf32, #tpu.memory_space<vmem>> -> memref<128x32xf32, #tpu.memory_space<vmem>>
    %dma_wait3A_2079 = arith.constant 0 : i32
    %dma_wait3A_2080 = tpu.memref_slice %arg8[%dma_wait3A_2074, %dma_wait3A_2075, %dma_wait3A_2079] : memref<4x4x128xi32, #tpu.memory_space<vmem>> -> memref<1x1x128xi32, #tpu.memory_space<vmem>>
    %dma_wait3A_2081 = tpu.memref_squeeze %dma_wait3A_2080 : memref<1x1x128xi32, #tpu.memory_space<vmem>> -> memref<128xi32, #tpu.memory_space<vmem>>
    %dma_wait3A_2082 = arith.constant 0 : i32
    %dma_wait3A_2083 = arith.constant 0 : i32
    %dma_wait3A_2084 = tpu.memref_slice %arg10[%dma_wait3A_2082, %dma_wait3A_2083] : memref<204x32xf32, #tpu.memory_space<vmem_shared>> -> memref<204x32xf32, #tpu.memory_space<vmem_shared>>
    tpu.wait_indirect_dma semaphore(%arg12 : memref<!tpu.dma_semaphore, #tpu.memory_space<semaphore_mem>>) src(%dma_wait3A_2084 : memref<204x32xf32, #tpu.memory_space<vmem_shared>>) dst(%dma_wait3A_2078 : memref<128x32xf32, #tpu.memory_space<vmem>>)
    %dma_start3A_2085 = arith.constant 0 : i32
    %dma_start3A_2086 = arith.constant 0 : i32
    %dma_start3A_2087 = tpu.memref_slice %arg9[%dma_start3A_2085, %dma_start3A_2086] : memref<2048x32xf32, #tpu.memory_space<vmem>> -> memref<512x32xf32, #tpu.memory_space<vmem>>
    %dma_start3A_2088 = arith.constant 0 : i32
    %dma_start3A_2089 = tpu.memref_slice %arg7[%mul3A_2, %dma_start3A_2088] : memref<16384x128xf32, #tpu.memory_space<hbm>> -> memref<512x32xf32, #tpu.memory_space<hbm>>
    %dma_start3A_2090 = arith.constant 0 : i32
    %dma_start3A_2091 = tpu.memref_slice %arg7[%mul3A_2, %dma_start3A_2090] : memref<16384x128xf32, #tpu.memory_space<hbm>> -> memref<512x32xf32, #tpu.memory_space<hbm>>
    %dma_start3A_2092 = arith.constant 0 : i32
    %dma_start3A_2093 = arith.constant 0 : i32
    %dma_start3A_2094 = tpu.memref_slice %arg9[%dma_start3A_2092, %dma_start3A_2093] : memref<2048x32xf32, #tpu.memory_space<vmem>> -> memref<512x32xf32, #tpu.memory_space<vmem>>
    tpu.enqueue_dma source(%dma_start3A_2094 : memref<512x32xf32, #tpu.memory_space<vmem>>) target(%dma_start3A_2091 : memref<512x32xf32, #tpu.memory_space<hbm>>) target_semaphore(%arg13 : memref<!tpu.dma_semaphore, #tpu.memory_space<semaphore_mem>>)
    %dma_wait3A_2095 = arith.constant 1 : i32
    %dma_wait3A_2096 = arith.constant 0 : i32
    %dma_wait3A_2097 = arith.constant 512 : i32
    %dma_wait3A_2098 = arith.constant 0 : i32
    %dma_wait3A_2099 = tpu.memref_slice %arg9[%dma_wait3A_2097, %dma_wait3A_2098] : memref<2048x32xf32, #tpu.memory_space<vmem>> -> memref<128x32xf32, #tpu.memory_space<vmem>>
    %dma_wait3A_2100 = arith.constant 0 : i32
    %dma_wait3A_2101 = tpu.memref_slice %arg8[%dma_wait3A_2095, %dma_wait3A_2096, %dma_wait3A_2100] : memref<4x4x128xi32, #tpu.memory_space<vmem>> -> memref<1x1x128xi32, #tpu.memory_space<vmem>>
    %dma_wait3A_2102 = tpu.memref_squeeze %dma_wait3A_2101 : memref<1x1x128xi32, #tpu.memory_space<vmem>> -> memref<128xi32, #tpu.memory_space<vmem>>
    %dma_wait3A_2103 = arith.constant 0 : i32
    %dma_wait3A_2104 = arith.constant 0 : i32
    %dma_wait3A_2105 = tpu.memref_slice %arg10[%dma_wait3A_2103, %dma_wait3A_2104] : memref<204x32xf32, #tpu.memory_space<vmem_shared>> -> memref<204x32xf32, #tpu.memory_space<vmem_shared>>
    tpu.wait_indirect_dma semaphore(%arg12 : memref<!tpu.dma_semaphore, #tpu.memory_space<semaphore_mem>>) src(%dma_wait3A_2105 : memref<204x32xf32, #tpu.memory_space<vmem_shared>>) dst(%dma_wait3A_2099 : memref<128x32xf32, #tpu.memory_space<vmem>>)
    %dma_wait3A_2106 = arith.constant 1 : i32
    %dma_wait3A_2107 = arith.constant 1 : i32
    %dma_wait3A_2108 = arith.constant 640 : i32
    %dma_wait3A_2109 = arith.constant 0 : i32
    %dma_wait3A_2110 = tpu.memref_slice %arg9[%dma_wait3A_2108, %dma_wait3A_2109] : memref<2048x32xf32, #tpu.memory_space<vmem>> -> memref<128x32xf32, #tpu.memory_space<vmem>>
    %dma_wait3A_2111 = arith.constant 0 : i32
    %dma_wait3A_2112 = tpu.memref_slice %arg8[%dma_wait3A_2106, %dma_wait3A_2107, %dma_wait3A_2111] : memref<4x4x128xi32, #tpu.memory_space<vmem>> -> memref<1x1x128xi32, #tpu.memory_space<vmem>>
    %dma_wait3A_2113 = tpu.memref_squeeze %dma_wait3A_2112 : memref<1x1x128xi32, #tpu.memory_space<vmem>> -> memref<128xi32, #tpu.memory_space<vmem>>
    %dma_wait3A_2114 = arith.constant 0 : i32
    %dma_wait3A_2115 = arith.constant 0 : i32
    %dma_wait3A_2116 = tpu.memref_slice %arg10[%dma_wait3A_2114, %dma_wait3A_2115] : memref<204x32xf32, #tpu.memory_space<vmem_shared>> -> memref<204x32xf32, #tpu.memory_space<vmem_shared>>
    tpu.wait_indirect_dma semaphore(%arg12 : memref<!tpu.dma_semaphore, #tpu.memory_space<semaphore_mem>>) src(%dma_wait3A_2116 : memref<204x32xf32, #tpu.memory_space<vmem_shared>>) dst(%dma_wait3A_2110 : memref<128x32xf32, #tpu.memory_space<vmem>>)
    %dma_wait3A_2117 = arith.constant 1 : i32
    %dma_wait3A_2118 = arith.constant 2 : i32
    %dma_wait3A_2119 = arith.constant 768 : i32
    %dma_wait3A_2120 = arith.constant 0 : i32
    %dma_wait3A_2121 = tpu.memref_slice %arg9[%dma_wait3A_2119, %dma_wait3A_2120] : memref<2048x32xf32, #tpu.memory_space<vmem>> -> memref<128x32xf32, #tpu.memory_space<vmem>>
    %dma_wait3A_2122 = arith.constant 0 : i32
    %dma_wait3A_2123 = tpu.memref_slice %arg8[%dma_wait3A_2117, %dma_wait3A_2118, %dma_wait3A_2122] : memref<4x4x128xi32, #tpu.memory_space<vmem>> -> memref<1x1x128xi32, #tpu.memory_space<vmem>>
    %dma_wait3A_2124 = tpu.memref_squeeze %dma_wait3A_2123 : memref<1x1x128xi32, #tpu.memory_space<vmem>> -> memref<128xi32, #tpu.memory_space<vmem>>
    %dma_wait3A_2125 = arith.constant 0 : i32
    %dma_wait3A_2126 = arith.constant 0 : i32
    %dma_wait3A_2127 = tpu.memref_slice %arg10[%dma_wait3A_2125, %dma_wait3A_2126] : memref<204x32xf32, #tpu.memory_space<vmem_shared>> -> memref<204x32xf32, #tpu.memory_space<vmem_shared>>
    tpu.wait_indirect_dma semaphore(%arg12 : memref<!tpu.dma_semaphore, #tpu.memory_space<semaphore_mem>>) src(%dma_wait3A_2127 : memref<204x32xf32, #tpu.memory_space<vmem_shared>>) dst(%dma_wait3A_2121 : memref<128x32xf32, #tpu.memory_space<vmem>>)
    %dma_wait3A_2128 = arith.constant 1 : i32
    %dma_wait3A_2129 = arith.constant 3 : i32
    %dma_wait3A_2130 = arith.constant 896 : i32
    %dma_wait3A_2131 = arith.constant 0 : i32
    %dma_wait3A_2132 = tpu.memref_slice %arg9[%dma_wait3A_2130, %dma_wait3A_2131] : memref<2048x32xf32, #tpu.memory_space<vmem>> -> memref<128x32xf32, #tpu.memory_space<vmem>>
    %dma_wait3A_2133 = arith.constant 0 : i32
    %dma_wait3A_2134 = tpu.memref_slice %arg8[%dma_wait3A_2128, %dma_wait3A_2129, %dma_wait3A_2133] : memref<4x4x128xi32, #tpu.memory_space<vmem>> -> memref<1x1x128xi32, #tpu.memory_space<vmem>>
    %dma_wait3A_2135 = tpu.memref_squeeze %dma_wait3A_2134 : memref<1x1x128xi32, #tpu.memory_space<vmem>> -> memref<128xi32, #tpu.memory_space<vmem>>
    %dma_wait3A_2136 = arith.constant 0 : i32
    %dma_wait3A_2137 = arith.constant 0 : i32
    %dma_wait3A_2138 = tpu.memref_slice %arg10[%dma_wait3A_2136, %dma_wait3A_2137] : memref<204x32xf32, #tpu.memory_space<vmem_shared>> -> memref<204x32xf32, #tpu.memory_space<vmem_shared>>
    tpu.wait_indirect_dma semaphore(%arg12 : memref<!tpu.dma_semaphore, #tpu.memory_space<semaphore_mem>>) src(%dma_wait3A_2138 : memref<204x32xf32, #tpu.memory_space<vmem_shared>>) dst(%dma_wait3A_2132 : memref<128x32xf32, #tpu.memory_space<vmem>>)
    %dma_start3A_2139 = arith.constant 512 : i32
    %dma_start3A_2140 = arith.constant 0 : i32
    %dma_start3A_2141 = tpu.memref_slice %arg9[%dma_start3A_2139, %dma_start3A_2140] : memref<2048x32xf32, #tpu.memory_space<vmem>> -> memref<512x32xf32, #tpu.memory_space<vmem>>
    %dma_start3A_2142 = arith.constant 32 : i32
    %dma_start3A_2143 = tpu.memref_slice %arg7[%mul3A_2, %dma_start3A_2142] : memref<16384x128xf32, #tpu.memory_space<hbm>> -> memref<512x32xf32, #tpu.memory_space<hbm>>
    %dma_start3A_2144 = arith.constant 32 : i32
    %dma_start3A_2145 = tpu.memref_slice %arg7[%mul3A_2, %dma_start3A_2144] : memref<16384x128xf32, #tpu.memory_space<hbm>> -> memref<512x32xf32, #tpu.memory_space<hbm>>
    %dma_start3A_2146 = arith.constant 512 : i32
    %dma_start3A_2147 = arith.constant 0 : i32
    %dma_start3A_2148 = tpu.memref_slice %arg9[%dma_start3A_2146, %dma_start3A_2147] : memref<2048x32xf32, #tpu.memory_space<vmem>> -> memref<512x32xf32, #tpu.memory_space<vmem>>
    tpu.enqueue_dma source(%dma_start3A_2148 : memref<512x32xf32, #tpu.memory_space<vmem>>) target(%dma_start3A_2145 : memref<512x32xf32, #tpu.memory_space<hbm>>) target_semaphore(%arg13 : memref<!tpu.dma_semaphore, #tpu.memory_space<semaphore_mem>>)
    %dma_wait3A_2149 = arith.constant 2 : i32
    %dma_wait3A_2150 = arith.constant 0 : i32
    %dma_wait3A_2151 = arith.constant 1024 : i32
    %dma_wait3A_2152 = arith.constant 0 : i32
    %dma_wait3A_2153 = tpu.memref_slice %arg9[%dma_wait3A_2151, %dma_wait3A_2152] : memref<2048x32xf32, #tpu.memory_space<vmem>> -> memref<128x32xf32, #tpu.memory_space<vmem>>
    %dma_wait3A_2154 = arith.constant 0 : i32
    %dma_wait3A_2155 = tpu.memref_slice %arg8[%dma_wait3A_2149, %dma_wait3A_2150, %dma_wait3A_2154] : memref<4x4x128xi32, #tpu.memory_space<vmem>> -> memref<1x1x128xi32, #tpu.memory_space<vmem>>
    %dma_wait3A_2156 = tpu.memref_squeeze %dma_wait3A_2155 : memref<1x1x128xi32, #tpu.memory_space<vmem>> -> memref<128xi32, #tpu.memory_space<vmem>>
    %dma_wait3A_2157 = arith.constant 0 : i32
    %dma_wait3A_2158 = arith.constant 0 : i32
    %dma_wait3A_2159 = tpu.memref_slice %arg10[%dma_wait3A_2157, %dma_wait3A_2158] : memref<204x32xf32, #tpu.memory_space<vmem_shared>> -> memref<204x32xf32, #tpu.memory_space<vmem_shared>>
    tpu.wait_indirect_dma semaphore(%arg12 : memref<!tpu.dma_semaphore, #tpu.memory_space<semaphore_mem>>) src(%dma_wait3A_2159 : memref<204x32xf32, #tpu.memory_space<vmem_shared>>) dst(%dma_wait3A_2153 : memref<128x32xf32, #tpu.memory_space<vmem>>)
    %dma_wait3A_2160 = arith.constant 2 : i32
    %dma_wait3A_2161 = arith.constant 1 : i32
    %dma_wait3A_2162 = arith.constant 1152 : i32
    %dma_wait3A_2163 = arith.constant 0 : i32
    %dma_wait3A_2164 = tpu.memref_slice %arg9[%dma_wait3A_2162, %dma_wait3A_2163] : memref<2048x32xf32, #tpu.memory_space<vmem>> -> memref<128x32xf32, #tpu.memory_space<vmem>>
    %dma_wait3A_2165 = arith.constant 0 : i32
    %dma_wait3A_2166 = tpu.memref_slice %arg8[%dma_wait3A_2160, %dma_wait3A_2161, %dma_wait3A_2165] : memref<4x4x128xi32, #tpu.memory_space<vmem>> -> memref<1x1x128xi32, #tpu.memory_space<vmem>>
    %dma_wait3A_2167 = tpu.memref_squeeze %dma_wait3A_2166 : memref<1x1x128xi32, #tpu.memory_space<vmem>> -> memref<128xi32, #tpu.memory_space<vmem>>
    %dma_wait3A_2168 = arith.constant 0 : i32
    %dma_wait3A_2169 = arith.constant 0 : i32
    %dma_wait3A_2170 = tpu.memref_slice %arg10[%dma_wait3A_2168, %dma_wait3A_2169] : memref<204x32xf32, #tpu.memory_space<vmem_shared>> -> memref<204x32xf32, #tpu.memory_space<vmem_shared>>
    tpu.wait_indirect_dma semaphore(%arg12 : memref<!tpu.dma_semaphore, #tpu.memory_space<semaphore_mem>>) src(%dma_wait3A_2170 : memref<204x32xf32, #tpu.memory_space<vmem_shared>>) dst(%dma_wait3A_2164 : memref<128x32xf32, #tpu.memory_space<vmem>>)
    %dma_wait3A_2171 = arith.constant 2 : i32
    %dma_wait3A_2172 = arith.constant 2 : i32
    %dma_wait3A_2173 = arith.constant 1280 : i32
    %dma_wait3A_2174 = arith.constant 0 : i32
    %dma_wait3A_2175 = tpu.memref_slice %arg9[%dma_wait3A_2173, %dma_wait3A_2174] : memref<2048x32xf32, #tpu.memory_space<vmem>> -> memref<128x32xf32, #tpu.memory_space<vmem>>
    %dma_wait3A_2176 = arith.constant 0 : i32
    %dma_wait3A_2177 = tpu.memref_slice %arg8[%dma_wait3A_2171, %dma_wait3A_2172, %dma_wait3A_2176] : memref<4x4x128xi32, #tpu.memory_space<vmem>> -> memref<1x1x128xi32, #tpu.memory_space<vmem>>
    %dma_wait3A_2178 = tpu.memref_squeeze %dma_wait3A_2177 : memref<1x1x128xi32, #tpu.memory_space<vmem>> -> memref<128xi32, #tpu.memory_space<vmem>>
    %dma_wait3A_2179 = arith.constant 0 : i32
    %dma_wait3A_2180 = arith.constant 0 : i32
    %dma_wait3A_2181 = tpu.memref_slice %arg10[%dma_wait3A_2179, %dma_wait3A_2180] : memref<204x32xf32, #tpu.memory_space<vmem_shared>> -> memref<204x32xf32, #tpu.memory_space<vmem_shared>>
    tpu.wait_indirect_dma semaphore(%arg12 : memref<!tpu.dma_semaphore, #tpu.memory_space<semaphore_mem>>) src(%dma_wait3A_2181 : memref<204x32xf32, #tpu.memory_space<vmem_shared>>) dst(%dma_wait3A_2175 : memref<128x32xf32, #tpu.memory_space<vmem>>)
    %dma_wait3A_2182 = arith.constant 2 : i32
    %dma_wait3A_2183 = arith.constant 3 : i32
    %dma_wait3A_2184 = arith.constant 1408 : i32
    %dma_wait3A_2185 = arith.constant 0 : i32
    %dma_wait3A_2186 = tpu.memref_slice %arg9[%dma_wait3A_2184, %dma_wait3A_2185] : memref<2048x32xf32, #tpu.memory_space<vmem>> -> memref<128x32xf32, #tpu.memory_space<vmem>>
    %dma_wait3A_2187 = arith.constant 0 : i32
    %dma_wait3A_2188 = tpu.memref_slice %arg8[%dma_wait3A_2182, %dma_wait3A_2183, %dma_wait3A_2187] : memref<4x4x128xi32, #tpu.memory_space<vmem>> -> memref<1x1x128xi32, #tpu.memory_space<vmem>>
    %dma_wait3A_2189 = tpu.memref_squeeze %dma_wait3A_2188 : memref<1x1x128xi32, #tpu.memory_space<vmem>> -> memref<128xi32, #tpu.memory_space<vmem>>
    %dma_wait3A_2190 = arith.constant 0 : i32
    %dma_wait3A_2191 = arith.constant 0 : i32
    %dma_wait3A_2192 = tpu.memref_slice %arg10[%dma_wait3A_2190, %dma_wait3A_2191] : memref<204x32xf32, #tpu.memory_space<vmem_shared>> -> memref<204x32xf32, #tpu.memory_space<vmem_shared>>
    tpu.wait_indirect_dma semaphore(%arg12 : memref<!tpu.dma_semaphore, #tpu.memory_space<semaphore_mem>>) src(%dma_wait3A_2192 : memref<204x32xf32, #tpu.memory_space<vmem_shared>>) dst(%dma_wait3A_2186 : memref<128x32xf32, #tpu.memory_space<vmem>>)
    %dma_start3A_2193 = arith.constant 1024 : i32
    %dma_start3A_2194 = arith.constant 0 : i32
    %dma_start3A_2195 = tpu.memref_slice %arg9[%dma_start3A_2193, %dma_start3A_2194] : memref<2048x32xf32, #tpu.memory_space<vmem>> -> memref<512x32xf32, #tpu.memory_space<vmem>>
    %dma_start3A_2196 = arith.constant 64 : i32
    %dma_start3A_2197 = tpu.memref_slice %arg7[%mul3A_2, %dma_start3A_2196] : memref<16384x128xf32, #tpu.memory_space<hbm>> -> memref<512x32xf32, #tpu.memory_space<hbm>>
    %dma_start3A_2198 = arith.constant 64 : i32
    %dma_start3A_2199 = tpu.memref_slice %arg7[%mul3A_2, %dma_start3A_2198] : memref<16384x128xf32, #tpu.memory_space<hbm>> -> memref<512x32xf32, #tpu.memory_space<hbm>>
    %dma_start3A_2200 = arith.constant 1024 : i32
    %dma_start3A_2201 = arith.constant 0 : i32
    %dma_start3A_2202 = tpu.memref_slice %arg9[%dma_start3A_2200, %dma_start3A_2201] : memref<2048x32xf32, #tpu.memory_space<vmem>> -> memref<512x32xf32, #tpu.memory_space<vmem>>
    tpu.enqueue_dma source(%dma_start3A_2202 : memref<512x32xf32, #tpu.memory_space<vmem>>) target(%dma_start3A_2199 : memref<512x32xf32, #tpu.memory_space<hbm>>) target_semaphore(%arg13 : memref<!tpu.dma_semaphore, #tpu.memory_space<semaphore_mem>>)
    %dma_wait3A_2203 = arith.constant 3 : i32
    %dma_wait3A_2204 = arith.constant 0 : i32
    %dma_wait3A_2205 = arith.constant 1536 : i32
    %dma_wait3A_2206 = arith.constant 0 : i32
    %dma_wait3A_2207 = tpu.memref_slice %arg9[%dma_wait3A_2205, %dma_wait3A_2206] : memref<2048x32xf32, #tpu.memory_space<vmem>> -> memref<128x32xf32, #tpu.memory_space<vmem>>
    %dma_wait3A_2208 = arith.constant 0 : i32
    %dma_wait3A_2209 = tpu.memref_slice %arg8[%dma_wait3A_2203, %dma_wait3A_2204, %dma_wait3A_2208] : memref<4x4x128xi32, #tpu.memory_space<vmem>> -> memref<1x1x128xi32, #tpu.memory_space<vmem>>
    %dma_wait3A_2210 = tpu.memref_squeeze %dma_wait3A_2209 : memref<1x1x128xi32, #tpu.memory_space<vmem>> -> memref<128xi32, #tpu.memory_space<vmem>>
    %dma_wait3A_2211 = arith.constant 0 : i32
    %dma_wait3A_2212 = arith.constant 0 : i32
    %dma_wait3A_2213 = tpu.memref_slice %arg10[%dma_wait3A_2211, %dma_wait3A_2212] : memref<204x32xf32, #tpu.memory_space<vmem_shared>> -> memref<204x32xf32, #tpu.memory_space<vmem_shared>>
    tpu.wait_indirect_dma semaphore(%arg12 : memref<!tpu.dma_semaphore, #tpu.memory_space<semaphore_mem>>) src(%dma_wait3A_2213 : memref<204x32xf32, #tpu.memory_space<vmem_shared>>) dst(%dma_wait3A_2207 : memref<128x32xf32, #tpu.memory_space<vmem>>)
    %dma_wait3A_2214 = arith.constant 3 : i32
    %dma_wait3A_2215 = arith.constant 1 : i32
    %dma_wait3A_2216 = arith.constant 1664 : i32
    %dma_wait3A_2217 = arith.constant 0 : i32
    %dma_wait3A_2218 = tpu.memref_slice %arg9[%dma_wait3A_2216, %dma_wait3A_2217] : memref<2048x32xf32, #tpu.memory_space<vmem>> -> memref<128x32xf32, #tpu.memory_space<vmem>>
    %dma_wait3A_2219 = arith.constant 0 : i32
    %dma_wait3A_2220 = tpu.memref_slice %arg8[%dma_wait3A_2214, %dma_wait3A_2215, %dma_wait3A_2219] : memref<4x4x128xi32, #tpu.memory_space<vmem>> -> memref<1x1x128xi32, #tpu.memory_space<vmem>>
    %dma_wait3A_2221 = tpu.memref_squeeze %dma_wait3A_2220 : memref<1x1x128xi32, #tpu.memory_space<vmem>> -> memref<128xi32, #tpu.memory_space<vmem>>
    %dma_wait3A_2222 = arith.constant 0 : i32
    %dma_wait3A_2223 = arith.constant 0 : i32
    %dma_wait3A_2224 = tpu.memref_slice %arg10[%dma_wait3A_2222, %dma_wait3A_2223] : memref<204x32xf32, #tpu.memory_space<vmem_shared>> -> memref<204x32xf32, #tpu.memory_space<vmem_shared>>
    tpu.wait_indirect_dma semaphore(%arg12 : memref<!tpu.dma_semaphore, #tpu.memory_space<semaphore_mem>>) src(%dma_wait3A_2224 : memref<204x32xf32, #tpu.memory_space<vmem_shared>>) dst(%dma_wait3A_2218 : memref<128x32xf32, #tpu.memory_space<vmem>>)
    %dma_wait3A_2225 = arith.constant 3 : i32
    %dma_wait3A_2226 = arith.constant 2 : i32
    %dma_wait3A_2227 = arith.constant 1792 : i32
    %dma_wait3A_2228 = arith.constant 0 : i32
    %dma_wait3A_2229 = tpu.memref_slice %arg9[%dma_wait3A_2227, %dma_wait3A_2228] : memref<2048x32xf32, #tpu.memory_space<vmem>> -> memref<128x32xf32, #tpu.memory_space<vmem>>
    %dma_wait3A_2230 = arith.constant 0 : i32
    %dma_wait3A_2231 = tpu.memref_slice %arg8[%dma_wait3A_2225, %dma_wait3A_2226, %dma_wait3A_2230] : memref<4x4x128xi32, #tpu.memory_space<vmem>> -> memref<1x1x128xi32, #tpu.memory_space<vmem>>
    %dma_wait3A_2232 = tpu.memref_squeeze %dma_wait3A_2231 : memref<1x1x128xi32, #tpu.memory_space<vmem>> -> memref<128xi32, #tpu.memory_space<vmem>>
    %dma_wait3A_2233 = arith.constant 0 : i32
    %dma_wait3A_2234 = arith.constant 0 : i32
    %dma_wait3A_2235 = tpu.memref_slice %arg10[%dma_wait3A_2233, %dma_wait3A_2234] : memref<204x32xf32, #tpu.memory_space<vmem_shared>> -> memref<204x32xf32, #tpu.memory_space<vmem_shared>>
    tpu.wait_indirect_dma semaphore(%arg12 : memref<!tpu.dma_semaphore, #tpu.memory_space<semaphore_mem>>) src(%dma_wait3A_2235 : memref<204x32xf32, #tpu.memory_space<vmem_shared>>) dst(%dma_wait3A_2229 : memref<128x32xf32, #tpu.memory_space<vmem>>)
    %dma_wait3A_2236 = arith.constant 3 : i32
    %dma_wait3A_2237 = arith.constant 3 : i32
    %dma_wait3A_2238 = arith.constant 1920 : i32
    %dma_wait3A_2239 = arith.constant 0 : i32
    %dma_wait3A_2240 = tpu.memref_slice %arg9[%dma_wait3A_2238, %dma_wait3A_2239] : memref<2048x32xf32, #tpu.memory_space<vmem>> -> memref<128x32xf32, #tpu.memory_space<vmem>>
    %dma_wait3A_2241 = arith.constant 0 : i32
    %dma_wait3A_2242 = tpu.memref_slice %arg8[%dma_wait3A_2236, %dma_wait3A_2237, %dma_wait3A_2241] : memref<4x4x128xi32, #tpu.memory_space<vmem>> -> memref<1x1x128xi32, #tpu.memory_space<vmem>>
    %dma_wait3A_2243 = tpu.memref_squeeze %dma_wait3A_2242 : memref<1x1x128xi32, #tpu.memory_space<vmem>> -> memref<128xi32, #tpu.memory_space<vmem>>
    %dma_wait3A_2244 = arith.constant 0 : i32
    %dma_wait3A_2245 = arith.constant 0 : i32
    %dma_wait3A_2246 = tpu.memref_slice %arg10[%dma_wait3A_2244, %dma_wait3A_2245] : memref<204x32xf32, #tpu.memory_space<vmem_shared>> -> memref<204x32xf32, #tpu.memory_space<vmem_shared>>
    tpu.wait_indirect_dma semaphore(%arg12 : memref<!tpu.dma_semaphore, #tpu.memory_space<semaphore_mem>>) src(%dma_wait3A_2246 : memref<204x32xf32, #tpu.memory_space<vmem_shared>>) dst(%dma_wait3A_2240 : memref<128x32xf32, #tpu.memory_space<vmem>>)
    %dma_start3A_2247 = arith.constant 1536 : i32
    %dma_start3A_2248 = arith.constant 0 : i32
    %dma_start3A_2249 = tpu.memref_slice %arg9[%dma_start3A_2247, %dma_start3A_2248] : memref<2048x32xf32, #tpu.memory_space<vmem>> -> memref<512x32xf32, #tpu.memory_space<vmem>>
    %dma_start3A_2250 = arith.constant 96 : i32
    %dma_start3A_2251 = tpu.memref_slice %arg7[%mul3A_2, %dma_start3A_2250] : memref<16384x128xf32, #tpu.memory_space<hbm>> -> memref<512x32xf32, #tpu.memory_space<hbm>>
    %dma_start3A_2252 = arith.constant 96 : i32
    %dma_start3A_2253 = tpu.memref_slice %arg7[%mul3A_2, %dma_start3A_2252] : memref<16384x128xf32, #tpu.memory_space<hbm>> -> memref<512x32xf32, #tpu.memory_space<hbm>>
    %dma_start3A_2254 = arith.constant 1536 : i32
    %dma_start3A_2255 = arith.constant 0 : i32
    %dma_start3A_2256 = tpu.memref_slice %arg9[%dma_start3A_2254, %dma_start3A_2255] : memref<2048x32xf32, #tpu.memory_space<vmem>> -> memref<512x32xf32, #tpu.memory_space<vmem>>
    tpu.enqueue_dma source(%dma_start3A_2256 : memref<512x32xf32, #tpu.memory_space<vmem>>) target(%dma_start3A_2253 : memref<512x32xf32, #tpu.memory_space<hbm>>) target_semaphore(%arg13 : memref<!tpu.dma_semaphore, #tpu.memory_space<semaphore_mem>>)
    %dma_wait3A_2257 = arith.constant 0 : i32
    %dma_wait3A_2258 = arith.constant 0 : i32
    %dma_wait3A_2259 = tpu.memref_slice %arg9[%dma_wait3A_2257, %dma_wait3A_2258] : memref<2048x32xf32, #tpu.memory_space<vmem>> -> memref<512x32xf32, #tpu.memory_space<vmem>>
    %dma_wait3A_2260 = arith.constant 0 : i32
    %dma_wait3A_2261 = tpu.memref_slice %arg7[%mul3A_2, %dma_wait3A_2260] : memref<16384x128xf32, #tpu.memory_space<hbm>> -> memref<512x32xf32, #tpu.memory_space<hbm>>
    %dma_wait3A_2262 = arith.constant 0 : i32
    %dma_wait3A_2263 = tpu.memref_slice %arg7[%mul3A_2, %dma_wait3A_2262] : memref<16384x128xf32, #tpu.memory_space<hbm>> -> memref<512x32xf32, #tpu.memory_space<hbm>>
    %dma_wait3A_2264 = arith.constant 0 : i32
    %dma_wait3A_2265 = arith.constant 0 : i32
    %dma_wait3A_2266 = tpu.memref_slice %arg9[%dma_wait3A_2264, %dma_wait3A_2265] : memref<2048x32xf32, #tpu.memory_space<vmem>> -> memref<512x32xf32, #tpu.memory_space<vmem>>
    tpu.wait_dma2 semaphore(%arg13 : memref<!tpu.dma_semaphore, #tpu.memory_space<semaphore_mem>>) src(%dma_wait3A_2266 : memref<512x32xf32, #tpu.memory_space<vmem>>) dst(%dma_wait3A_2263 : memref<512x32xf32, #tpu.memory_space<hbm>>)
    %dma_wait3A_2267 = arith.constant 512 : i32
    %dma_wait3A_2268 = arith.constant 0 : i32
    %dma_wait3A_2269 = tpu.memref_slice %arg9[%dma_wait3A_2267, %dma_wait3A_2268] : memref<2048x32xf32, #tpu.memory_space<vmem>> -> memref<512x32xf32, #tpu.memory_space<vmem>>
    %dma_wait3A_2270 = arith.constant 32 : i32
    %dma_wait3A_2271 = tpu.memref_slice %arg7[%mul3A_2, %dma_wait3A_2270] : memref<16384x128xf32, #tpu.memory_space<hbm>> -> memref<512x32xf32, #tpu.memory_space<hbm>>
    %dma_wait3A_2272 = arith.constant 32 : i32
    %dma_wait3A_2273 = tpu.memref_slice %arg7[%mul3A_2, %dma_wait3A_2272] : memref<16384x128xf32, #tpu.memory_space<hbm>> -> memref<512x32xf32, #tpu.memory_space<hbm>>
    %dma_wait3A_2274 = arith.constant 512 : i32
    %dma_wait3A_2275 = arith.constant 0 : i32
    %dma_wait3A_2276 = tpu.memref_slice %arg9[%dma_wait3A_2274, %dma_wait3A_2275] : memref<2048x32xf32, #tpu.memory_space<vmem>> -> memref<512x32xf32, #tpu.memory_space<vmem>>
    tpu.wait_dma2 semaphore(%arg13 : memref<!tpu.dma_semaphore, #tpu.memory_space<semaphore_mem>>) src(%dma_wait3A_2276 : memref<512x32xf32, #tpu.memory_space<vmem>>) dst(%dma_wait3A_2273 : memref<512x32xf32, #tpu.memory_space<hbm>>)
    %dma_wait3A_2277 = arith.constant 1024 : i32
    %dma_wait3A_2278 = arith.constant 0 : i32
    %dma_wait3A_2279 = tpu.memref_slice %arg9[%dma_wait3A_2277, %dma_wait3A_2278] : memref<2048x32xf32, #tpu.memory_space<vmem>> -> memref<512x32xf32, #tpu.memory_space<vmem>>
    %dma_wait3A_2280 = arith.constant 64 : i32
    %dma_wait3A_2281 = tpu.memref_slice %arg7[%mul3A_2, %dma_wait3A_2280] : memref<16384x128xf32, #tpu.memory_space<hbm>> -> memref<512x32xf32, #tpu.memory_space<hbm>>
    %dma_wait3A_2282 = arith.constant 64 : i32
    %dma_wait3A_2283 = tpu.memref_slice %arg7[%mul3A_2, %dma_wait3A_2282] : memref<16384x128xf32, #tpu.memory_space<hbm>> -> memref<512x32xf32, #tpu.memory_space<hbm>>
    %dma_wait3A_2284 = arith.constant 1024 : i32
    %dma_wait3A_2285 = arith.constant 0 : i32
    %dma_wait3A_2286 = tpu.memref_slice %arg9[%dma_wait3A_2284, %dma_wait3A_2285] : memref<2048x32xf32, #tpu.memory_space<vmem>> -> memref<512x32xf32, #tpu.memory_space<vmem>>
    tpu.wait_dma2 semaphore(%arg13 : memref<!tpu.dma_semaphore, #tpu.memory_space<semaphore_mem>>) src(%dma_wait3A_2286 : memref<512x32xf32, #tpu.memory_space<vmem>>) dst(%dma_wait3A_2283 : memref<512x32xf32, #tpu.memory_space<hbm>>)
    %dma_wait3A_2287 = arith.constant 1536 : i32
    %dma_wait3A_2288 = arith.constant 0 : i32
    %dma_wait3A_2289 = tpu.memref_slice %arg9[%dma_wait3A_2287, %dma_wait3A_2288] : memref<2048x32xf32, #tpu.memory_space<vmem>> -> memref<512x32xf32, #tpu.memory_space<vmem>>
    %dma_wait3A_2290 = arith.constant 96 : i32
    %dma_wait3A_2291 = tpu.memref_slice %arg7[%mul3A_2, %dma_wait3A_2290] : memref<16384x128xf32, #tpu.memory_space<hbm>> -> memref<512x32xf32, #tpu.memory_space<hbm>>
    %dma_wait3A_2292 = arith.constant 96 : i32
    %dma_wait3A_2293 = tpu.memref_slice %arg7[%mul3A_2, %dma_wait3A_2292] : memref<16384x128xf32, #tpu.memory_space<hbm>> -> memref<512x32xf32, #tpu.memory_space<hbm>>
    %dma_wait3A_2294 = arith.constant 1536 : i32
    %dma_wait3A_2295 = arith.constant 0 : i32
    %dma_wait3A_2296 = tpu.memref_slice %arg9[%dma_wait3A_2294, %dma_wait3A_2295] : memref<2048x32xf32, #tpu.memory_space<vmem>> -> memref<512x32xf32, #tpu.memory_space<vmem>>
    tpu.wait_dma2 semaphore(%arg13 : memref<!tpu.dma_semaphore, #tpu.memory_space<semaphore_mem>>) src(%dma_wait3A_2296 : memref<512x32xf32, #tpu.memory_space<vmem>>) dst(%dma_wait3A_2293 : memref<512x32xf32, #tpu.memory_space<hbm>>)
    return
  }
}

module attributes {stable_mosaic.version = 14 : i64} {
  func.func @_mlp_body(%arg0: i32, %arg1: memref<4096x128xf32, #tpu.memory_space<vmem>>, %arg2: memref<20x4096xf32, #tpu.memory_space<vmem>>, %arg3: memref<256x148xf32, #tpu.memory_space<vmem>>, %arg4: memref<256x1xf32, #tpu.memory_space<vmem>>, %arg5: memref<20x256xf32, #tpu.memory_space<vmem>>, %arg6: memref<20x1xf32, #tpu.memory_space<vmem>>, %arg7: memref<20x4096xf32, #tpu.memory_space<vmem>>) attributes {dimension_semantics = [#tpu.dimension_semantics<arbitrary>], iteration_bounds = array<i64: 4>, scalar_prefetch = 0 : i64, scratch_operands = 0 : i64, tpu.core_type = #tpu.core_type<tc>, window_params = [{transform_indices = @transform_0, window_bounds = array<i64: 4096, 128>}, {transform_indices = @transform_1, window_bounds = array<i64: 20, 4096>}, {pipeline_mode = #tpu.pipeline_mode<synchronous>, transform_indices = @transform_2, window_bounds = array<i64: 256, 148>}, {pipeline_mode = #tpu.pipeline_mode<synchronous>, transform_indices = @transform_3, window_bounds = array<i64: 256, 1>}, {pipeline_mode = #tpu.pipeline_mode<synchronous>, transform_indices = @transform_4, window_bounds = array<i64: 20, 256>}, {pipeline_mode = #tpu.pipeline_mode<synchronous>, transform_indices = @transform_5, window_bounds = array<i64: 20, 1>}, {transform_indices = @transform_6, window_bounds = array<i64: 20, 4096>}]} {
    %get3A = arith.constant 0 : index
    %get3A_0 = arith.constant 0 : index
    %get3A_1 = vector.load %arg3[%get3A, %get3A_0] : memref<256x148xf32, #tpu.memory_space<vmem>>, vector<256x128xf32>
    %get3A_2 = arith.constant 0 : index
    %get3A_3 = arith.constant 0 : index
    %get3A_4 = vector.load %arg1[%get3A_2, %get3A_3] : memref<4096x128xf32, #tpu.memory_space<vmem>>, vector<4096x128xf32>
    %dot_general3A = arith.constant dense<0.000000e+00> : vector<256x4096xf32>
    %dot_general3A_5 = tpu.matmul %get3A_1, %get3A_4, %dot_general3A {dimension_numbers = #tpu.dot_dimension_numbers<[1], [1], [0], [0], [0, 0, 1, 0], [], []>, transpose_lhs_hint = false} : vector<256x128xf32>, vector<4096x128xf32>, vector<256x4096xf32> -> vector<256x4096xf32>
    %get3A_6 = arith.constant 0 : index
    %get3A_7 = arith.constant 128 : index
    %get3A_8 = vector.load %arg3[%get3A_6, %get3A_7] : memref<256x148xf32, #tpu.memory_space<vmem>>, vector<256x20xf32>
    %get3A_9 = arith.constant 0 : index
    %get3A_10 = arith.constant 0 : index
    %get3A_11 = vector.load %arg2[%get3A_9, %get3A_10] : memref<20x4096xf32, #tpu.memory_space<vmem>>, vector<20x4096xf32>
    %dot_general3A_12 = arith.constant dense<0.000000e+00> : vector<256x4096xf32>
    %dot_general3A_13 = tpu.matmul %get3A_8, %get3A_11, %dot_general3A_12 {dimension_numbers = #tpu.dot_dimension_numbers<[1], [0], [0], [1], [0, 0, 1, 1], [], []>, transpose_lhs_hint = false} : vector<256x20xf32>, vector<20x4096xf32>, vector<256x4096xf32> -> vector<256x4096xf32>
    %add3A = arith.addf %dot_general3A_5, %dot_general3A_13 : vector<256x4096xf32>
    %get3A_14 = arith.constant 0 : index
    %get3A_15 = arith.constant 0 : index
    %get3A_16 = vector.load %arg4[%get3A_14, %get3A_15] : memref<256x1xf32, #tpu.memory_space<vmem>>, vector<256x1xf32>
    %add3A_17 = vector.broadcast %get3A_16 : vector<256x1xf32> to vector<256x4096xf32>
    %add3A_18 = arith.addf %add3A, %add3A_17 : vector<256x4096xf32>
    %max3A = arith.constant 0.000000e+00 : f32
    %max3A_19 = vector.broadcast %max3A : f32 to vector<256x4096xf32>
    %max3A_20 = arith.maximumf %add3A_18, %max3A_19 : vector<256x4096xf32>
    %get3A_21 = arith.constant 0 : index
    %get3A_22 = arith.constant 0 : index
    %get3A_23 = vector.load %arg5[%get3A_21, %get3A_22] : memref<20x256xf32, #tpu.memory_space<vmem>>, vector<20x256xf32>
    %dot_general3A_24 = arith.constant dense<0.000000e+00> : vector<20x4096xf32>
    %dot_general3A_25 = tpu.matmul %get3A_23, %max3A_20, %dot_general3A_24 {dimension_numbers = #tpu.dot_dimension_numbers<[1], [0], [0], [1], [0, 0, 1, 1], [], []>, transpose_lhs_hint = false} : vector<20x256xf32>, vector<256x4096xf32>, vector<20x4096xf32> -> vector<20x4096xf32>
    %get3A_26 = arith.constant 0 : index
    %get3A_27 = arith.constant 0 : index
    %get3A_28 = vector.load %arg6[%get3A_26, %get3A_27] : memref<20x1xf32, #tpu.memory_space<vmem>>, vector<20x1xf32>
    %add3A_29 = vector.broadcast %get3A_28 : vector<20x1xf32> to vector<20x4096xf32>
    %add3A_30 = arith.addf %dot_general3A_25, %add3A_29 : vector<20x4096xf32>
    %swap3A = arith.constant 0 : index
    %swap3A_31 = arith.constant 0 : index
    %swap3A_32 = vector.load %arg7[%swap3A, %swap3A_31] : memref<20x4096xf32, #tpu.memory_space<vmem>>, vector<20x4096xf32>
    tpu.vector_store %arg7[%swap3A, %swap3A_31], %add3A_30 {strides = array<i32>} : memref<20x4096xf32, #tpu.memory_space<vmem>>, vector<20x4096xf32>,
    return
  }
  func.func @transform_0(%arg0: i32) -> (i32, i32) {
    %c0_i32 = arith.constant 0 : i32
    %c0_i32_0 = arith.constant 0 : i32
    return %arg0, %c0_i32 : i32, i32
  }
  func.func @transform_1(%arg0: i32) -> (i32, i32) {
    %c0_i32 = arith.constant 0 : i32
    %c0_i32_0 = arith.constant 0 : i32
    return %c0_i32, %arg0 : i32, i32
  }
  func.func @transform_2(%arg0: i32) -> (i32, i32) {
    %c0_i32 = arith.constant 0 : i32
    %c0_i32_0 = arith.constant 0 : i32
    %c0_i32_1 = arith.constant 0 : i32
    return %c0_i32, %c0_i32_0 : i32, i32
  }
  func.func @transform_3(%arg0: i32) -> (i32, i32) {
    %c0_i32 = arith.constant 0 : i32
    %c0_i32_0 = arith.constant 0 : i32
    %c0_i32_1 = arith.constant 0 : i32
    return %c0_i32, %c0_i32_0 : i32, i32
  }
  func.func @transform_4(%arg0: i32) -> (i32, i32) {
    %c0_i32 = arith.constant 0 : i32
    %c0_i32_0 = arith.constant 0 : i32
    %c0_i32_1 = arith.constant 0 : i32
    return %c0_i32, %c0_i32_0 : i32, i32
  }
  func.func @transform_5(%arg0: i32) -> (i32, i32) {
    %c0_i32 = arith.constant 0 : i32
    %c0_i32_0 = arith.constant 0 : i32
    %c0_i32_1 = arith.constant 0 : i32
    return %c0_i32, %c0_i32_0 : i32, i32
  }
  func.func @transform_6(%arg0: i32) -> (i32, i32) {
    %c0_i32 = arith.constant 0 : i32
    %c0_i32_0 = arith.constant 0 : i32
    return %c0_i32, %arg0 : i32, i32
  }
}

</mosaic_0001>

<sc_bundles>
// kernel: kernel.4.cloned.1.call-start
scs
__scs_entry_jumppad:
0x0: {  	(pc) =	sbr.rel $0x88, $3  }
0x1: {  	(tag) =	ssettag $0x0;
	lr =	simm.s32 $0x1  }
0x2: {  	[smem:$0x3F94] =	sst lr;
	_ =	strace $0xD0000000  }
0x3: {  	_ = 	snop  }
0x4: {  	_ = 	snop  }
0x5: {  	_ = 	snop  }
0x6: {  	_ = 	snop  }
0x7: {  	_ = 	snop  }
__scs_overlays_trampoline_lowered:
0x8: {  	[smem:$0x3FA3] =	sst s0  }
0x9: {  	[smem:$0x3FA4] =	sst s1  }
0xa: {  	[smem:$0x3FA5] =	sst s2  }
0xb: {  	[smem:$0x3FA6] =	sst s3  }
0xc: {  	[smem:$0x3FA7] =	sst s4  }
0xd: {  	[smem:$0x3FA8] =	sst s5  }
0xe: {  	[smem:$0x3FA9] =	sst s6  }
0xf: {  	[smem:$0x3FAA] =	sst s7  }
0x10: {  	[smem:$0x3FAB] =	sst s8  }
0x11: {  	[smem:$0x3FAC] =	sst s9;
	s0 =	simm.s32 @!p0 $0x0  }
0x12: {  	s1 =	sld [smem:$0x3F92];
	s0 =	simm.s32 @p0 $0x1  }
0x13: {  	[smem:$0x3FAD] =	sst s0;
	s0 =	simm.s32 @!p1 $0x0  }
0x14: {  	s2 =	sld [smem:$0x3F91];
	s0 =	simm.s32 @p1 $0x1  }
0x15: {  	[smem:$0x3FAE] =	sst s0;
	s0 =	simm.s32 @!p2 $0x0  }
0x16: {  	s3 =	sld [smem:$0x3FDB];
	s0 =	simm.s32 @p2 $0x1  }
0x17: {  	s4 =	simm.s32 $0x1BF5;
	[smem:$0x3FB0] =	sst s0  }
0x18: {  	s0 =	sld [smem:$0x3F93];
	_ =	swait.ge [sflag:s4], $0x0  }
0x19: {  	s7 =	sld [smem:$0x3F94]  }
0x1a: {  	s8 =	sadd.s32 $0xFFFFE003, lr  }
0x1b: {  	s9 =	sadd.s32 $0xFFFFFEF7, lr;
	s5 =	simm.s32 $0xFFFFFFFF;
	p2 =	slt.u32 s8, $0xFFFFF086  }
0x1c: {  	p1 =	slt.u32 s9, $0xF7A;
	s5 =	simm.s32 @!p2 $0x0  }
0x1d: {  	s5 =	simm.s32 @p1 $0x1;
	p0 =	seq.s32 s7, s2  }
0x1e: {  	s7 =	smul.u32 @!p0 $0xF7A, s2;
	p2 =	seq.s32 @!p0 s5, $0x0  }
0x1f: {  	s9 =	smul.u32 $0xF7A, s1;
	s8 =	simm.s32 @!p0 $0x1BF5;
	p2 =	por !p2, p0  }
0x20: {  	[sflag:s8] =	ssyncset.s32 @!p0 $0xFFFFF086;
	s6 =	sadd.s32 @!p0 s3, s7;
	s7 =	simm.s32 @!p0 $0x108  }
0x21: {  	s3 =	sadd.s32 s3, s9;
	s6 =	sadd.s32 @!p0 $0x88, s6;
	s7 =	simm.s32 @p2 $0x1082  }
0x22: {  	[simem:s7], [sflag:s8] =	dma.local @!p0 [hbm:s6], $0xF7A  }
0x23: {  	s9 =	sor.u32 $0xD0000000, s2;
	s6 =	simm.s32 $0x108;
	_ =	swait.ge @!p0 [sflag:s8], $0x0  }
0x24: {  	s3 =	sadd.s32 $0x88, s3;
	s6 =	simm.s32 @!p1 $0x1082;
	[sflag:s4] =	ssyncset.s32 $0xFFFFF086  }
0x25: {  	[simem:s6], [sflag:s4] =	dma.local [hbm:s3], $0xF7A  }
0x26: {  	[smem:$0x3F94] =	sst s1;
	(tag) =	ssettag s2;
	_ =	strace s9  }
0x27: {  	s1 =	sld [smem:$0x3FA4]  }
0x28: {  	s2 =	sld [smem:$0x3FA5]  }
0x29: {  	s4 =	sld [smem:$0x3FA7]  }
0x2a: {  	p0 =	seq.s32 s5, $0x0;
	s5 =	sld [smem:$0x3FA8]  }
0x2b: {  	s6 =	sld [smem:$0x3FA9]  }
0x2c: {  	s7 =	sld [smem:$0x3FAA]  }
0x2d: {  	s3 =	simm.s32 $0x108;
	s8 =	sld [smem:$0x3FAB]  }
0x2e: {  	s3 =	simm.s32 @!p0 $0x1082;
	s9 =	sld [smem:$0x3FAC]  }
0x2f: {  	lr =	sadd.s32 s0, s3;
	s0 =	sld [smem:$0x3FA3]  }
0x30: {  	s3 =	sld [smem:$0x3FA6]  }
0x31: {  	[smem:$0x3FAF] =	sst s10  }
0x32: {  	s10 =	sld [smem:$0x3FAD];
	_ =	sdelay $0x3  }
0x33: {  	p0 =	seq.s32 s10, $0x1;
	s10 =	sld [smem:$0x3FAF];
	_ =	sdelay $0x3  }
0x34: {  	[smem:$0x3FAF] =	sst s10  }
0x35: {  	s10 =	sld [smem:$0x3FAE];
	_ =	sdelay $0x3  }
0x36: {  	p1 =	seq.s32 s10, $0x1;
	s10 =	sld [smem:$0x3FAF];
	_ =	sdelay $0x3  }
0x37: {  	[smem:$0x3FAF] =	sst s10  }
0x38: {  	s10 =	sld [smem:$0x3FB0]  }
0x39: {  	_ = 	snop;
	(pc) =	sbr.ind lr, $3  }
0x3a: {  	_ = 	snop  }
0x3b: {  	_ = 	snop  }
0x3c: {  	p2 =	seq.s32 s10, $0x1;
	s10 =	sld [smem:$0x3FAF]  }
0x3d: {  	_ =	shalt  }
0x3e: {  	_ =	shalt  }
0x3f: {  	_ =	shalt  }
0x40: {  	_ =	shalt  }
0x41: {  	_ =	shalt  }
0x42: {  	_ =	shalt  }
0x43: {  	_ =	shalt  }
0x44: {  	_ =	shalt  }
0x45: {  	_ =	shalt  }
0x46: {  	_ =	shalt  }
0x47: {  	_ =	shalt  }
0x48: {  	_ =	shalt  }
0x49: {  	_ =	shalt  }
0x4a: {  	_ =	shalt  }
0x4b: {  	_ =	shalt  }
0x4c: {  	_ =	shalt  }
0x4d: {  	_ =	shalt  }
0x4e: {  	_ =	shalt  }
0x4f: {  	_ =	shalt  }
0x50: {  	_ =	shalt  }
0x51: {  	_ =	shalt  }
0x52: {  	_ =	shalt  }
0x53: {  	_ =	shalt  }
0x54: {  	_ =	shalt  }
0x55: {  	_ =	shalt  }
0x56: {  	_ =	shalt  }
0x57: {  	_ =	shalt  }
0x58: {  	_ =	shalt  }
0x59: {  	_ =	shalt  }
0x5a: {  	_ =	shalt  }
0x5b: {  	_ =	shalt  }
0x5c: {  	_ =	shalt  }
0x5d: {  	_ =	shalt  }
0x5e: {  	_ =	shalt  }
0x5f: {  	_ =	shalt  }
0x60: {  	_ =	shalt  }
0x61: {  	_ =	shalt  }
0x62: {  	_ =	shalt  }
0x63: {  	_ =	shalt  }
0x64: {  	_ =	shalt  }
0x65: {  	_ =	shalt  }
0x66: {  	_ =	shalt  }
0x67: {  	_ =	shalt  }
0x68: {  	_ =	shalt  }
0x69: {  	_ =	shalt  }
0x6a: {  	_ =	shalt  }
0x6b: {  	_ =	shalt  }
0x6c: {  	_ =	shalt  }
0x6d: {  	_ =	shalt  }
0x6e: {  	_ =	shalt  }
0x6f: {  	_ =	shalt  }
0x70: {  	_ =	shalt  }
0x71: {  	_ =	shalt  }
0x72: {  	_ =	shalt  }
0x73: {  	_ =	shalt  }
0x74: {  	_ =	shalt  }
0x75: {  	_ =	shalt  }
0x76: {  	_ =	shalt  }
0x77: {  	_ =	shalt  }
0x78: {  	_ =	shalt  }
0x79: {  	_ =	shalt  }
0x7a: {  	_ =	shalt  }
0x7b: {  	_ =	shalt  }
0x7c: {  	_ =	shalt  }
0x7d: {  	_ =	shalt  }
0x7e: {  	_ =	shalt  }
0x7f: {  	_ =	shalt  }
0x80: {  	_ =	shalt  }
0x81: {  	_ =	shalt  }
0x82: {  	_ =	shalt  }
0x83: {  	_ =	shalt  }
0x84: {  	_ =	shalt  }
0x85: {  	_ =	shalt  }
0x86: {  	_ =	shalt  }
0x87: {  	_ =	shalt  }
.Lfunc_end0:
.L_simem_size_0:
called_computation_lowered:
.L_overlay_start_0:
0x88: {  	s2 =	sld [smem:$0x3FD9]  }
0x89: {  	s3 =	sld [smem:$0x3FFE];
	_ =	sdelay $0x1  }
0x8a: {  	s1 =	srdreg.scid  }
0x8b: {  	s0 =	sand.u32 $0x1, s1  }
0x8c: {  	s17 =	sshll.u32 s0, $0xA;
	s2 =	sadd.s32 s3, s2  }
0x8d: {  	s2 =	sadd.s32 s2, s17  }
0x8e: {  	[smem:$0x3FBB] =	sst s2  }
0x8f: {  	_ = 	snop  }
0x90: {  	s2 =	sld [smem:$0x3FC9]  }
0x91: {  	s18 =	sld [smem:$0x3FC8]  }
0x92: {  	s4 =	sld [smem:$0x3FC7]  }
0x93: {  	s5 =	sld [smem:$0x3FC6]  }
0x94: {  	s6 =	sld [smem:$0x3FD0];
	(tm) =	ssettm $0x1  }
0x95: {  	s7 =	sld [smem:$0x3FFB];
	_ =	sdelay $0x3  }
0x96: {  	_ =	strace s7  }
0x97: {  	s7 =	sld [smem:$0x3FFC];
	_ =	sdelay $0x3  }
0x98: {  	_ =	strace s7  }
0x99: {  	s7 =	sld [smem:$0x3FFD];
	_ =	sdelay $0x3  }
0x9a: {  	_ =	strace s7  }
0x9b: {  	_ =	strace $0x8FFFFFFF  }
0x9c: {  	s19 =	sld [smem:$0x3FDB];
	_ =	sdelay $0x1  }
0x9d: {  	s8 =	simm.s32 $_scs_section_size  }
0x9e: {  	s9 =	simm.s32 $_size__tile_overlayer_lowered;
	s10 =	simm.s32 $_tile_overlayer_lowered  }
0x9f: {  	s22 =	simm.s32 $0x1BFF;
	s21 =	sshll.u32 s10, $0x1;
	s7 =	sadd.s32 s8, s19  }
0xa0: {  	s11 =	simm.s32 $0x0;
	s20 =	sshll.u32 s9, $0x1;
	s9 =	sadd.s32 s21, s7  }
0xa1: {  	[timem:s11], [sflag:s22] =	dma.local [hbm:s9], s20  }
0xa2: {  	_ =	swait.ge [sflag:s22], s20  }
0xa3: {  	s8 =	ssub.s32 $0x0, s20;
	[sflag:s22] =	ssyncset.done $0x0  }
0xa4: {  	[sflag:s22] =	ssyncadd.s32 s8;
	_ =	sdelay $0x1  }
0xa5: {  	s23 =	simm.s32 $0x1B8B  }
0xa6: {  	_ =	swait.ge [sflag:s23], $0x1  }
0xa7: {  	[sflag:s23] =	ssyncset.done $0x0  }
0xa8: {  	s25 =	simm.s32 $0x1B8E;
	s24 =	sld [smem:$0x3FFE];
	[sflag:s23] =	ssyncadd.s32 $0xFFFFFFFF  }
0xa9: {  	s26 =	simm.s32 $execute0_lowered;
	[smem:$0x3FD2] =	sst s25  }
0xaa: {  	s9 =	sshll.u32 s26, $0x1;
	_ =	strace $0x80000046;
	[dreg:$0x1] =	wrdreg $0xFFFFFFFF  }
0xab: {  	s28 =	simm.s32 $_size_execute0_lowered;
	s7 =	sadd.s32 s7, s9;
	[dreg:$0x0] =	wrdreg $0x0  }
0xac: {  	s9 =	sshll.u32 s28, $0x1;
	[dreg:$0x2] =	wrdreg s7  }
0xad: {  	[dreg:$0x3] =	wrdreg s9  }
0xae: {  	[dreg:$0x4] =	wrdreg $0xC0  }
0xaf: {  	_ =	task [dreg:s11], $0x5FFFF  }
0xb0: {  	[dreg:$0x1] =	wrdreg $0xFFFFFFFF  }
0xb1: {  	[dreg:$0x0] =	wrdreg $0x60  }
0xb2: {  	[dreg:$0x2] =	wrdreg s2  }
0xb3: {  	[dreg:$0x3] =	wrdreg s18  }
0xb4: {  	[dreg:$0x4] =	wrdreg s4  }
0xb5: {  	[dreg:$0x5] =	wrdreg s5  }
0xb6: {  	[dreg:$0x6] =	wrdreg s6  }
0xb7: {  	[dreg:$0x7] =	wrdreg s24  }
0xb8: {  	[dreg:$0x8] =	wrdreg $0x108000  }
0xb9: {  	[dreg:$0x9] =	wrdreg $0x9  }
0xba: {  	_ =	task.clear_ibuf [dreg:s11], $0xAFFFF;
	_ =	strace $0x90000046  }
0xbb: {  	s29 =	simm.s32 $0x9;
	_ =	strace $0x80000048  }
0xbc: {  	_ =	swait.ge [sflag:s29], $0x1  }
0xbd: {  	[sflag:s29] =	ssyncadd.s32 $0xFFFFFFFF  }
0xbe: {  	_ =	strace $0x90000048  }
0xbf: {  	_ =	sfence  }
0xc0: {  	s30 =	sld [smem:$0x0];
	_ =	sdelay $0x2  }
0xc1: {  	s31 =	sshll.u32 s1, $0xD;
	s1 =	sshrl.u32 s1, $0x2  }
0xc2: {  	s3 =	sand.u32 $0x4000, s31;
	s1 =	sadd.s32 s1, s30  }
0xc3: {  	s0 =	sor.u32 s3, s0;
	s1 =	sshll.u32 s1, $0x11  }
0xc4: {  	s0 =	sor.u32 s1, s0  }
0xc5: {  	s0 =	sadd.s32 $0x8F2B, s0  }
0xc6: {  	[sflag:s0] =	ssyncadd.remote.s32 $0x1  }
0xc7: {  	_ =	sfence.sel $0xFFFF  }
0xc8: {  	[dreg:$0x0] =	wrdreg $0xFFFFFFFF;
	(pc) =	sbr.abs _section_cstart, $3  }
0xc9: {  	[dreg:$0x1] =	wrdreg $0xFFFFFFFF  }
0xca: {  	_ =	task.clear_ibuf [dreg:s11], $0x2FFFF;
	_ =	strace $0x9FFFFFFF  }
0xcb: {  	(tm) =	ssettm $0x7FFFFFFF  }
tec
execute0_lowered:
.L_overlay_start_1:
0x0: {  	(tag) =	ssettag $0x1  }
0x1: {  	s3 =	rddreg [dreg:$0x0]  }
0x2: {  	s4 =	rddreg [dreg:$0x1]  }
0x3: {  	s5 =	rddreg [dreg:$0x2]  }
0x4: {  	s6 =	rddreg [dreg:$0x3]  }
0x5: {  	s0 =	rddreg [dreg:$0x4]  }
0x6: {  	s7 =	rddreg [dreg:$0x5]  }
0x7: {  	s1 =	rddreg [dreg:$0x6]  }
0x8: {  	s2 =	simm.s32 $0x0;
	[dreg:$0x8] =	wrdreg s0  }
0x9: {  	s30 =	srdreg.scid;
	s17 =	simm.s32 $0x1800;
	[smem:$0x7FF] =	sst s2  }
0xa: {  	s19 =	simm.s32 $0x100;
	_ =	strace $0x80000047;
	[dreg:$0x12] =	wrdreg s17  }
0xb: {  	s8 =	stileid.u32;
	s21 =	simm.s32 $0x2800;
	[dreg:$0x13] =	wrdreg s19  }
0xc: {  	s22 =	simm.s32 $0x180;
	s23 =	simm.s32 $0x3800;
	[dreg:$0x14] =	wrdreg s21  }
0xd: {  	s24 =	simm.s32 $0x280;
	s25 =	simm.s32 $0x5800;
	[dreg:$0x15] =	wrdreg s22  }
0xe: {  	s26 =	simm.s32 $0x300;
	s28 =	simm.s32 $0x20;
	[dreg:$0x16] =	wrdreg s23  }
0xf: {  	s29 =	simm.s32 $0x3;
	s9 =	sand.u32 $0x1, s30;
	[dreg:$0x17] =	wrdreg s24  }
0x10: {  	s10 =	sshll.u32 s8, $0xA;
	p0 =	sne.s32 s8, $0x0;
	[dreg:$0x18] =	wrdreg s25  }
0x11: {  	s30 =	simm.s32 $0x6800;
	s8 =	simm.s32 $0x80;
	[dreg:$0x19] =	wrdreg s26  }
0x12: {  	s11 =	sshll.u32 s9, $0x9;
	s18 =	ssub.s32 $0x2, s9;
	[dreg:$0x1a] =	wrdreg s30  }
0x13: {  	s9 =	simm.s32 $0x800;
	s17 =	simm.s32 $0x580;
	s19 =	simm.s32 $0xC800  }
0x14: {  	s21 =	simm.s32 $0xD800;
	s22 =	simm.s32 $0x700;
	s23 =	simm.s32 $0xE800  }
0x15: {  	s24 =	simm.s32 $0x780;
	s25 =	simm.s32 $0xF800;
	s10 =	sor.u32 s11, s10  }
0x16: {  	s26 =	simm.s32 $0x2;
	s20 =	sshrl.u32 s18, $0x1;
	s11 =	sshrl.u32 s10, $0x3  }
0x17: {  	s0 =	sshll.u32 s10, $0x4;
	s3 =	sadd.s32 s3, s11;
	s31 =	sadd.s32 s4, s11  }
0x18: {  	s10 =	sadd.s32 s5, s11;
	s4 =	sadd.s32 s0, s7;
	[dreg:$0x9] =	wrdreg s3  }
0x19: {  	s12 =	sadd.s32 s6, s11;
	s5 =	simm.s32 $0x400;
	[dreg:$0xa] =	wrdreg s31  }
0x1a: {  	s6 =	simm.s32 $0x600;
	s7 =	simm.s32 $0x1;
	[dreg:$0xb] =	wrdreg s10  }
0x1b: {  	[dreg:$0xc] =	wrdreg s12;
	s13 =	sadd.s32 $0x1000, s4;
	s14 =	sadd.s32 $0x1004, s4  }
0x1c: {  	s15 =	sadd.s32 $0x1008, s4;
	s16 =	sadd.s32 $0x100C, s4;
	[dreg:$0xd] =	wrdreg s13  }
0x1d: {  	s3 =	sshrl.u32 @!p0 s1, $0x3;
	s4 =	ssub.s32 s18, s20;
	[dreg:$0xe] =	wrdreg s14  }
0x1e: {  	s31 =	simm.s32 $0x380;
	s10 =	simm.s32 $0x4800;
	[dreg:$0xf] =	wrdreg s15  }
0x1f: {  	s12 =	simm.s32 $0x8800;
	s18 =	simm.s32 $0xB800;
	[dreg:$0x10] =	wrdreg s16  }
0x20: {  	s20 =	simm.s32 $0x680;
	[dreg:$0x11] =	wrdreg s3;
	s3 =	smax.u32 s4, $0x1  }
0x21: {  	s4 =	simm.s32 $0x200;
	[dreg:$0x1b] =	wrdreg s31;
	s13 =	simm.s32 $0x480  }
0x22: {  	s14 =	simm.s32 $0x9800;
	s15 =	simm.s32 $0x500;
	s16 =	simm.s32 $0xA800  }
.LBB2_1:
0x23: {  	s30 =	rddreg [dreg:$0x9]  }
0x24: {  	s31 =	rddreg [dreg:$0xa]  }
0x25: {  	s0 =	rddreg [dreg:$0xb]  }
0x26: {  	[tilespmem:s2], [sflag:$0x1] =	stream.linear.gather [hbm4b:s30+s2], $0x200, $0x38;
	[tilespmem:$0x10998] =	vst v63  }
0x27: {  	s11 =	rddreg [dreg:$0xc]  }
0x28: {  	[tilespmem:s4], [sflag:$0x1] =	stream.linear.gather [hbm4b:s31+s2], $0x200, $0x38;
	[tilespmem:$0x10998] =	vst v63  }
0x29: {  	s31 =	rddreg [dreg:$0x8]  }
0x2a: {  	[tilespmem:s5], [sflag:$0x1] =	stream.linear.gather [hbm4b:s0+s2], $0x200, $0x38;
	[tilespmem:$0x10998] =	vst v63  }
0x2b: {  	s30 =	simm.s32 @!p0 $0x1C04;
	s0 =	rddreg [dreg:$0x11]  }
0x2c: {  	[tilespmem:s6], [sflag:$0x1] =	stream.linear.gather [hbm4b:s11+s2], $0x200, $0x38;
	[tilespmem:$0x10998] =	vst v63  }
0x2d: {  	[spmem:s0], [sflag:s30] =	dma.local @!p0 [hbm:s31], $0x330  }
0x2e: {  	s0 =	simm.s32 @!p0 $0x4  }
0x2f: {  	_ =	swait.ge @!p0 [sflag:s0], $0x330  }
0x30: {  	[sflag:s0] =	ssyncset.done @!p0 $0x0  }
0x31: {  	[sflag:s0] =	ssyncadd.s32 @!p0 $0xFFFFFCD0  }
0x32: {  	_ =	swait.ge [sflag:s7], $0x200  }
0x33: {  	[sflag:s7] =	ssyncset.done $0x0  }
0x34: {  	[sflag:s7] =	ssyncadd.s32 $0xFFFFFE00  }
0x35: {  	_ =	swait.ge [sflag:s7], $0x200  }
0x36: {  	[sflag:s7] =	ssyncset.done $0x0  }
0x37: {  	[sflag:s7] =	ssyncadd.s32 $0xFFFFFE00  }
0x38: {  	_ =	swait.ge [sflag:s7], $0x200  }
0x39: {  	[sflag:s7] =	ssyncset.done $0x0  }
0x3a: {  	[sflag:s7] =	ssyncadd.s32 $0xFFFFFE00  }
0x3b: {  	_ =	swait.ge [sflag:s7], $0x200  }
0x3c: {  	[sflag:s7] =	ssyncset.done $0x0  }
0x3d: {  	[sflag:s7] =	ssyncadd.s32 $0xFFFFFE00  }
0x3e: {  	v0 =	vld [tilespmem:$0x200]  }
0x3f: {  	v1 =	vld [tilespmem:$0x210]  }
0x40: {  	v2 =	vld [tilespmem:$0x220]  }
0x41: {  	v3 =	vld [tilespmem:$0x230]  }
0x42: {  	v4 =	vld [tilespmem:$0x240]  }
0x43: {  	v5 =	vld [tilespmem:$0x250];
	v0 =	vadd.s32 $0x56, v0  }
0x44: {  	v49 =	vld [tilespmem:$0x260];
	v48 =	vadd.s32 $0x56, v1;
	[tilespmem:$0x200] =	vst v0  }
0x45: {  	v51 =	vld [tilespmem:$0x270];
	v50 =	vadd.s32 $0x56, v2;
	[tilespmem:$0x210] =	vst v48  }
0x46: {  	v53 =	vld [tilespmem:$0x280];
	v52 =	vadd.s32 $0x56, v3;
	[tilespmem:$0x220] =	vst v50  }
0x47: {  	v55 =	vld [tilespmem:$0x290];
	v54 =	vadd.s32 $0x56, v4;
	[tilespmem:$0x230] =	vst v52  }
0x48: {  	v57 =	vld [tilespmem:$0x2A0];
	v56 =	vadd.s32 $0x56, v5;
	[tilespmem:$0x240] =	vst v54  }
0x49: {  	v59 =	vld [tilespmem:$0x2B0];
	v58 =	vadd.s32 $0x56, v49;
	[tilespmem:$0x250] =	vst v56  }
0x4a: {  	v61 =	vld [tilespmem:$0x2C0];
	v60 =	vadd.s32 $0x56, v51;
	[tilespmem:$0x260] =	vst v58  }
0x4b: {  	v63 =	vld [tilespmem:$0x2D0];
	v62 =	vadd.s32 $0x56, v53;
	[tilespmem:$0x270] =	vst v60  }
0x4c: {  	v9 =	vld [tilespmem:$0x2E0];
	v8 =	vadd.s32 $0x56, v55;
	[tilespmem:$0x280] =	vst v62  }
0x4d: {  	v11 =	vld [tilespmem:$0x2F0];
	v10 =	vadd.s32 $0x56, v57;
	[tilespmem:$0x290] =	vst v8  }
0x4e: {  	v13 =	vld [tilespmem:$0x300];
	v12 =	vadd.s32 $0x56, v59;
	[tilespmem:$0x2A0] =	vst v10  }
0x4f: {  	v15 =	vld [tilespmem:$0x310];
	v14 =	vadd.s32 $0x56, v61;
	[tilespmem:$0x2B0] =	vst v12  }
0x50: {  	v17 =	vld [tilespmem:$0x320];
	v16 =	vadd.s32 $0x56, v63;
	[tilespmem:$0x2C0] =	vst v14  }
0x51: {  	v19 =	vld [tilespmem:$0x330];
	v18 =	vadd.s32 $0x56, v9;
	[tilespmem:$0x2D0] =	vst v16  }
0x52: {  	v21 =	vld [tilespmem:$0x340];
	v20 =	vadd.s32 $0x56, v11;
	[tilespmem:$0x2E0] =	vst v18  }
0x53: {  	v23 =	vld [tilespmem:$0x350];
	v22 =	vadd.s32 $0x56, v13;
	[tilespmem:$0x2F0] =	vst v20  }
0x54: {  	v25 =	vld [tilespmem:$0x360];
	v24 =	vadd.s32 $0x56, v15;
	[tilespmem:$0x300] =	vst v22  }
0x55: {  	v27 =	vld [tilespmem:$0x370];
	v26 =	vadd.s32 $0x56, v17;
	[tilespmem:$0x310] =	vst v24  }
0x56: {  	v29 =	vld [tilespmem:$0x380];
	v28 =	vadd.s32 $0x56, v19;
	[tilespmem:$0x320] =	vst v26  }
0x57: {  	v31 =	vld [tilespmem:$0x390];
	v30 =	vadd.s32 $0x56, v21;
	[tilespmem:$0x330] =	vst v28  }
0x58: {  	v33 =	vld [tilespmem:$0x3A0];
	v32 =	vadd.s32 $0x56, v23;
	[tilespmem:$0x340] =	vst v30  }
0x59: {  	v35 =	vld [tilespmem:$0x3B0];
	v34 =	vadd.s32 $0x56, v25;
	[tilespmem:$0x350] =	vst v32  }
0x5a: {  	v37 =	vld [tilespmem:$0x3C0];
	v36 =	vadd.s32 $0x56, v27;
	[tilespmem:$0x360] =	vst v34  }
0x5b: {  	v39 =	vld [tilespmem:$0x3D0];
	v38 =	vadd.s32 $0x56, v29;
	[tilespmem:$0x370] =	vst v36  }
0x5c: {  	v41 =	vld [tilespmem:$0x3E0];
	v40 =	vadd.s32 $0x56, v31;
	[tilespmem:$0x380] =	vst v38  }
0x5d: {  	v43 =	vld [tilespmem:$0x3F0];
	v42 =	vadd.s32 $0x56, v33;
	[tilespmem:$0x390] =	vst v40  }
0x5e: {  	v45 =	vld [tilespmem:$0x400];
	v44 =	vadd.s32 $0x56, v35;
	[tilespmem:$0x3A0] =	vst v42  }
0x5f: {  	v47 =	vld [tilespmem:$0x410];
	v46 =	vadd.s32 $0x56, v37;
	[tilespmem:$0x3B0] =	vst v44  }
0x60: {  	v49 =	vld [tilespmem:$0x420];
	[tilespmem:$0x3C0] =	vst v46;
	v48 =	vadd.s32 $0x56, v39  }
0x61: {  	v51 =	vld [tilespmem:$0x430];
	v50 =	vadd.s32 $0x56, v41;
	[tilespmem:$0x3D0] =	vst v48  }
0x62: {  	v53 =	vld [tilespmem:$0x440];
	v52 =	vadd.s32 $0x56, v43;
	[tilespmem:$0x3E0] =	vst v50  }
0x63: {  	v55 =	vld [tilespmem:$0x450];
	v54 =	vadd.s32 $0xAC, v45;
	[tilespmem:$0x3F0] =	vst v52  }
0x64: {  	v57 =	vld [tilespmem:$0x460];
	v56 =	vadd.s32 $0xAC, v47;
	[tilespmem:$0x400] =	vst v54  }
0x65: {  	v59 =	vld [tilespmem:$0x470];
	[tilespmem:$0x410] =	vst v56;
	v58 =	vadd.s32 $0xAC, v49  }
0x66: {  	v61 =	vld [tilespmem:$0x480];
	v60 =	vadd.s32 $0xAC, v51;
	[tilespmem:$0x420] =	vst v58  }
0x67: {  	v63 =	vld [tilespmem:$0x490];
	v62 =	vadd.s32 $0xAC, v53;
	[tilespmem:$0x430] =	vst v60  }
0x68: {  	v8 =	vld [tilespmem:$0x4A0];
	v7 =	vadd.s32 $0xAC, v55;
	[tilespmem:$0x440] =	vst v62  }
0x69: {  	v10 =	vld [tilespmem:$0x4B0];
	v9 =	vadd.s32 $0xAC, v57;
	[tilespmem:$0x450] =	vst v7  }
0x6a: {  	v12 =	vld [tilespmem:$0x4C0];
	v11 =	vadd.s32 $0xAC, v59;
	[tilespmem:$0x460] =	vst v9  }
0x6b: {  	v14 =	vld [tilespmem:$0x4D0];
	v13 =	vadd.s32 $0xAC, v61;
	[tilespmem:$0x470] =	vst v11  }
0x6c: {  	v16 =	vld [tilespmem:$0x4E0];
	v15 =	vadd.s32 $0xAC, v63;
	[tilespmem:$0x480] =	vst v13  }
0x6d: {  	v18 =	vld [tilespmem:$0x4F0];
	[tilespmem:$0x490] =	vst v15;
	v17 =	vadd.s32 $0xAC, v8  }
0x6e: {  	v20 =	vld [tilespmem:$0x500];
	v19 =	vadd.s32 $0xAC, v10;
	[tilespmem:$0x4A0] =	vst v17  }
0x6f: {  	v22 =	vld [tilespmem:$0x510];
	v21 =	vadd.s32 $0xAC, v12;
	[tilespmem:$0x4B0] =	vst v19  }
0x70: {  	v24 =	vld [tilespmem:$0x520];
	v23 =	vadd.s32 $0xAC, v14;
	[tilespmem:$0x4C0] =	vst v21  }
0x71: {  	v26 =	vld [tilespmem:$0x530];
	v25 =	vadd.s32 $0xAC, v16;
	[tilespmem:$0x4D0] =	vst v23  }
0x72: {  	v28 =	vld [tilespmem:$0x540];
	v27 =	vadd.s32 $0xAC, v18;
	[tilespmem:$0x4E0] =	vst v25  }
0x73: {  	v30 =	vld [tilespmem:$0x550];
	v29 =	vadd.s32 $0xAC, v20;
	[tilespmem:$0x4F0] =	vst v27  }
0x74: {  	v32 =	vld [tilespmem:$0x560];
	v31 =	vadd.s32 $0xAC, v22;
	[tilespmem:$0x500] =	vst v29  }
0x75: {  	v34 =	vld [tilespmem:$0x570];
	v33 =	vadd.s32 $0xAC, v24;
	[tilespmem:$0x510] =	vst v31  }
0x76: {  	v36 =	vld [tilespmem:$0x580];
	v35 =	vadd.s32 $0xAC, v26;
	[tilespmem:$0x520] =	vst v33  }
0x77: {  	v38 =	vld [tilespmem:$0x590];
	v37 =	vadd.s32 $0xAC, v28;
	[tilespmem:$0x530] =	vst v35  }
0x78: {  	v40 =	vld [tilespmem:$0x5A0];
	v39 =	vadd.s32 $0xAC, v30;
	[tilespmem:$0x540] =	vst v37  }
0x79: {  	v42 =	vld [tilespmem:$0x5B0];
	v41 =	vadd.s32 $0xAC, v32;
	[tilespmem:$0x550] =	vst v39  }
0x7a: {  	v44 =	vld [tilespmem:$0x5C0];
	v43 =	vadd.s32 $0xAC, v34;
	[tilespmem:$0x560] =	vst v41  }
0x7b: {  	v46 =	vld [tilespmem:$0x5D0];
	v45 =	vadd.s32 $0xAC, v36;
	[tilespmem:$0x570] =	vst v43  }
0x7c: {  	v48 =	vld [tilespmem:$0x5E0];
	v47 =	vadd.s32 $0xAC, v38;
	[tilespmem:$0x580] =	vst v45  }
0x7d: {  	v50 =	vld [tilespmem:$0x5F0];
	v49 =	vadd.s32 $0xAC, v40;
	[tilespmem:$0x590] =	vst v47  }
0x7e: {  	v52 =	vld [tilespmem:$0x600];
	v51 =	vadd.s32 $0xAC, v42;
	[tilespmem:$0x5A0] =	vst v49  }
0x7f: {  	v54 =	vld [tilespmem:$0x610];
	v53 =	vadd.s32 $0xAC, v44;
	[tilespmem:$0x5B0] =	vst v51  }
0x80: {  	v56 =	vld [tilespmem:$0x620];
	v55 =	vadd.s32 $0xAC, v46;
	[tilespmem:$0x5C0] =	vst v53  }
0x81: {  	v58 =	vld [tilespmem:$0x630];
	[tilespmem:$0x5D0] =	vst v55;
	v57 =	vadd.s32 $0xAC, v48  }
0x82: {  	v60 =	vld [tilespmem:$0x640];
	v59 =	vadd.s32 $0xAC, v50;
	[tilespmem:$0x5E0] =	vst v57  }
0x83: {  	v62 =	vld [tilespmem:$0x650];
	v61 =	vadd.s32 $0xC4, v52;
	[tilespmem:$0x5F0] =	vst v59  }
0x84: {  	v8 =	vld [tilespmem:$0x660];
	v63 =	vadd.s32 $0xC4, v54;
	[tilespmem:$0x600] =	vst v61  }
0x85: {  	v10 =	vld [tilespmem:$0x670];
	v9 =	vadd.s32 $0xC4, v56;
	[tilespmem:$0x610] =	vst v63  }
0x86: {  	v12 =	vld [tilespmem:$0x680];
	[tilespmem:$0x620] =	vst v9;
	v11 =	vadd.s32 $0xC4, v58  }
0x87: {  	v14 =	vld [tilespmem:$0x690];
	v13 =	vadd.s32 $0xC4, v60;
	[tilespmem:$0x630] =	vst v11  }
0x88: {  	v16 =	vld [tilespmem:$0x6A0];
	v15 =	vadd.s32 $0xC4, v62;
	[tilespmem:$0x640] =	vst v13  }
0x89: {  	v18 =	vld [tilespmem:$0x6B0];
	v17 =	vadd.s32 $0xC4, v8;
	[tilespmem:$0x650] =	vst v15  }
0x8a: {  	v20 =	vld [tilespmem:$0x6C0];
	v19 =	vadd.s32 $0xC4, v10;
	[tilespmem:$0x660] =	vst v17  }
0x8b: {  	v22 =	vld [tilespmem:$0x6D0];
	v21 =	vadd.s32 $0xC4, v12;
	[tilespmem:$0x670] =	vst v19  }
0x8c: {  	v24 =	vld [tilespmem:$0x6E0];
	v23 =	vadd.s32 $0xC4, v14;
	[tilespmem:$0x680] =	vst v21  }
0x8d: {  	v26 =	vld [tilespmem:$0x6F0];
	v25 =	vadd.s32 $0xC4, v16;
	[tilespmem:$0x690] =	vst v23  }
0x8e: {  	v28 =	vld [tilespmem:$0x700];
	v27 =	vadd.s32 $0xC4, v18;
	[tilespmem:$0x6A0] =	vst v25  }
0x8f: {  	v30 =	vld [tilespmem:$0x710];
	v29 =	vadd.s32 $0xC4, v20;
	[tilespmem:$0x6B0] =	vst v27  }
0x90: {  	v32 =	vld [tilespmem:$0x720];
	v31 =	vadd.s32 $0xC4, v22;
	[tilespmem:$0x6C0] =	vst v29  }
0x91: {  	v34 =	vld [tilespmem:$0x730];
	v33 =	vadd.s32 $0xC4, v24;
	[tilespmem:$0x6D0] =	vst v31  }
0x92: {  	v36 =	vld [tilespmem:$0x740];
	v35 =	vadd.s32 $0xC4, v26;
	[tilespmem:$0x6E0] =	vst v33  }
0x93: {  	v38 =	vld [tilespmem:$0x750];
	v37 =	vadd.s32 $0xC4, v28;
	[tilespmem:$0x6F0] =	vst v35  }
0x94: {  	v40 =	vld [tilespmem:$0x760];
	v39 =	vadd.s32 $0xC4, v30;
	[tilespmem:$0x700] =	vst v37  }
0x95: {  	v42 =	vld [tilespmem:$0x770];
	v41 =	vadd.s32 $0xC4, v32;
	[tilespmem:$0x710] =	vst v39  }
0x96: {  	v44 =	vld [tilespmem:$0x780];
	v43 =	vadd.s32 $0xC4, v34;
	[tilespmem:$0x720] =	vst v41  }
0x97: {  	v46 =	vld [tilespmem:$0x790];
	v45 =	vadd.s32 $0xC4, v36;
	[tilespmem:$0x730] =	vst v43  }
0x98: {  	v48 =	vld [tilespmem:$0x7A0];
	v47 =	vadd.s32 $0xC4, v38;
	[tilespmem:$0x740] =	vst v45  }
0x99: {  	v50 =	vld [tilespmem:$0x7B0];
	v49 =	vadd.s32 $0xC4, v40;
	[tilespmem:$0x750] =	vst v47  }
0x9a: {  	v52 =	vld [tilespmem:$0x7C0];
	v51 =	vadd.s32 $0xC4, v42;
	[tilespmem:$0x760] =	vst v49  }
0x9b: {  	v54 =	vld [tilespmem:$0x7D0];
	v53 =	vadd.s32 $0xC4, v44;
	[tilespmem:$0x770] =	vst v51  }
0x9c: {  	v56 =	vld [tilespmem:$0x7E0];
	v55 =	vadd.s32 $0xC4, v46;
	[tilespmem:$0x780] =	vst v53  }
0x9d: {  	v58 =	vld [tilespmem:$0x7F0];
	[tilespmem:$0x790] =	vst v55;
	v57 =	vadd.s32 $0xC4, v48  }
0x9e: {  	v59 =	vadd.s32 $0xC4, v50;
	[tilespmem:$0x7A0] =	vst v57  }
0x9f: {  	v60 =	vadd.s32 $0xC4, v52;
	[tilespmem:$0x7B0] =	vst v59  }
0xa0: {  	v61 =	vadd.s32 $0xC4, v54;
	[tilespmem:$0x7C0] =	vst v60  }
0xa1: {  	v62 =	vadd.s32 $0xC4, v56;
	[tilespmem:$0x7D0] =	vst v61  }
0xa2: {  	[tilespmem:$0x7E0] =	vst v62;
	v63 =	vadd.s32 $0xC4, v58  }
0xa3: {  	[tilespmem:$0x7F0] =	vst v63  }
0xa4: {  	[bflag:$0x0] =	sbarrier.arrive $0xFFFF  }
0xa5: {  	s31 =	rddreg [dreg:$0x12]  }
0xa6: {  	[tilespmem:s9], [sflag:$0x2] =	stream.indirect.gather [spmem:s1], $0x20, s2, s8, $0xb8;
	[tilespmem:$0x10998] =	vst v63  }
0xa7: {  	s0 =	rddreg [dreg:$0x13]  }
0xa8: {  	s30 =	rddreg [dreg:$0x14]  }
0xa9: {  	s11 =	rddreg [dreg:$0x16]  }
0xaa: {  	[tilespmem:s31], [sflag:$0x2] =	stream.indirect.gather [spmem:s1], $0x20, s8, s8, $0xb8;
	[tilespmem:$0x10998] =	vst v63  }
0xab: {  	s31 =	rddreg [dreg:$0x15]  }
0xac: {  	[tilespmem:s30], [sflag:$0x2] =	stream.indirect.gather [spmem:s1], $0x20, s0, s8, $0xb8;
	[tilespmem:$0x10998] =	vst v63  }
0xad: {  	s0 =	rddreg [dreg:$0x17]  }
0xae: {  	[tilespmem:s11], [sflag:$0x2] =	stream.indirect.gather [spmem:s1], $0x20, s31, s8, $0xb8;
	[tilespmem:$0x10998] =	vst v63  }
0xaf: {  	s30 =	rddreg [dreg:$0x19]  }
0xb0: {  	[tilespmem:s10], [sflag:$0x2] =	stream.indirect.gather [spmem:s1], $0x20, s4, s8, $0xb8;
	[tilespmem:$0x10998] =	vst v63  }
0xb1: {  	s11 =	rddreg [dreg:$0x18]  }
0xb2: {  	[tilespmem:s11], [sflag:$0x2] =	stream.indirect.gather [spmem:s1], $0x20, s0, s8, $0xb8;
	[tilespmem:$0x10998] =	vst v63  }
0xb3: {  	s31 =	rddreg [dreg:$0x1a]  }
0xb4: {  	[tilespmem:s31], [sflag:$0x2] =	stream.indirect.gather [spmem:s1], $0x20, s30, s8, $0xb8;
	[tilespmem:$0x10998] =	vst v63  }
0xb5: {  	s11 =	rddreg [dreg:$0x1b];
	s30 =	simm.s32 $0x7800  }
0xb6: {  	[tilespmem:s30], [sflag:$0x2] =	stream.indirect.gather [spmem:s1], $0x20, s11, s8, $0xb8;
	[tilespmem:$0x10998] =	vst v63  }
0xb7: {  	_ = 	snop  }
0xb8: {  	[tilespmem:s12], [sflag:$0x2] =	stream.indirect.gather [spmem:s1], $0x20, s5, s8, $0xb8;
	[tilespmem:$0x10998] =	vst v63  }
0xb9: {  	_ = 	snop  }
0xba: {  	[tilespmem:s14], [sflag:$0x2] =	stream.indirect.gather [spmem:s1], $0x20, s13, s8, $0xb8;
	[tilespmem:$0x10998] =	vst v63  }
0xbb: {  	_ = 	snop  }
0xbc: {  	[tilespmem:s16], [sflag:$0x2] =	stream.indirect.gather [spmem:s1], $0x20, s15, s8, $0xb8;
	[tilespmem:$0x10998] =	vst v63  }
0xbd: {  	_ = 	snop  }
0xbe: {  	[tilespmem:s18], [sflag:$0x2] =	stream.indirect.gather [spmem:s1], $0x20, s17, s8, $0xb8;
	[tilespmem:$0x10998] =	vst v63  }
0xbf: {  	_ = 	snop  }
0xc0: {  	[tilespmem:s19], [sflag:$0x2] =	stream.indirect.gather [spmem:s1], $0x20, s6, s8, $0xb8;
	[tilespmem:$0x10998] =	vst v63  }
0xc1: {  	_ = 	snop  }
0xc2: {  	[tilespmem:s21], [sflag:$0x2] =	stream.indirect.gather [spmem:s1], $0x20, s20, s8, $0xb8;
	[tilespmem:$0x10998] =	vst v63  }
0xc3: {  	_ = 	snop  }
0xc4: {  	[tilespmem:s23], [sflag:$0x2] =	stream.indirect.gather [spmem:s1], $0x20, s22, s8, $0xb8;
	[tilespmem:$0x10998] =	vst v63  }
0xc5: {  	_ = 	snop  }
0xc6: {  	[tilespmem:s25], [sflag:$0x2] =	stream.indirect.gather [spmem:s1], $0x20, s24, s8, $0xb8;
	[tilespmem:$0x10998] =	vst v63  }
0xc7: {  	_ =	swait.ge [sflag:s26], $0x1000  }
0xc8: {  	[sflag:s26] =	ssyncset.done $0x0  }
0xc9: {  	[sflag:s26] =	ssyncadd.s32 $0xFFFFF000  }
0xca: {  	_ =	swait.ge [sflag:s26], $0x1000  }
0xcb: {  	[sflag:s26] =	ssyncset.done $0x0  }
0xcc: {  	[sflag:s26] =	ssyncadd.s32 $0xFFFFF000  }
0xcd: {  	_ =	swait.ge [sflag:s26], $0x1000  }
0xce: {  	[sflag:s26] =	ssyncset.done $0x0  }
0xcf: {  	[sflag:s26] =	ssyncadd.s32 $0xFFFFF000  }
0xd0: {  	_ =	swait.ge [sflag:s26], $0x1000  }
0xd1: {  	[sflag:s26] =	ssyncset.done $0x0  }
0xd2: {  	s31 =	rddreg [dreg:$0xd];
	[sflag:s26] =	ssyncadd.s32 $0xFFFFF000  }
0xd3: {  	[hbm4b:s31+s28] =	stream.strided.scatter [tilespmem:s9], [sflag:$0x3], $0x4000, s8, s28, $0x38;
	[tilespmem:$0x10998] =	vst v63  }
0xd4: {  	_ =	swait.ge [sflag:s26], $0x1000  }
0xd5: {  	[sflag:s26] =	ssyncset.done $0x0  }
0xd6: {  	[sflag:s26] =	ssyncadd.s32 $0xFFFFF000  }
0xd7: {  	_ =	swait.ge [sflag:s26], $0x1000  }
0xd8: {  	[sflag:s26] =	ssyncset.done $0x0  }
0xd9: {  	[sflag:s26] =	ssyncadd.s32 $0xFFFFF000  }
0xda: {  	_ =	swait.ge [sflag:s26], $0x1000  }
0xdb: {  	[sflag:s26] =	ssyncset.done $0x0  }
0xdc: {  	[sflag:s26] =	ssyncadd.s32 $0xFFFFF000  }
0xdd: {  	_ =	swait.ge [sflag:s26], $0x1000  }
0xde: {  	[sflag:s26] =	ssyncset.done $0x0  }
0xdf: {  	s11 =	rddreg [dreg:$0xe];
	[sflag:s26] =	ssyncadd.s32 $0xFFFFF000  }
0xe0: {  	[hbm4b:s11+s28] =	stream.strided.scatter [tilespmem:s10], [sflag:$0x3], $0x4000, s8, s28, $0x38;
	[tilespmem:$0x10998] =	vst v63  }
0xe1: {  	_ =	swait.ge [sflag:s26], $0x1000  }
0xe2: {  	[sflag:s26] =	ssyncset.done $0x0  }
0xe3: {  	[sflag:s26] =	ssyncadd.s32 $0xFFFFF000  }
0xe4: {  	_ =	swait.ge [sflag:s26], $0x1000  }
0xe5: {  	[sflag:s26] =	ssyncset.done $0x0  }
0xe6: {  	[sflag:s26] =	ssyncadd.s32 $0xFFFFF000  }
0xe7: {  	_ =	swait.ge [sflag:s26], $0x1000  }
0xe8: {  	[sflag:s26] =	ssyncset.done $0x0  }
0xe9: {  	[sflag:s26] =	ssyncadd.s32 $0xFFFFF000  }
0xea: {  	_ =	swait.ge [sflag:s26], $0x1000  }
0xeb: {  	[sflag:s26] =	ssyncset.done $0x0  }
0xec: {  	s30 =	rddreg [dreg:$0xf];
	[sflag:s26] =	ssyncadd.s32 $0xFFFFF000  }
0xed: {  	[hbm4b:s30+s28] =	stream.strided.scatter [tilespmem:s12], [sflag:$0x3], $0x4000, s8, s28, $0x38;
	[tilespmem:$0x10998] =	vst v63  }
0xee: {  	_ =	swait.ge [sflag:s26], $0x1000  }
0xef: {  	[sflag:s26] =	ssyncset.done $0x0  }
0xf0: {  	[sflag:s26] =	ssyncadd.s32 $0xFFFFF000  }
0xf1: {  	_ =	swait.ge [sflag:s26], $0x1000  }
0xf2: {  	[sflag:s26] =	ssyncset.done $0x0  }
0xf3: {  	[sflag:s26] =	ssyncadd.s32 $0xFFFFF000  }
0xf4: {  	_ =	swait.ge [sflag:s26], $0x1000  }
0xf5: {  	[sflag:s26] =	ssyncset.done $0x0  }
0xf6: {  	[sflag:s26] =	ssyncadd.s32 $0xFFFFF000  }
0xf7: {  	_ =	swait.ge [sflag:s26], $0x1000  }
0xf8: {  	[sflag:s26] =	ssyncset.done $0x0  }
0xf9: {  	s31 =	rddreg [dreg:$0x10];
	[sflag:s26] =	ssyncadd.s32 $0xFFFFF000  }
0xfa: {  	[hbm4b:s31+s28] =	stream.strided.scatter [tilespmem:s19], [sflag:$0x3], $0x4000, s8, s28, $0x38;
	[tilespmem:$0x10998] =	vst v63  }
0xfb: {  	_ =	swait.ge [sflag:s29], $0x4000  }
0xfc: {  	[sflag:s29] =	ssyncset.done $0x0  }
0xfd: {  	[sflag:s29] =	ssyncadd.s32 $0xFFFFC000  }
0xfe: {  	_ =	swait.ge [sflag:s29], $0x4000  }
0xff: {  	[sflag:s29] =	ssyncset.done $0x0  }
0x100: {  	s3 =	sadd.s32 $0xFFFFFFFF, s3;
	[sflag:s29] =	ssyncadd.s32 $0xFFFFC000  }
0x101: {  	p1 =	sne.s32 s3, $0x0;
	_ =	swait.ge [sflag:s29], $0x4000  }
.Ltmp0:
0x102: {  	[sflag:s29] =	ssyncset.done $0x0;
	(pc) =	sbr.rel @p1 .LBB2_1-.Ltmp0, $4  }
0x103: {  	[sflag:s29] =	ssyncadd.s32 $0xFFFFC000  }
0x104: {  	_ =	swait.ge [sflag:s29], $0x4000  }
0x105: {  	[sflag:s29] =	ssyncset.done $0x0  }
0x106: {  	[sflag:s29] =	ssyncadd.s32 $0xFFFFC000  }
0x107: {  	_ =	sfence.sel $0x180000  }
0x108: {  	[bflag:$0x0] =	sbarrier.arrive $0xFFFF  }
0x109: {  	_ =	strace $0x90000047  }
0x10a: {  	[bflag:$0x2] =	sbarrier.arrive $0xFFFF  }
0x10b: {  	s0 =	rddreg [dreg:$0x7]  }
0x10c: {  	s0 =	sadd.s32 @!p0 $0x100000, s0  }
0x10d: {  	[sflag:s0] =	ssyncadd.tile.s32 @!p0 $0x1;
	_ =	shalt  }
.Lfunc_end2:
_tile_overlayer_lowered:
.L_overlay_start_2:
0x10e: {  	(tag) =	ssettag $0x2  }
0x10f: {  	s0 =	rddreg [dreg:$0x0];
	s2 =	stileid.u32  }
0x110: {  	s1 =	rddreg [dreg:$0x1];
	p0 =	sne.s32 s2, $0x0  }
0x111: {  	s3 =	rddreg [dreg:$0x2];
	[bflag:$0x3] =	sbarrier.arrive $0xFFFF;
	s2 =	simm.s32 @!p0 $0x1C04  }
0x112: {  	[timem:s3], [sflag:s2] =	dma.local @!p0 [hbm:s0], s1  }
0x113: {  	s0 =	simm.s32 @!p0 $0x4  }
0x114: {  	_ =	swait.ge @!p0 [sflag:s0], s1  }
0x115: {  	s1 =	ssub.s32 @!p0 $0x0, s1;
	[sflag:s0] =	ssyncset.done @!p0 $0x0  }
0x116: {  	[sflag:s0] =	ssyncadd.s32 @!p0 s1  }
0x117: {  	[bflag:$0x3] =	sbarrier.arrive $0xFFFF  }
0x118: {  	_ =	shalt  }

</sc_bundles>
